<compile_context>
chip_gen: v7x
topology: tpu7x:2x2x1
jax: 0.10.2.dev20260603
libtpu: 0.0.44.dev20260713+nightly
codegen_flags: <defaults>
</compile_context>

<pallas_src>
import functools

import jax
import jax.numpy as jnp
from jax import lax
from jax.experimental import pallas as pl
from jax.experimental.pallas import tpu as pltpu
from jax.experimental.pallas import tpu_sc as plsc

N_H = 128
N_G = 128
N_X = 16
N_U = 16
NB_EDGE = 2048
NB_NODE = 512


def _leaky(x):
    return jnp.where(x >= 0, x, 0.1 * x)



_GATH_K = 400


def _gather_body(tgt_ref, xg_ref, g_ref,
                 idx0, idx1, rows0, rows1, gsem0, gsem1, osem0, osem1):
    E = tgt_ref.shape[0]
    cid = lax.axis_index("c")
    sid = lax.axis_index("s")
    wid = sid * 2 + cid
    n_slots = E // _GATH_K // 32
    bufs = ((idx0, rows0, gsem0, osem0), (idx1, rows1, gsem1, osem1))

    def slot(j):
        return pl.ds((j * 32 + wid) * _GATH_K, _GATH_K)

    def load_and_gather(j, b):
        idx_v, rows_v, gsem, _ = bufs[b]
        pltpu.sync_copy(tgt_ref.at[slot(j)], idx_v)
        pltpu.async_copy(xg_ref.at[idx_v], rows_v, gsem)

    def wait_gather(b):
        idx_v, rows_v, gsem, _ = bufs[b]
        pltpu.make_async_copy(xg_ref.at[idx_v], rows_v, gsem).wait()

    def writeback(j, b):
        rows_v, osem = bufs[b][1], bufs[b][3]
        pltpu.async_copy(rows_v, g_ref.at[slot(j)], osem)

    def wait_writeback(b):
        rows_v, osem = bufs[b][1], bufs[b][3]
        pltpu.make_async_copy(rows_v, g_ref.at[pl.ds(0, _GATH_K)],
                              osem).wait()

    load_and_gather(0, 0)

    def pair(j2, carry):
        for b in (0, 1):
            j = 2 * j2 + b

            @pl.when(j < n_slots)
            def _():
                wait_gather(b)
                writeback(j, b)

                @pl.when(j + 1 < n_slots)
                def _():
                    @pl.when(j >= 1)
                    def _():
                        wait_writeback(1 - b)

                    load_and_gather(j + 1, 1 - b)

        return carry

    lax.fori_loop(0, (n_slots + 1) // 2, pair, 0)
    wait_writeback((n_slots - 1) % 2)
    if n_slots > 1:
        wait_writeback((n_slots - 2) % 2)


def _run_gather(x_g, tgt):
    E = tgt.shape[0]
    assert E % (_GATH_K * 32) == 0
    mesh = plsc.VectorSubcoreMesh(core_axis_name="c", subcore_axis_name="s")
    f = pl.kernel(
        _gather_body,
        out_type=jax.ShapeDtypeStruct((E, N_G), jnp.float32),
        mesh=mesh,
        scratch_types=[
            pltpu.VMEM((_GATH_K,), jnp.int32),
            pltpu.VMEM((_GATH_K,), jnp.int32),
            pltpu.VMEM((_GATH_K, N_G), jnp.float32),
            pltpu.VMEM((_GATH_K, N_G), jnp.float32),
            pltpu.SemaphoreType.DMA,
            pltpu.SemaphoreType.DMA,
            pltpu.SemaphoreType.DMA,
            pltpu.SemaphoreType.DMA,
        ],
    )
    return f(tgt, x_g)



def _mlp1_body(g_ref, e_ref, w1a_ref, b1a_ref, w1b_ref, b1b_ref,
               m1_ref, tl_ref):
    x = jnp.concatenate([g_ref[...], e_ref[...]], axis=1)
    h = _leaky(jnp.dot(x, w1a_ref[...], preferred_element_type=jnp.float32)
               + b1a_ref[...])
    out = (jnp.dot(h, w1b_ref[...], preferred_element_type=jnp.float32)
           + b1b_ref[...])
    nb = out.shape[0]
    ot = out[:, 128:]
    o2t = ot * ot
    m1_ref[...] = out[:, :128]
    tl_ref[...] = jnp.concatenate(
        [ot, o2t, o2t * ot, o2t * o2t,
         jnp.ones((nb, 1), jnp.float32),
         jnp.zeros((nb, 63), jnp.float32)], axis=1)


def _run_mlp1(G, edge_attr, W1a, b1a, W1b, b1b):
    E = G.shape[0]
    D1 = W1a.shape[0]
    grid = (pl.cdiv(E, NB_EDGE),)
    out_sds = jax.ShapeDtypeStruct((E, 128), jnp.float32)
    blk_e = pl.BlockSpec((NB_EDGE, 128), lambda i: (i, 0))
    full = lambda s: pl.BlockSpec(s, lambda i: tuple(0 for _ in s))
    return pl.pallas_call(
        _mlp1_body,
        grid=grid,
        in_specs=[
            pl.BlockSpec((NB_EDGE, N_G), lambda i: (i, 0)),
            pl.BlockSpec((NB_EDGE, N_X), lambda i: (i, 0)),
            full(W1a.shape),
            full((1, D1)),
            full(W1b.shape),
            full((1, D1)),
        ],
        out_specs=[blk_e] * 2,
        out_shape=[out_sds] * 2,
    )(G, edge_attr, W1a, b1a.reshape(1, D1), W1b, b1b.reshape(1, D1))



def _fin_body(xh_ref, s1_ref, s2_ref, s3_ref, s4_ref, t0_ref, t1_ref,
              bh_ref,
              u_ref, w2h_ref, w2n_ref, w2a_ref, w2b_ref, w2c_ref, w2d_ref,
              w2u_ref, b2a_ref, w2bb_ref, b2b_ref, out_ref):
    t = t0_ref[...] + t1_ref[...]
    n = t[:, 64:65]
    inv = 1.0 / jnp.maximum(n, 1.0)
    cat = lambda s, lo: jnp.concatenate([s, t[:, lo:lo + 16]], axis=1)
    a = cat(s1_ref[...], 0) * inv
    m2 = cat(s2_ref[...], 16) * inv
    m3 = cat(s3_ref[...], 32) * inv
    m4 = cat(s4_ref[...], 48) * inv
    a2 = a * a
    v = 1e-6 + jnp.maximum(m2 - a2, 0.0)
    b = jnp.sqrt(v)
    c = (m3 - 3.0 * a * m2 + 2.0 * a * a2) / (v * b)
    d = (m4 - 4.0 * a * m3 + 6.0 * a2 * m2 - 3.0 * a2 * a2) / (v * v)
    bh = bh_ref[...]
    oh = (bh == lax.broadcasted_iota(jnp.int32, (bh.shape[0], 8), 1)
          ).astype(jnp.float32)
    ub = jnp.dot(oh, u_ref[...], preferred_element_type=jnp.float32)
    dot = lambda x, w: jnp.dot(x, w, preferred_element_type=jnp.float32)
    h = (dot(xh_ref[...], w2h_ref[...]) + n * w2n_ref[...]
         + dot(a, w2a_ref[...]) + dot(b, w2b_ref[...])
         + dot(c, w2c_ref[...]) + dot(d, w2d_ref[...])
         + dot(ub, w2u_ref[...]) + b2a_ref[...])
    h = _leaky(h)
    out_ref[...] = dot(h, w2bb_ref[...]) + b2b_ref[...]


def _run_finalize(x_h, S1, S2, S3, S4, T0, T1, batch_h, u,
                  W2a, b2a, W2b, b2b, D1):
    N = x_h.shape[0]
    grid = (pl.cdiv(N, NB_NODE),)
    blk = lambda w: pl.BlockSpec((NB_NODE, w), lambda i: (i, 0))
    full = lambda s: pl.BlockSpec(s, lambda i: tuple(0 for _ in s))
    o = 0
    W2h = W2a[o:o + N_H]; o += N_H
    W2n = W2a[o:o + 1]; o += 1
    W2aa = W2a[o:o + D1]; o += D1
    W2ab = W2a[o:o + D1]; o += D1
    W2ac = W2a[o:o + D1]; o += D1
    W2ad = W2a[o:o + D1]; o += D1
    W2u = W2a[o:o + N_U]
    return pl.pallas_call(
        _fin_body,
        grid=grid,
        in_specs=[
            blk(N_H), blk(128), blk(128), blk(128), blk(128), blk(128),
            blk(128),
            pl.BlockSpec((NB_NODE, 1), lambda i: (i, 0)),
            full(u.shape), full(W2h.shape), full(W2n.shape),
            full(W2aa.shape), full(W2ab.shape), full(W2ac.shape),
            full(W2ad.shape), full(W2u.shape), full((1, N_H)),
            full(W2b.shape), full((1, N_H)),
        ],
        out_specs=blk(N_H),
        out_shape=jax.ShapeDtypeStruct((N, N_H), jnp.float32),
    )(x_h, S1, S2, S3, S4, T0, T1, batch_h.reshape(N, 1), u,
      W2h, W2n, W2aa, W2ab, W2ac, W2ad, W2u, b2a.reshape(1, N_H),
      W2b, b2b.reshape(1, N_H))



_SCAT_K = 160


def _scatter_body(src_ref, m1_ref, tl_ref,
                  z128_ref,
                  s1_ref, s2_ref, s3_ref, s4_ref, t0_ref, t1_ref,
                  acc, idx0, idx1, rows0, rows1, sem0, sem1, ssem0, ssem1):
    E = m1_ref.shape[0]
    Np = s1_ref.shape[0]
    n_tiles = 16
    n_chunks = E // _SCAT_K
    per_tile = n_chunks // n_tiles
    rows_per_tile = Np // n_tiles
    cid = lax.axis_index("c")
    sid = lax.axis_index("s")
    node_sl = pl.ds(sid * rows_per_tile, rows_per_tile)
    bufs = ((idx0, rows0, sem0, ssem0), (idx1, rows1, sem1, ssem1))

    def do_pass(m_ref, out_ref, stride, par, nch, power=1):
        pltpu.sync_copy(z128_ref, acc.at[node_sl, :])
        plsc.subcore_barrier()

        def issue(i, b):
            g = (i * stride + par) * n_tiles + sid
            esl = pl.ds(g * _SCAT_K, _SCAT_K)
            pltpu.async_copy(src_ref.at[esl], bufs[b][0], bufs[b][2])
            pltpu.async_copy(m_ref.at[esl, :], bufs[b][1], bufs[b][2])

        def wait_scat(b):
            idx_v, rows_v, _, ssem = bufs[b]
            pltpu.make_async_copy(rows_v, acc.at[idx_v], ssem).wait()

        def drain(b):
            idx_v, rows_v, sem, ssem = bufs[b]
            pltpu.make_async_copy(src_ref.at[pl.ds(0, _SCAT_K)], idx_v,
                                  sem).wait()
            pltpu.make_async_copy(m_ref.at[pl.ds(0, _SCAT_K), :], rows_v,
                                  sem).wait()
            if power > 1:
                def prow(j, carry):
                    for f in range(8):
                        sl = pl.ds(f * 16, 16)
                        v = rows_v[j, sl]
                        v2 = v * v
                        if power == 2:
                            rows_v[j, sl] = v2
                        elif power == 3:
                            rows_v[j, sl] = v2 * v
                        else:
                            rows_v[j, sl] = v2 * v2
                    return carry

                lax.fori_loop(0, _SCAT_K, prow, 0)
            pltpu.async_copy(rows_v, acc.at[idx_v], bufs[b][3], add=True)

        issue(0, 0)

        def pair(i2, carry):
            for b in (0, 1):
                i = 2 * i2 + b

                @pl.when(i < nch)
                def _():
                    @pl.when(i + 1 < nch)
                    def _():
                        @pl.when(i >= 1)
                        def _():
                            wait_scat(1 - b)

                        issue(i + 1, 1 - b)

                    drain(b)

            return carry

        lax.fori_loop(0, (nch + 1) // 2, pair, 0)
        wait_scat((nch - 1) % 2)
        if nch > 1:
            wait_scat((nch - 2) % 2)
        plsc.subcore_barrier()
        pltpu.sync_copy(acc.at[node_sl, :], out_ref.at[node_sl, :])

    @pl.when(cid == 0)
    def _():
        do_pass(m1_ref, s1_ref, 1, 0, per_tile, power=1)
        do_pass(m1_ref, s2_ref, 1, 0, per_tile, power=2)
        do_pass(tl_ref, t0_ref, 2, 0, (per_tile + 1) // 2)

    @pl.when(cid == 1)
    def _():
        do_pass(m1_ref, s3_ref, 1, 0, per_tile, power=3)
        do_pass(m1_ref, s4_ref, 1, 0, per_tile, power=4)
        do_pass(tl_ref, t1_ref, 2, 1, per_tile // 2)


def _run_scatter(src, m1, tails, Nn):
    E = src.shape[0]
    assert E % _SCAT_K == 0
    Np = ((Nn + 127) // 128) * 128
    rows_per_tile = Np // 16
    z128 = jnp.zeros((rows_per_tile, 128), jnp.float32)
    mesh = plsc.VectorSubcoreMesh(core_axis_name="c", subcore_axis_name="s")
    f = pl.kernel(
        _scatter_body,
        out_type=[jax.ShapeDtypeStruct((Np, 128), jnp.float32)] * 6,
        mesh=mesh,
        scratch_types=[
            pltpu.VMEM_SHARED((Np, 128), jnp.float32),
            pltpu.VMEM((_SCAT_K,), jnp.int32),
            pltpu.VMEM((_SCAT_K,), jnp.int32),
            pltpu.VMEM((_SCAT_K, 128), jnp.float32),
            pltpu.VMEM((_SCAT_K, 128), jnp.float32),
            pltpu.SemaphoreType.DMA,
            pltpu.SemaphoreType.DMA,
            pltpu.SemaphoreType.DMA,
            pltpu.SemaphoreType.DMA,
        ],
    )
    return f(src, m1, tails, z128)



def kernel(x_h, x_g, edge_index, edge_attr, u, batch_h,
           W1a, b1a, W1b, b1b, W2a, b2a, W2b, b2b):
    src = edge_index[0]
    tgt = edge_index[1]
    Nn = x_h.shape[0]

    G = _run_gather(x_g, tgt)
    m1, tails = _run_mlp1(G, edge_attr, W1a, b1a, W1b, b1b)

    S1, S2, S3, S4, T0, T1 = _run_scatter(src, m1, tails, Nn)

    return _run_finalize(x_h, S1, S2, S3, S4, T0, T1, batch_h, u,
                         W2a, b2a, W2b, b2b, W1a.shape[0])

# --- scband reference (transcript-rebuilt; emitter-appended) ---
"""Pipeline reference for scband-hmodel-31748398252728 (READ-ONLY COPY).

The authoritative reference and input builder live on the scoring server;
editing this copy changes nothing except your own understanding.
"""

import jax, jax.numpy as jnp
import numpy as np

N_NODES = 10000
E = 320000
N_G = 128
N_X = 16
N_H = 128
N_U = 16
B = 8
D1 = N_X + N_G      # 144
D2 = N_H + 4 * D1 + 1 + N_U  # 721


def _mlp(x, Wa, ba, Wb, bb):
    h = x @ Wa + ba
    h = jnp.where(h >= 0, h, 0.1 * h)  # LeakyReLU(0.1)
    return h @ Wb + bb


def setup_inputs(seed: int = 0) -> dict:
    key = jax.random.key(seed)
    ks = jax.random.split(key, 16)
    x_h = jax.random.normal(ks[0], (N_NODES, N_H), dtype=jnp.float32)
    x_g = jax.random.normal(ks[1], (N_NODES, N_G), dtype=jnp.float32)
    edge_index = jax.random.randint(ks[2], (2, E), 0, N_NODES, dtype=jnp.int32)
    edge_attr = jax.random.normal(ks[3], (E, N_X), dtype=jnp.float32)
    u = jax.random.normal(ks[4], (B, N_U), dtype=jnp.float32)
    batch_h = jnp.sort(jax.random.randint(ks[5], (N_NODES,), 0, B, dtype=jnp.int32))
    W1a = jax.random.normal(ks[6], (D1, D1), dtype=jnp.float32) * 0.05
    b1a = jnp.zeros((D1,), dtype=jnp.float32)
    W1b = jax.random.normal(ks[7], (D1, D1), dtype=jnp.float32) * 0.05
    b1b = jnp.zeros((D1,), dtype=jnp.float32)
    W2a = jax.random.normal(ks[8], (D2, N_H), dtype=jnp.float32) * 0.03
    b2a = jnp.zeros((N_H,), dtype=jnp.float32)
    W2b = jax.random.normal(ks[9], (N_H, N_H), dtype=jnp.float32) * 0.05
    b2b = jnp.zeros((N_H,), dtype=jnp.float32)
    return {"x_h": x_h, "x_g": x_g, "edge_index": edge_index, "edge_attr": edge_attr,
            "u": u, "batch_h": batch_h,
            "W1a": W1a, "b1a": b1a, "W1b": W1b, "b1b": b1b,
            "W2a": W2a, "b2a": b2a, "W2b": W2b, "b2b": b2b}


def reference(x_h, x_g, edge_index, edge_attr, u, batch_h,
              W1a, b1a, W1b, b1b, W2a, b2a, W2b, b2b):
    src = edge_index[0]
    tgt = edge_index[1]
    out = jnp.concatenate([x_g[tgt], edge_attr], axis=1)
    out = _mlp(out, W1a, b1a, W1b, b1b)
    Nn = x_h.shape[0]
    ones = jnp.ones((out.shape[0], 1), dtype=jnp.float32)
    n = jax.ops.segment_sum(ones, src, num_segments=Nn)
    denom = jnp.maximum(n, 1.0)  # torch_scatter mean semantics (count clamped to 1)
    a = jax.ops.segment_sum(out, src, num_segments=Nn) / denom
    m2 = jax.ops.segment_sum(out ** 2, src, num_segments=Nn) / denom
    b = jnp.sqrt(1e-06 + jax.nn.relu(m2 - a ** 2))
    diff = out - a[src]
    c = (jax.ops.segment_sum(diff ** 3, src, num_segments=Nn) / denom) / (b ** 3)
    d = (jax.ops.segment_sum(diff ** 4, src, num_segments=Nn) / denom) / (b ** 4)
    feat = jnp.concatenate([x_h, n, a, b, c, d, u[batch_h]], axis=1)
    return _mlp(feat, W2a, b2a, W2b, b2b)

if __name__ == "__main__":
    import jax
    _d = setup_inputs()
    print(jax.jit(kernel)(*tuple(_d.values())))

</pallas_src>

<mosaic_0001>
#map = affine_map<(d0, d1) -> (0)>
#map1 = affine_map<(d0, d1) -> (0, 0)>
module attributes {stable_mosaic.version = 14 : i64} {
  func.func @_gather_body(%arg0: i32, %arg1: i32, %arg2: memref<320000xi32, #tpu.memory_space<hbm>>, %arg3: memref<10000x128xf32, #tpu.memory_space<hbm>>, %arg4: memref<320000x128xf32, #tpu.memory_space<hbm>>, %arg5: memref<400xi32, #tpu.memory_space<vmem>>, %arg6: memref<400xi32, #tpu.memory_space<vmem>>, %arg7: memref<400x128xf32, #tpu.memory_space<vmem>>, %arg8: memref<400x128xf32, #tpu.memory_space<vmem>>, %arg9: memref<!tpu.dma_semaphore, #tpu.memory_space<semaphore_mem>>, %arg10: memref<!tpu.dma_semaphore, #tpu.memory_space<semaphore_mem>>, %arg11: memref<!tpu.dma_semaphore, #tpu.memory_space<semaphore_mem>>, %arg12: memref<!tpu.dma_semaphore, #tpu.memory_space<semaphore_mem>>) attributes {dimension_semantics = [#tpu.dimension_semantics<core_parallel>, #tpu.dimension_semantics<subcore_parallel>], iteration_bounds = array<i64: 2, 16>, scalar_prefetch = 0 : i64, scratch_operands = 8 : i64, tpu.core_type = #tpu.core_type<sc_vector_subcore>, window_params = [{transform_indices = #map}, {transform_indices = #map1}, {transform_indices = #map1}]} {
    %mul3A = arith.constant 2 : i32
    %mul3A_0 = arith.muli %arg1, %mul3A : i32
    %add3A = arith.addi %mul3A_0, %arg0 : i32
    %add3A_1 = arith.constant 0 : i32
    %add3A_2 = arith.addi %add3A_1, %add3A : i32
    %mul3A_3 = arith.constant 400 : i32
    %mul3A_4 = arith.muli %add3A_2, %mul3A_3 : i32
    "tpu.region"() ({
      %run_scoped3A = tpu.sem_alloc : memref<!tpu.dma_semaphore, #tpu.memory_space<semaphore_mem>>
      %dma_start3A_23 = tpu.memref_slice %arg2[%mul3A_4] : memref<320000xi32, #tpu.memory_space<hbm>> -> memref<400xi32, #tpu.memory_space<hbm>>
      %dma_start3A_24 = tpu.memref_slice %arg2[%mul3A_4] : memref<320000xi32, #tpu.memory_space<hbm>> -> memref<400xi32, #tpu.memory_space<hbm>>
      tpu.enqueue_dma source(%dma_start3A_24 : memref<400xi32, #tpu.memory_space<hbm>>) target(%arg5 : memref<400xi32, #tpu.memory_space<vmem>>) target_semaphore(%run_scoped3A : memref<!tpu.dma_semaphore, #tpu.memory_space<semaphore_mem>>)
      %dma_wait3A_25 = tpu.memref_slice %arg2[%mul3A_4] : memref<320000xi32, #tpu.memory_space<hbm>> -> memref<400xi32, #tpu.memory_space<hbm>>
      %dma_wait3A_26 = tpu.memref_slice %arg2[%mul3A_4] : memref<320000xi32, #tpu.memory_space<hbm>> -> memref<400xi32, #tpu.memory_space<hbm>>
      tpu.wait_dma2 semaphore(%run_scoped3A : memref<!tpu.dma_semaphore, #tpu.memory_space<semaphore_mem>>) src(%dma_wait3A_26 : memref<400xi32, #tpu.memory_space<hbm>>) dst(%arg5 : memref<400xi32, #tpu.memory_space<vmem>>)
      tpu.yield
    }) : () -> ()
    %dma_start3A = arith.constant 0 : i32
    %dma_start3A_5 = arith.constant 0 : i32
    %dma_start3A_6 = tpu.memref_slice %arg3[%dma_start3A, %dma_start3A_5] : memref<10000x128xf32, #tpu.memory_space<hbm>> -> memref<10000x128xf32, #tpu.memory_space<hbm>>
    tpu.enqueue_indirect_dma source(%dma_start3A_6 : memref<10000x128xf32, #tpu.memory_space<hbm>>) target(%arg7 : memref<400x128xf32, #tpu.memory_space<vmem>>) offsets(%arg5 : memref<400xi32, #tpu.memory_space<vmem>>) semaphore(%arg9 : memref<!tpu.dma_semaphore, #tpu.memory_space<semaphore_mem>>)
    %scan3A = arith.constant 0 : i32
    %scan3A_7 = arith.constant 0 : i32
    %scan3A_8 = arith.constant 13 : i32
    %scan3A_9 = arith.addi %scan3A_7, %scan3A_8 : i32
    %scan3A_10 = arith.constant 1 : i32
    scf.for %scan3A_23 = %scan3A_7 to %scan3A_9 step %scan3A_10  : i32 {
      %mul3A_24 = arith.constant 2 : i32
      %mul3A_25 = arith.muli %mul3A_24, %scan3A_23 : i32
      %add3A_26 = arith.constant 0 : i32
      %add3A_27 = arith.addi %mul3A_25, %add3A_26 : i32
      %lt3A = arith.constant 25 : i32
      %lt3A_28 = arith.cmpi slt, %add3A_27, %lt3A : i32
      %convert_element_type3A = arith.extui %lt3A_28 : i1 to i32
      %cond3A = arith.constant 0 : i32
      %cond3A_29 = arith.cmpi ne, %convert_element_type3A, %cond3A : i32
      scf.if %cond3A_29 {
        %dma_wait3A_39 = arith.constant 0 : i32
        %dma_wait3A_40 = arith.constant 0 : i32
        %dma_wait3A_41 = tpu.memref_slice %arg3[%dma_wait3A_39, %dma_wait3A_40] : memref<10000x128xf32, #tpu.memory_space<hbm>> -> memref<10000x128xf32, #tpu.memory_space<hbm>>
        tpu.wait_indirect_dma semaphore(%arg9 : memref<!tpu.dma_semaphore, #tpu.memory_space<semaphore_mem>>) src(%dma_wait3A_41 : memref<10000x128xf32, #tpu.memory_space<hbm>>) dst(%arg7 : memref<400x128xf32, #tpu.memory_space<vmem>>)
        %mul3A_42 = arith.constant 32 : i32
        %mul3A_43 = arith.muli %add3A_27, %mul3A_42 : i32
        %add3A_44 = arith.addi %mul3A_43, %add3A : i32
        %mul3A_45 = arith.constant 400 : i32
        %mul3A_46 = arith.muli %add3A_44, %mul3A_45 : i32
        %dma_start3A_47 = arith.constant 0 : i32
        %dma_start3A_48 = tpu.memref_slice %arg4[%mul3A_46, %dma_start3A_47] : memref<320000x128xf32, #tpu.memory_space<hbm>> -> memref<400x128xf32, #tpu.memory_space<hbm>>
        %dma_start3A_49 = arith.constant 0 : i32
        %dma_start3A_50 = tpu.memref_slice %arg4[%mul3A_46, %dma_start3A_49] : memref<320000x128xf32, #tpu.memory_space<hbm>> -> memref<400x128xf32, #tpu.memory_space<hbm>>
        tpu.enqueue_dma source(%arg7 : memref<400x128xf32, #tpu.memory_space<vmem>>) target(%dma_start3A_50 : memref<400x128xf32, #tpu.memory_space<hbm>>) target_semaphore(%arg11 : memref<!tpu.dma_semaphore, #tpu.memory_space<semaphore_mem>>)
        %add3A_51 = arith.constant 1 : i32
        %add3A_52 = arith.addi %add3A_27, %add3A_51 : i32
        %lt3A_53 = arith.constant 25 : i32
        %lt3A_54 = arith.cmpi slt, %add3A_52, %lt3A_53 : i32
        %convert_element_type3A_55 = arith.extui %lt3A_54 : i1 to i32
        %cond3A_56 = arith.constant 0 : i32
        %cond3A_57 = arith.cmpi ne, %convert_element_type3A_55, %cond3A_56 : i32
        scf.if %cond3A_57 {
          %ge3A = arith.constant 1 : i32
          %ge3A_58 = arith.cmpi sge, %add3A_27, %ge3A : i32
          %convert_element_type3A_59 = arith.extui %ge3A_58 : i1 to i32
          %cond3A_60 = arith.constant 0 : i32
          %cond3A_61 = arith.cmpi ne, %convert_element_type3A_59, %cond3A_60 : i32
          scf.if %cond3A_61 {
            %dma_wait3A_72 = arith.constant 0 : i32
            %dma_wait3A_73 = arith.constant 0 : i32
            %dma_wait3A_74 = tpu.memref_slice %arg4[%dma_wait3A_72, %dma_wait3A_73] : memref<320000x128xf32, #tpu.memory_space<hbm>> -> memref<400x128xf32, #tpu.memory_space<hbm>>
            %dma_wait3A_75 = arith.constant 0 : i32
            %dma_wait3A_76 = arith.constant 0 : i32
            %dma_wait3A_77 = tpu.memref_slice %arg4[%dma_wait3A_75, %dma_wait3A_76] : memref<320000x128xf32, #tpu.memory_space<hbm>> -> memref<400x128xf32, #tpu.memory_space<hbm>>
            tpu.wait_dma2 semaphore(%arg12 : memref<!tpu.dma_semaphore, #tpu.memory_space<semaphore_mem>>) src(%arg8 : memref<400x128xf32, #tpu.memory_space<vmem>>) dst(%dma_wait3A_77 : memref<400x128xf32, #tpu.memory_space<hbm>>)
          } else {
          }
          %add3A_62 = arith.constant 1 : i32
          %add3A_63 = arith.addi %add3A_27, %add3A_62 : i32
          %mul3A_64 = arith.constant 32 : i32
          %mul3A_65 = arith.muli %add3A_63, %mul3A_64 : i32
          %add3A_66 = arith.addi %mul3A_65, %add3A : i32
          %mul3A_67 = arith.constant 400 : i32
          %mul3A_68 = arith.muli %add3A_66, %mul3A_67 : i32
          "tpu.region"() ({
            %run_scoped3A = tpu.sem_alloc : memref<!tpu.dma_semaphore, #tpu.memory_space<semaphore_mem>>
            %dma_start3A_72 = tpu.memref_slice %arg2[%mul3A_68] : memref<320000xi32, #tpu.memory_space<hbm>> -> memref<400xi32, #tpu.memory_space<hbm>>
            %dma_start3A_73 = tpu.memref_slice %arg2[%mul3A_68] : memref<320000xi32, #tpu.memory_space<hbm>> -> memref<400xi32, #tpu.memory_space<hbm>>
            tpu.enqueue_dma source(%dma_start3A_73 : memref<400xi32, #tpu.memory_space<hbm>>) target(%arg6 : memref<400xi32, #tpu.memory_space<vmem>>) target_semaphore(%run_scoped3A : memref<!tpu.dma_semaphore, #tpu.memory_space<semaphore_mem>>)
            %dma_wait3A_74 = tpu.memref_slice %arg2[%mul3A_68] : memref<320000xi32, #tpu.memory_space<hbm>> -> memref<400xi32, #tpu.memory_space<hbm>>
            %dma_wait3A_75 = tpu.memref_slice %arg2[%mul3A_68] : memref<320000xi32, #tpu.memory_space<hbm>> -> memref<400xi32, #tpu.memory_space<hbm>>
            tpu.wait_dma2 semaphore(%run_scoped3A : memref<!tpu.dma_semaphore, #tpu.memory_space<semaphore_mem>>) src(%dma_wait3A_75 : memref<400xi32, #tpu.memory_space<hbm>>) dst(%arg6 : memref<400xi32, #tpu.memory_space<vmem>>)
            tpu.yield
          }) : () -> ()
          %dma_start3A_69 = arith.constant 0 : i32
          %dma_start3A_70 = arith.constant 0 : i32
          %dma_start3A_71 = tpu.memref_slice %arg3[%dma_start3A_69, %dma_start3A_70] : memref<10000x128xf32, #tpu.memory_space<hbm>> -> memref<10000x128xf32, #tpu.memory_space<hbm>>
          tpu.enqueue_indirect_dma source(%dma_start3A_71 : memref<10000x128xf32, #tpu.memory_space<hbm>>) target(%arg8 : memref<400x128xf32, #tpu.memory_space<vmem>>) offsets(%arg6 : memref<400xi32, #tpu.memory_space<vmem>>) semaphore(%arg10 : memref<!tpu.dma_semaphore, #tpu.memory_space<semaphore_mem>>)
        } else {
        }
      } else {
      }
      %mul3A_30 = arith.constant 2 : i32
      %mul3A_31 = arith.muli %mul3A_30, %scan3A_23 : i32
      %add3A_32 = arith.constant 1 : i32
      %add3A_33 = arith.addi %mul3A_31, %add3A_32 : i32
      %lt3A_34 = arith.constant 25 : i32
      %lt3A_35 = arith.cmpi slt, %add3A_33, %lt3A_34 : i32
      %convert_element_type3A_36 = arith.extui %lt3A_35 : i1 to i32
      %cond3A_37 = arith.constant 0 : i32
      %cond3A_38 = arith.cmpi ne, %convert_element_type3A_36, %cond3A_37 : i32
      scf.if %cond3A_38 {
        %dma_wait3A_39 = arith.constant 0 : i32
        %dma_wait3A_40 = arith.constant 0 : i32
        %dma_wait3A_41 = tpu.memref_slice %arg3[%dma_wait3A_39, %dma_wait3A_40] : memref<10000x128xf32, #tpu.memory_space<hbm>> -> memref<10000x128xf32, #tpu.memory_space<hbm>>
        tpu.wait_indirect_dma semaphore(%arg10 : memref<!tpu.dma_semaphore, #tpu.memory_space<semaphore_mem>>) src(%dma_wait3A_41 : memref<10000x128xf32, #tpu.memory_space<hbm>>) dst(%arg8 : memref<400x128xf32, #tpu.memory_space<vmem>>)
        %mul3A_42 = arith.constant 32 : i32
        %mul3A_43 = arith.muli %add3A_33, %mul3A_42 : i32
        %add3A_44 = arith.addi %mul3A_43, %add3A : i32
        %mul3A_45 = arith.constant 400 : i32
        %mul3A_46 = arith.muli %add3A_44, %mul3A_45 : i32
        %dma_start3A_47 = arith.constant 0 : i32
        %dma_start3A_48 = tpu.memref_slice %arg4[%mul3A_46, %dma_start3A_47] : memref<320000x128xf32, #tpu.memory_space<hbm>> -> memref<400x128xf32, #tpu.memory_space<hbm>>
        %dma_start3A_49 = arith.constant 0 : i32
        %dma_start3A_50 = tpu.memref_slice %arg4[%mul3A_46, %dma_start3A_49] : memref<320000x128xf32, #tpu.memory_space<hbm>> -> memref<400x128xf32, #tpu.memory_space<hbm>>
        tpu.enqueue_dma source(%arg8 : memref<400x128xf32, #tpu.memory_space<vmem>>) target(%dma_start3A_50 : memref<400x128xf32, #tpu.memory_space<hbm>>) target_semaphore(%arg12 : memref<!tpu.dma_semaphore, #tpu.memory_space<semaphore_mem>>)
        %add3A_51 = arith.constant 1 : i32
        %add3A_52 = arith.addi %add3A_33, %add3A_51 : i32
        %lt3A_53 = arith.constant 25 : i32
        %lt3A_54 = arith.cmpi slt, %add3A_52, %lt3A_53 : i32
        %convert_element_type3A_55 = arith.extui %lt3A_54 : i1 to i32
        %cond3A_56 = arith.constant 0 : i32
        %cond3A_57 = arith.cmpi ne, %convert_element_type3A_55, %cond3A_56 : i32
        scf.if %cond3A_57 {
          %ge3A = arith.constant 1 : i32
          %ge3A_58 = arith.cmpi sge, %add3A_33, %ge3A : i32
          %convert_element_type3A_59 = arith.extui %ge3A_58 : i1 to i32
          %cond3A_60 = arith.constant 0 : i32
          %cond3A_61 = arith.cmpi ne, %convert_element_type3A_59, %cond3A_60 : i32
          scf.if %cond3A_61 {
            %dma_wait3A_72 = arith.constant 0 : i32
            %dma_wait3A_73 = arith.constant 0 : i32
            %dma_wait3A_74 = tpu.memref_slice %arg4[%dma_wait3A_72, %dma_wait3A_73] : memref<320000x128xf32, #tpu.memory_space<hbm>> -> memref<400x128xf32, #tpu.memory_space<hbm>>
            %dma_wait3A_75 = arith.constant 0 : i32
            %dma_wait3A_76 = arith.constant 0 : i32
            %dma_wait3A_77 = tpu.memref_slice %arg4[%dma_wait3A_75, %dma_wait3A_76] : memref<320000x128xf32, #tpu.memory_space<hbm>> -> memref<400x128xf32, #tpu.memory_space<hbm>>
            tpu.wait_dma2 semaphore(%arg11 : memref<!tpu.dma_semaphore, #tpu.memory_space<semaphore_mem>>) src(%arg7 : memref<400x128xf32, #tpu.memory_space<vmem>>) dst(%dma_wait3A_77 : memref<400x128xf32, #tpu.memory_space<hbm>>)
          } else {
          }
          %add3A_62 = arith.constant 1 : i32
          %add3A_63 = arith.addi %add3A_33, %add3A_62 : i32
          %mul3A_64 = arith.constant 32 : i32
          %mul3A_65 = arith.muli %add3A_63, %mul3A_64 : i32
          %add3A_66 = arith.addi %mul3A_65, %add3A : i32
          %mul3A_67 = arith.constant 400 : i32
          %mul3A_68 = arith.muli %add3A_66, %mul3A_67 : i32
          "tpu.region"() ({
            %run_scoped3A = tpu.sem_alloc : memref<!tpu.dma_semaphore, #tpu.memory_space<semaphore_mem>>
            %dma_start3A_72 = tpu.memref_slice %arg2[%mul3A_68] : memref<320000xi32, #tpu.memory_space<hbm>> -> memref<400xi32, #tpu.memory_space<hbm>>
            %dma_start3A_73 = tpu.memref_slice %arg2[%mul3A_68] : memref<320000xi32, #tpu.memory_space<hbm>> -> memref<400xi32, #tpu.memory_space<hbm>>
            tpu.enqueue_dma source(%dma_start3A_73 : memref<400xi32, #tpu.memory_space<hbm>>) target(%arg5 : memref<400xi32, #tpu.memory_space<vmem>>) target_semaphore(%run_scoped3A : memref<!tpu.dma_semaphore, #tpu.memory_space<semaphore_mem>>)
            %dma_wait3A_74 = tpu.memref_slice %arg2[%mul3A_68] : memref<320000xi32, #tpu.memory_space<hbm>> -> memref<400xi32, #tpu.memory_space<hbm>>
            %dma_wait3A_75 = tpu.memref_slice %arg2[%mul3A_68] : memref<320000xi32, #tpu.memory_space<hbm>> -> memref<400xi32, #tpu.memory_space<hbm>>
            tpu.wait_dma2 semaphore(%run_scoped3A : memref<!tpu.dma_semaphore, #tpu.memory_space<semaphore_mem>>) src(%dma_wait3A_75 : memref<400xi32, #tpu.memory_space<hbm>>) dst(%arg5 : memref<400xi32, #tpu.memory_space<vmem>>)
            tpu.yield
          }) : () -> ()
          %dma_start3A_69 = arith.constant 0 : i32
          %dma_start3A_70 = arith.constant 0 : i32
          %dma_start3A_71 = tpu.memref_slice %arg3[%dma_start3A_69, %dma_start3A_70] : memref<10000x128xf32, #tpu.memory_space<hbm>> -> memref<10000x128xf32, #tpu.memory_space<hbm>>
          tpu.enqueue_indirect_dma source(%dma_start3A_71 : memref<10000x128xf32, #tpu.memory_space<hbm>>) target(%arg7 : memref<400x128xf32, #tpu.memory_space<vmem>>) offsets(%arg5 : memref<400xi32, #tpu.memory_space<vmem>>) semaphore(%arg9 : memref<!tpu.dma_semaphore, #tpu.memory_space<semaphore_mem>>)
        } else {
        }
      } else {
      }
    }
    %scan3A_11 = arith.constant 13 : i32
    %dma_wait3A = arith.constant 0 : i32
    %dma_wait3A_12 = arith.constant 0 : i32
    %dma_wait3A_13 = tpu.memref_slice %arg4[%dma_wait3A, %dma_wait3A_12] : memref<320000x128xf32, #tpu.memory_space<hbm>> -> memref<400x128xf32, #tpu.memory_space<hbm>>
    %dma_wait3A_14 = arith.constant 0 : i32
    %dma_wait3A_15 = arith.constant 0 : i32
    %dma_wait3A_16 = tpu.memref_slice %arg4[%dma_wait3A_14, %dma_wait3A_15] : memref<320000x128xf32, #tpu.memory_space<hbm>> -> memref<400x128xf32, #tpu.memory_space<hbm>>
    tpu.wait_dma2 semaphore(%arg11 : memref<!tpu.dma_semaphore, #tpu.memory_space<semaphore_mem>>) src(%arg7 : memref<400x128xf32, #tpu.memory_space<vmem>>) dst(%dma_wait3A_16 : memref<400x128xf32, #tpu.memory_space<hbm>>)
    %dma_wait3A_17 = arith.constant 0 : i32
    %dma_wait3A_18 = arith.constant 0 : i32
    %dma_wait3A_19 = tpu.memref_slice %arg4[%dma_wait3A_17, %dma_wait3A_18] : memref<320000x128xf32, #tpu.memory_space<hbm>> -> memref<400x128xf32, #tpu.memory_space<hbm>>
    %dma_wait3A_20 = arith.constant 0 : i32
    %dma_wait3A_21 = arith.constant 0 : i32
    %dma_wait3A_22 = tpu.memref_slice %arg4[%dma_wait3A_20, %dma_wait3A_21] : memref<320000x128xf32, #tpu.memory_space<hbm>> -> memref<400x128xf32, #tpu.memory_space<hbm>>
    tpu.wait_dma2 semaphore(%arg12 : memref<!tpu.dma_semaphore, #tpu.memory_space<semaphore_mem>>) src(%arg8 : memref<400x128xf32, #tpu.memory_space<vmem>>) dst(%dma_wait3A_22 : memref<400x128xf32, #tpu.memory_space<hbm>>)
    return
  }
}

#map = affine_map<(d0, d1) -> (0)>
#map1 = affine_map<(d0, d1) -> (0, 0)>
module attributes {stable_mosaic.version = 14 : i64} {
  func.func @_scatter_body(%arg0: i32, %arg1: i32, %arg2: memref<320000xi32, #tpu.memory_space<hbm>>, %arg3: memref<320000x128xf32, #tpu.memory_space<hbm>>, %arg4: memref<320000x128xf32, #tpu.memory_space<hbm>>, %arg5: memref<632x128xf32, #tpu.memory_space<hbm>>, %arg6: memref<10112x128xf32, #tpu.memory_space<hbm>>, %arg7: memref<10112x128xf32, #tpu.memory_space<hbm>>, %arg8: memref<10112x128xf32, #tpu.memory_space<hbm>>, %arg9: memref<10112x128xf32, #tpu.memory_space<hbm>>, %arg10: memref<10112x128xf32, #tpu.memory_space<hbm>>, %arg11: memref<10112x128xf32, #tpu.memory_space<hbm>>, %arg12: memref<10112x128xf32, #tpu.memory_space<vmem_shared>>, %arg13: memref<160xi32, #tpu.memory_space<vmem>>, %arg14: memref<160xi32, #tpu.memory_space<vmem>>, %arg15: memref<160x128xf32, #tpu.memory_space<vmem>>, %arg16: memref<160x128xf32, #tpu.memory_space<vmem>>, %arg17: memref<!tpu.dma_semaphore, #tpu.memory_space<semaphore_mem>>, %arg18: memref<!tpu.dma_semaphore, #tpu.memory_space<semaphore_mem>>, %arg19: memref<!tpu.dma_semaphore, #tpu.memory_space<semaphore_mem>>, %arg20: memref<!tpu.dma_semaphore, #tpu.memory_space<semaphore_mem>>) attributes {dimension_semantics = [#tpu.dimension_semantics<core_parallel>, #tpu.dimension_semantics<subcore_parallel>], iteration_bounds = array<i64: 2, 16>, scalar_prefetch = 0 : i64, scratch_operands = 9 : i64, tpu.core_type = #tpu.core_type<sc_vector_subcore>, window_params = [{transform_indices = #map}, {transform_indices = #map1}, {transform_indices = #map1}, {transform_indices = #map1}, {transform_indices = #map1}, {transform_indices = #map1}, {transform_indices = #map1}, {transform_indices = #map1}, {transform_indices = #map1}, {transform_indices = #map1}]} {
    %mul3A = arith.constant 632 : i32
    %mul3A_0 = arith.muli %arg1, %mul3A : i32
    %eq3A = arith.constant 0 : i32
    %eq3A_1 = arith.cmpi eq, %arg0, %eq3A : i32
    %convert_element_type3A = arith.extui %eq3A_1 : i1 to i32
    %cond3A = arith.constant 0 : i32
    %cond3A_2 = arith.cmpi ne, %convert_element_type3A, %cond3A : i32
    scf.if %cond3A_2 {
      "tpu.region"() ({
        %run_scoped3A = tpu.sem_alloc : memref<!tpu.dma_semaphore, #tpu.memory_space<semaphore_mem>>
        %dma_start3A_75 = arith.constant 0 : i32
        %dma_start3A_76 = tpu.memref_slice %arg12[%mul3A_0, %dma_start3A_75] : memref<10112x128xf32, #tpu.memory_space<vmem_shared>> -> memref<632x128xf32, #tpu.memory_space<vmem_shared>>
        tpu.enqueue_dma source(%arg5 : memref<632x128xf32, #tpu.memory_space<hbm>>) target(%dma_start3A_76 : memref<632x128xf32, #tpu.memory_space<vmem_shared>>) target_semaphore(%run_scoped3A : memref<!tpu.dma_semaphore, #tpu.memory_space<semaphore_mem>>)
        %dma_wait3A_77 = arith.constant 0 : i32
        %dma_wait3A_78 = tpu.memref_slice %arg12[%mul3A_0, %dma_wait3A_77] : memref<10112x128xf32, #tpu.memory_space<vmem_shared>> -> memref<632x128xf32, #tpu.memory_space<vmem_shared>>
        tpu.wait_dma2 semaphore(%run_scoped3A : memref<!tpu.dma_semaphore, #tpu.memory_space<semaphore_mem>>) src(%arg5 : memref<632x128xf32, #tpu.memory_space<hbm>>) dst(%dma_wait3A_78 : memref<632x128xf32, #tpu.memory_space<vmem_shared>>)
        tpu.yield
      }) : () -> ()
      %barrier3A = arith.constant 0 : index
      tpu.barrier barrier_id(%barrier3A)
      %add3A = arith.constant 0 : i32
      %add3A_8 = arith.addi %add3A, %arg1 : i32
      %mul3A_9 = arith.constant 160 : i32
      %mul3A_10 = arith.muli %add3A_8, %mul3A_9 : i32
      %dma_start3A = tpu.memref_slice %arg2[%mul3A_10] : memref<320000xi32, #tpu.memory_space<hbm>> -> memref<160xi32, #tpu.memory_space<hbm>>
      %dma_start3A_11 = tpu.memref_slice %arg2[%mul3A_10] : memref<320000xi32, #tpu.memory_space<hbm>> -> memref<160xi32, #tpu.memory_space<hbm>>
      tpu.enqueue_dma source(%dma_start3A_11 : memref<160xi32, #tpu.memory_space<hbm>>) target(%arg13 : memref<160xi32, #tpu.memory_space<vmem>>) target_semaphore(%arg17 : memref<!tpu.dma_semaphore, #tpu.memory_space<semaphore_mem>>)
      %dma_start3A_12 = arith.constant 0 : i32
      %dma_start3A_13 = tpu.memref_slice %arg3[%mul3A_10, %dma_start3A_12] : memref<320000x128xf32, #tpu.memory_space<hbm>> -> memref<160x128xf32, #tpu.memory_space<hbm>>
      %dma_start3A_14 = arith.constant 0 : i32
      %dma_start3A_15 = tpu.memref_slice %arg3[%mul3A_10, %dma_start3A_14] : memref<320000x128xf32, #tpu.memory_space<hbm>> -> memref<160x128xf32, #tpu.memory_space<hbm>>
      tpu.enqueue_dma source(%dma_start3A_15 : memref<160x128xf32, #tpu.memory_space<hbm>>) target(%arg15 : memref<160x128xf32, #tpu.memory_space<vmem>>) target_semaphore(%arg17 : memref<!tpu.dma_semaphore, #tpu.memory_space<semaphore_mem>>)
      %scan3A = arith.constant 0 : i32
      %scan3A_16 = arith.constant 0 : i32
      %scan3A_17 = arith.constant 63 : i32
      %scan3A_18 = arith.addi %scan3A_16, %scan3A_17 : i32
      %scan3A_19 = arith.constant 1 : i32
      scf.for %scan3A_75 = %scan3A_16 to %scan3A_18 step %scan3A_19  : i32 {
        %mul3A_76 = arith.constant 2 : i32
        %mul3A_77 = arith.muli %mul3A_76, %scan3A_75 : i32
        %add3A_78 = arith.constant 0 : i32
        %add3A_79 = arith.addi %mul3A_77, %add3A_78 : i32
        %lt3A = arith.constant 125 : i32
        %lt3A_80 = arith.cmpi slt, %add3A_79, %lt3A : i32
        %convert_element_type3A_81 = arith.extui %lt3A_80 : i1 to i32
        %cond3A_82 = arith.constant 0 : i32
        %cond3A_83 = arith.cmpi ne, %convert_element_type3A_81, %cond3A_82 : i32
        scf.if %cond3A_83 {
          %add3A_93 = arith.constant 1 : i32
          %add3A_94 = arith.addi %add3A_79, %add3A_93 : i32
          %lt3A_95 = arith.constant 125 : i32
          %lt3A_96 = arith.cmpi slt, %add3A_94, %lt3A_95 : i32
          %convert_element_type3A_97 = arith.extui %lt3A_96 : i1 to i32
          %cond3A_98 = arith.constant 0 : i32
          %cond3A_99 = arith.cmpi ne, %convert_element_type3A_97, %cond3A_98 : i32
          scf.if %cond3A_99 {
            %ge3A = arith.constant 1 : i32
            %ge3A_113 = arith.cmpi sge, %add3A_79, %ge3A : i32
            %convert_element_type3A_114 = arith.extui %ge3A_113 : i1 to i32
            %cond3A_115 = arith.constant 0 : i32
            %cond3A_116 = arith.cmpi ne, %convert_element_type3A_114, %cond3A_115 : i32
            scf.if %cond3A_116 {
              %dma_wait3A_134 = arith.constant 0 : i32
              %dma_wait3A_135 = arith.constant 0 : i32
              %dma_wait3A_136 = tpu.memref_slice %arg12[%dma_wait3A_134, %dma_wait3A_135] : memref<10112x128xf32, #tpu.memory_space<vmem_shared>> -> memref<10112x128xf32, #tpu.memory_space<vmem_shared>>
              tpu.wait_indirect_dma semaphore(%arg20 : memref<!tpu.dma_semaphore, #tpu.memory_space<semaphore_mem>>) src(%arg16 : memref<160x128xf32, #tpu.memory_space<vmem>>) dst(%dma_wait3A_136 : memref<10112x128xf32, #tpu.memory_space<vmem_shared>>)
            } else {
            }
            %add3A_117 = arith.constant 1 : i32
            %add3A_118 = arith.addi %add3A_79, %add3A_117 : i32
            %mul3A_119 = arith.constant 1 : i32
            %mul3A_120 = arith.muli %add3A_118, %mul3A_119 : i32
            %add3A_121 = arith.constant 0 : i32
            %add3A_122 = arith.addi %mul3A_120, %add3A_121 : i32
            %mul3A_123 = arith.constant 16 : i32
            %mul3A_124 = arith.muli %add3A_122, %mul3A_123 : i32
            %add3A_125 = arith.addi %mul3A_124, %arg1 : i32
            %mul3A_126 = arith.constant 160 : i32
            %mul3A_127 = arith.muli %add3A_125, %mul3A_126 : i32
            %dma_start3A_128 = tpu.memref_slice %arg2[%mul3A_127] : memref<320000xi32, #tpu.memory_space<hbm>> -> memref<160xi32, #tpu.memory_space<hbm>>
            %dma_start3A_129 = tpu.memref_slice %arg2[%mul3A_127] : memref<320000xi32, #tpu.memory_space<hbm>> -> memref<160xi32, #tpu.memory_space<hbm>>
            tpu.enqueue_dma source(%dma_start3A_129 : memref<160xi32, #tpu.memory_space<hbm>>) target(%arg14 : memref<160xi32, #tpu.memory_space<vmem>>) target_semaphore(%arg18 : memref<!tpu.dma_semaphore, #tpu.memory_space<semaphore_mem>>)
            %dma_start3A_130 = arith.constant 0 : i32
            %dma_start3A_131 = tpu.memref_slice %arg3[%mul3A_127, %dma_start3A_130] : memref<320000x128xf32, #tpu.memory_space<hbm>> -> memref<160x128xf32, #tpu.memory_space<hbm>>
            %dma_start3A_132 = arith.constant 0 : i32
            %dma_start3A_133 = tpu.memref_slice %arg3[%mul3A_127, %dma_start3A_132] : memref<320000x128xf32, #tpu.memory_space<hbm>> -> memref<160x128xf32, #tpu.memory_space<hbm>>
            tpu.enqueue_dma source(%dma_start3A_133 : memref<160x128xf32, #tpu.memory_space<hbm>>) target(%arg16 : memref<160x128xf32, #tpu.memory_space<vmem>>) target_semaphore(%arg18 : memref<!tpu.dma_semaphore, #tpu.memory_space<semaphore_mem>>)
          } else {
          }
          %dma_wait3A_100 = arith.constant 0 : i32
          %dma_wait3A_101 = tpu.memref_slice %arg2[%dma_wait3A_100] : memref<320000xi32, #tpu.memory_space<hbm>> -> memref<160xi32, #tpu.memory_space<hbm>>
          %dma_wait3A_102 = arith.constant 0 : i32
          %dma_wait3A_103 = tpu.memref_slice %arg2[%dma_wait3A_102] : memref<320000xi32, #tpu.memory_space<hbm>> -> memref<160xi32, #tpu.memory_space<hbm>>
          tpu.wait_dma2 semaphore(%arg17 : memref<!tpu.dma_semaphore, #tpu.memory_space<semaphore_mem>>) src(%dma_wait3A_103 : memref<160xi32, #tpu.memory_space<hbm>>) dst(%arg13 : memref<160xi32, #tpu.memory_space<vmem>>)
          %dma_wait3A_104 = arith.constant 0 : i32
          %dma_wait3A_105 = arith.constant 0 : i32
          %dma_wait3A_106 = tpu.memref_slice %arg3[%dma_wait3A_104, %dma_wait3A_105] : memref<320000x128xf32, #tpu.memory_space<hbm>> -> memref<160x128xf32, #tpu.memory_space<hbm>>
          %dma_wait3A_107 = arith.constant 0 : i32
          %dma_wait3A_108 = arith.constant 0 : i32
          %dma_wait3A_109 = tpu.memref_slice %arg3[%dma_wait3A_107, %dma_wait3A_108] : memref<320000x128xf32, #tpu.memory_space<hbm>> -> memref<160x128xf32, #tpu.memory_space<hbm>>
          tpu.wait_dma2 semaphore(%arg17 : memref<!tpu.dma_semaphore, #tpu.memory_space<semaphore_mem>>) src(%dma_wait3A_109 : memref<160x128xf32, #tpu.memory_space<hbm>>) dst(%arg15 : memref<160x128xf32, #tpu.memory_space<vmem>>)
          %dma_start3A_110 = arith.constant 0 : i32
          %dma_start3A_111 = arith.constant 0 : i32
          %dma_start3A_112 = tpu.memref_slice %arg12[%dma_start3A_110, %dma_start3A_111] : memref<10112x128xf32, #tpu.memory_space<vmem_shared>> -> memref<10112x128xf32, #tpu.memory_space<vmem_shared>>
          tpu.enqueue_indirect_dma source(%arg15 : memref<160x128xf32, #tpu.memory_space<vmem>>) target(%dma_start3A_112 : memref<10112x128xf32, #tpu.memory_space<vmem_shared>>) offsets(%arg13 : memref<160xi32, #tpu.memory_space<vmem>>) semaphore(%arg19 : memref<!tpu.dma_semaphore, #tpu.memory_space<semaphore_mem>>) {add = true}
        } else {
        }
        %mul3A_84 = arith.constant 2 : i32
        %mul3A_85 = arith.muli %mul3A_84, %scan3A_75 : i32
        %add3A_86 = arith.constant 1 : i32
        %add3A_87 = arith.addi %mul3A_85, %add3A_86 : i32
        %lt3A_88 = arith.constant 125 : i32
        %lt3A_89 = arith.cmpi slt, %add3A_87, %lt3A_88 : i32
        %convert_element_type3A_90 = arith.extui %lt3A_89 : i1 to i32
        %cond3A_91 = arith.constant 0 : i32
        %cond3A_92 = arith.cmpi ne, %convert_element_type3A_90, %cond3A_91 : i32
        scf.if %cond3A_92 {
          %add3A_93 = arith.constant 1 : i32
          %add3A_94 = arith.addi %add3A_87, %add3A_93 : i32
          %lt3A_95 = arith.constant 125 : i32
          %lt3A_96 = arith.cmpi slt, %add3A_94, %lt3A_95 : i32
          %convert_element_type3A_97 = arith.extui %lt3A_96 : i1 to i32
          %cond3A_98 = arith.constant 0 : i32
          %cond3A_99 = arith.cmpi ne, %convert_element_type3A_97, %cond3A_98 : i32
          scf.if %cond3A_99 {
            %ge3A = arith.constant 1 : i32
            %ge3A_113 = arith.cmpi sge, %add3A_87, %ge3A : i32
            %convert_element_type3A_114 = arith.extui %ge3A_113 : i1 to i32
            %cond3A_115 = arith.constant 0 : i32
            %cond3A_116 = arith.cmpi ne, %convert_element_type3A_114, %cond3A_115 : i32
            scf.if %cond3A_116 {
              %dma_wait3A_134 = arith.constant 0 : i32
              %dma_wait3A_135 = arith.constant 0 : i32
              %dma_wait3A_136 = tpu.memref_slice %arg12[%dma_wait3A_134, %dma_wait3A_135] : memref<10112x128xf32, #tpu.memory_space<vmem_shared>> -> memref<10112x128xf32, #tpu.memory_space<vmem_shared>>
              tpu.wait_indirect_dma semaphore(%arg19 : memref<!tpu.dma_semaphore, #tpu.memory_space<semaphore_mem>>) src(%arg15 : memref<160x128xf32, #tpu.memory_space<vmem>>) dst(%dma_wait3A_136 : memref<10112x128xf32, #tpu.memory_space<vmem_shared>>)
            } else {
            }
            %add3A_117 = arith.constant 1 : i32
            %add3A_118 = arith.addi %add3A_87, %add3A_117 : i32
            %mul3A_119 = arith.constant 1 : i32
            %mul3A_120 = arith.muli %add3A_118, %mul3A_119 : i32
            %add3A_121 = arith.constant 0 : i32
            %add3A_122 = arith.addi %mul3A_120, %add3A_121 : i32
            %mul3A_123 = arith.constant 16 : i32
            %mul3A_124 = arith.muli %add3A_122, %mul3A_123 : i32
            %add3A_125 = arith.addi %mul3A_124, %arg1 : i32
            %mul3A_126 = arith.constant 160 : i32
            %mul3A_127 = arith.muli %add3A_125, %mul3A_126 : i32
            %dma_start3A_128 = tpu.memref_slice %arg2[%mul3A_127] : memref<320000xi32, #tpu.memory_space<hbm>> -> memref<160xi32, #tpu.memory_space<hbm>>
            %dma_start3A_129 = tpu.memref_slice %arg2[%mul3A_127] : memref<320000xi32, #tpu.memory_space<hbm>> -> memref<160xi32, #tpu.memory_space<hbm>>
            tpu.enqueue_dma source(%dma_start3A_129 : memref<160xi32, #tpu.memory_space<hbm>>) target(%arg13 : memref<160xi32, #tpu.memory_space<vmem>>) target_semaphore(%arg17 : memref<!tpu.dma_semaphore, #tpu.memory_space<semaphore_mem>>)
            %dma_start3A_130 = arith.constant 0 : i32
            %dma_start3A_131 = tpu.memref_slice %arg3[%mul3A_127, %dma_start3A_130] : memref<320000x128xf32, #tpu.memory_space<hbm>> -> memref<160x128xf32, #tpu.memory_space<hbm>>
            %dma_start3A_132 = arith.constant 0 : i32
            %dma_start3A_133 = tpu.memref_slice %arg3[%mul3A_127, %dma_start3A_132] : memref<320000x128xf32, #tpu.memory_space<hbm>> -> memref<160x128xf32, #tpu.memory_space<hbm>>
            tpu.enqueue_dma source(%dma_start3A_133 : memref<160x128xf32, #tpu.memory_space<hbm>>) target(%arg15 : memref<160x128xf32, #tpu.memory_space<vmem>>) target_semaphore(%arg17 : memref<!tpu.dma_semaphore, #tpu.memory_space<semaphore_mem>>)
          } else {
          }
          %dma_wait3A_100 = arith.constant 0 : i32
          %dma_wait3A_101 = tpu.memref_slice %arg2[%dma_wait3A_100] : memref<320000xi32, #tpu.memory_space<hbm>> -> memref<160xi32, #tpu.memory_space<hbm>>
          %dma_wait3A_102 = arith.constant 0 : i32
          %dma_wait3A_103 = tpu.memref_slice %arg2[%dma_wait3A_102] : memref<320000xi32, #tpu.memory_space<hbm>> -> memref<160xi32, #tpu.memory_space<hbm>>
          tpu.wait_dma2 semaphore(%arg18 : memref<!tpu.dma_semaphore, #tpu.memory_space<semaphore_mem>>) src(%dma_wait3A_103 : memref<160xi32, #tpu.memory_space<hbm>>) dst(%arg14 : memref<160xi32, #tpu.memory_space<vmem>>)
          %dma_wait3A_104 = arith.constant 0 : i32
          %dma_wait3A_105 = arith.constant 0 : i32
          %dma_wait3A_106 = tpu.memref_slice %arg3[%dma_wait3A_104, %dma_wait3A_105] : memref<320000x128xf32, #tpu.memory_space<hbm>> -> memref<160x128xf32, #tpu.memory_space<hbm>>
          %dma_wait3A_107 = arith.constant 0 : i32
          %dma_wait3A_108 = arith.constant 0 : i32
          %dma_wait3A_109 = tpu.memref_slice %arg3[%dma_wait3A_107, %dma_wait3A_108] : memref<320000x128xf32, #tpu.memory_space<hbm>> -> memref<160x128xf32, #tpu.memory_space<hbm>>
          tpu.wait_dma2 semaphore(%arg18 : memref<!tpu.dma_semaphore, #tpu.memory_space<semaphore_mem>>) src(%dma_wait3A_109 : memref<160x128xf32, #tpu.memory_space<hbm>>) dst(%arg16 : memref<160x128xf32, #tpu.memory_space<vmem>>)
          %dma_start3A_110 = arith.constant 0 : i32
          %dma_start3A_111 = arith.constant 0 : i32
          %dma_start3A_112 = tpu.memref_slice %arg12[%dma_start3A_110, %dma_start3A_111] : memref<10112x128xf32, #tpu.memory_space<vmem_shared>> -> memref<10112x128xf32, #tpu.memory_space<vmem_shared>>
          tpu.enqueue_indirect_dma source(%arg16 : memref<160x128xf32, #tpu.memory_space<vmem>>) target(%dma_start3A_112 : memref<10112x128xf32, #tpu.memory_space<vmem_shared>>) offsets(%arg14 : memref<160xi32, #tpu.memory_space<vmem>>) semaphore(%arg20 : memref<!tpu.dma_semaphore, #tpu.memory_space<semaphore_mem>>) {add = true}
        } else {
        }
      }
      %scan3A_20 = arith.constant 63 : i32
      %dma_wait3A = arith.constant 0 : i32
      %dma_wait3A_21 = arith.constant 0 : i32
      %dma_wait3A_22 = tpu.memref_slice %arg12[%dma_wait3A, %dma_wait3A_21] : memref<10112x128xf32, #tpu.memory_space<vmem_shared>> -> memref<10112x128xf32, #tpu.memory_space<vmem_shared>>
      tpu.wait_indirect_dma semaphore(%arg19 : memref<!tpu.dma_semaphore, #tpu.memory_space<semaphore_mem>>) src(%arg15 : memref<160x128xf32, #tpu.memory_space<vmem>>) dst(%dma_wait3A_22 : memref<10112x128xf32, #tpu.memory_space<vmem_shared>>)
      %dma_wait3A_23 = arith.constant 0 : i32
      %dma_wait3A_24 = arith.constant 0 : i32
      %dma_wait3A_25 = tpu.memref_slice %arg12[%dma_wait3A_23, %dma_wait3A_24] : memref<10112x128xf32, #tpu.memory_space<vmem_shared>> -> memref<10112x128xf32, #tpu.memory_space<vmem_shared>>
      tpu.wait_indirect_dma semaphore(%arg20 : memref<!tpu.dma_semaphore, #tpu.memory_space<semaphore_mem>>) src(%arg16 : memref<160x128xf32, #tpu.memory_space<vmem>>) dst(%dma_wait3A_25 : memref<10112x128xf32, #tpu.memory_space<vmem_shared>>)
      %barrier3A_26 = arith.constant 0 : index
      tpu.barrier barrier_id(%barrier3A_26)
      "tpu.region"() ({
        %run_scoped3A = tpu.sem_alloc : memref<!tpu.dma_semaphore, #tpu.memory_space<semaphore_mem>>
        %dma_start3A_75 = arith.constant 0 : i32
        %dma_start3A_76 = tpu.memref_slice %arg6[%mul3A_0, %dma_start3A_75] : memref<10112x128xf32, #tpu.memory_space<hbm>> -> memref<632x128xf32, #tpu.memory_space<hbm>>
        %dma_start3A_77 = arith.constant 0 : i32
        %dma_start3A_78 = tpu.memref_slice %arg12[%mul3A_0, %dma_start3A_77] : memref<10112x128xf32, #tpu.memory_space<vmem_shared>> -> memref<632x128xf32, #tpu.memory_space<vmem_shared>>
        tpu.enqueue_dma source(%dma_start3A_78 : memref<632x128xf32, #tpu.memory_space<vmem_shared>>) target(%dma_start3A_76 : memref<632x128xf32, #tpu.memory_space<hbm>>) target_semaphore(%run_scoped3A : memref<!tpu.dma_semaphore, #tpu.memory_space<semaphore_mem>>)
        %dma_wait3A_79 = arith.constant 0 : i32
        %dma_wait3A_80 = tpu.memref_slice %arg6[%mul3A_0, %dma_wait3A_79] : memref<10112x128xf32, #tpu.memory_space<hbm>> -> memref<632x128xf32, #tpu.memory_space<hbm>>
        %dma_wait3A_81 = arith.constant 0 : i32
        %dma_wait3A_82 = tpu.memref_slice %arg12[%mul3A_0, %dma_wait3A_81] : memref<10112x128xf32, #tpu.memory_space<vmem_shared>> -> memref<632x128xf32, #tpu.memory_space<vmem_shared>>
        tpu.wait_dma2 semaphore(%run_scoped3A : memref<!tpu.dma_semaphore, #tpu.memory_space<semaphore_mem>>) src(%dma_wait3A_82 : memref<632x128xf32, #tpu.memory_space<vmem_shared>>) dst(%dma_wait3A_80 : memref<632x128xf32, #tpu.memory_space<hbm>>)
        tpu.yield
      }) : () -> ()
      "tpu.region"() ({
        %run_scoped3A = tpu.sem_alloc : memref<!tpu.dma_semaphore, #tpu.memory_space<semaphore_mem>>
        %dma_start3A_75 = arith.constant 0 : i32
        %dma_start3A_76 = tpu.memref_slice %arg12[%mul3A_0, %dma_start3A_75] : memref<10112x128xf32, #tpu.memory_space<vmem_shared>> -> memref<632x128xf32, #tpu.memory_space<vmem_shared>>
        tpu.enqueue_dma source(%arg5 : memref<632x128xf32, #tpu.memory_space<hbm>>) target(%dma_start3A_76 : memref<632x128xf32, #tpu.memory_space<vmem_shared>>) target_semaphore(%run_scoped3A : memref<!tpu.dma_semaphore, #tpu.memory_space<semaphore_mem>>)
        %dma_wait3A_77 = arith.constant 0 : i32
        %dma_wait3A_78 = tpu.memref_slice %arg12[%mul3A_0, %dma_wait3A_77] : memref<10112x128xf32, #tpu.memory_space<vmem_shared>> -> memref<632x128xf32, #tpu.memory_space<vmem_shared>>
        tpu.wait_dma2 semaphore(%run_scoped3A : memref<!tpu.dma_semaphore, #tpu.memory_space<semaphore_mem>>) src(%arg5 : memref<632x128xf32, #tpu.memory_space<hbm>>) dst(%dma_wait3A_78 : memref<632x128xf32, #tpu.memory_space<vmem_shared>>)
        tpu.yield
      }) : () -> ()
      %barrier3A_27 = arith.constant 0 : index
      tpu.barrier barrier_id(%barrier3A_27)
      %add3A_28 = arith.constant 0 : i32
      %add3A_29 = arith.addi %add3A_28, %arg1 : i32
      %mul3A_30 = arith.constant 160 : i32
      %mul3A_31 = arith.muli %add3A_29, %mul3A_30 : i32
      %dma_start3A_32 = tpu.memref_slice %arg2[%mul3A_31] : memref<320000xi32, #tpu.memory_space<hbm>> -> memref<160xi32, #tpu.memory_space<hbm>>
      %dma_start3A_33 = tpu.memref_slice %arg2[%mul3A_31] : memref<320000xi32, #tpu.memory_space<hbm>> -> memref<160xi32, #tpu.memory_space<hbm>>
      tpu.enqueue_dma source(%dma_start3A_33 : memref<160xi32, #tpu.memory_space<hbm>>) target(%arg13 : memref<160xi32, #tpu.memory_space<vmem>>) target_semaphore(%arg17 : memref<!tpu.dma_semaphore, #tpu.memory_space<semaphore_mem>>)
      %dma_start3A_34 = arith.constant 0 : i32
      %dma_start3A_35 = tpu.memref_slice %arg3[%mul3A_31, %dma_start3A_34] : memref<320000x128xf32, #tpu.memory_space<hbm>> -> memref<160x128xf32, #tpu.memory_space<hbm>>
      %dma_start3A_36 = arith.constant 0 : i32
      %dma_start3A_37 = tpu.memref_slice %arg3[%mul3A_31, %dma_start3A_36] : memref<320000x128xf32, #tpu.memory_space<hbm>> -> memref<160x128xf32, #tpu.memory_space<hbm>>
      tpu.enqueue_dma source(%dma_start3A_37 : memref<160x128xf32, #tpu.memory_space<hbm>>) target(%arg15 : memref<160x128xf32, #tpu.memory_space<vmem>>) target_semaphore(%arg17 : memref<!tpu.dma_semaphore, #tpu.memory_space<semaphore_mem>>)
      %scan3A_38 = arith.constant 0 : i32
      %scan3A_39 = arith.constant 0 : i32
      %scan3A_40 = arith.constant 63 : i32
      %scan3A_41 = arith.addi %scan3A_39, %scan3A_40 : i32
      %scan3A_42 = arith.constant 1 : i32
      scf.for %scan3A_75 = %scan3A_39 to %scan3A_41 step %scan3A_42  : i32 {
        %mul3A_76 = arith.constant 2 : i32
        %mul3A_77 = arith.muli %mul3A_76, %scan3A_75 : i32
        %add3A_78 = arith.constant 0 : i32
        %add3A_79 = arith.addi %mul3A_77, %add3A_78 : i32
        %lt3A = arith.constant 125 : i32
        %lt3A_80 = arith.cmpi slt, %add3A_79, %lt3A : i32
        %convert_element_type3A_81 = arith.extui %lt3A_80 : i1 to i32
        %cond3A_82 = arith.constant 0 : i32
        %cond3A_83 = arith.cmpi ne, %convert_element_type3A_81, %cond3A_82 : i32
        scf.if %cond3A_83 {
          %add3A_93 = arith.constant 1 : i32
          %add3A_94 = arith.addi %add3A_79, %add3A_93 : i32
          %lt3A_95 = arith.constant 125 : i32
          %lt3A_96 = arith.cmpi slt, %add3A_94, %lt3A_95 : i32
          %convert_element_type3A_97 = arith.extui %lt3A_96 : i1 to i32
          %cond3A_98 = arith.constant 0 : i32
          %cond3A_99 = arith.cmpi ne, %convert_element_type3A_97, %cond3A_98 : i32
          scf.if %cond3A_99 {
            %ge3A = arith.constant 1 : i32
            %ge3A_119 = arith.cmpi sge, %add3A_79, %ge3A : i32
            %convert_element_type3A_120 = arith.extui %ge3A_119 : i1 to i32
            %cond3A_121 = arith.constant 0 : i32
            %cond3A_122 = arith.cmpi ne, %convert_element_type3A_120, %cond3A_121 : i32
            scf.if %cond3A_122 {
              %dma_wait3A_140 = arith.constant 0 : i32
              %dma_wait3A_141 = arith.constant 0 : i32
              %dma_wait3A_142 = tpu.memref_slice %arg12[%dma_wait3A_140, %dma_wait3A_141] : memref<10112x128xf32, #tpu.memory_space<vmem_shared>> -> memref<10112x128xf32, #tpu.memory_space<vmem_shared>>
              tpu.wait_indirect_dma semaphore(%arg20 : memref<!tpu.dma_semaphore, #tpu.memory_space<semaphore_mem>>) src(%arg16 : memref<160x128xf32, #tpu.memory_space<vmem>>) dst(%dma_wait3A_142 : memref<10112x128xf32, #tpu.memory_space<vmem_shared>>)
            } else {
            }
            %add3A_123 = arith.constant 1 : i32
            %add3A_124 = arith.addi %add3A_79, %add3A_123 : i32
            %mul3A_125 = arith.constant 1 : i32
            %mul3A_126 = arith.muli %add3A_124, %mul3A_125 : i32
            %add3A_127 = arith.constant 0 : i32
            %add3A_128 = arith.addi %mul3A_126, %add3A_127 : i32
            %mul3A_129 = arith.constant 16 : i32
            %mul3A_130 = arith.muli %add3A_128, %mul3A_129 : i32
            %add3A_131 = arith.addi %mul3A_130, %arg1 : i32
            %mul3A_132 = arith.constant 160 : i32
            %mul3A_133 = arith.muli %add3A_131, %mul3A_132 : i32
            %dma_start3A_134 = tpu.memref_slice %arg2[%mul3A_133] : memref<320000xi32, #tpu.memory_space<hbm>> -> memref<160xi32, #tpu.memory_space<hbm>>
            %dma_start3A_135 = tpu.memref_slice %arg2[%mul3A_133] : memref<320000xi32, #tpu.memory_space<hbm>> -> memref<160xi32, #tpu.memory_space<hbm>>
            tpu.enqueue_dma source(%dma_start3A_135 : memref<160xi32, #tpu.memory_space<hbm>>) target(%arg14 : memref<160xi32, #tpu.memory_space<vmem>>) target_semaphore(%arg18 : memref<!tpu.dma_semaphore, #tpu.memory_space<semaphore_mem>>)
            %dma_start3A_136 = arith.constant 0 : i32
            %dma_start3A_137 = tpu.memref_slice %arg3[%mul3A_133, %dma_start3A_136] : memref<320000x128xf32, #tpu.memory_space<hbm>> -> memref<160x128xf32, #tpu.memory_space<hbm>>
            %dma_start3A_138 = arith.constant 0 : i32
            %dma_start3A_139 = tpu.memref_slice %arg3[%mul3A_133, %dma_start3A_138] : memref<320000x128xf32, #tpu.memory_space<hbm>> -> memref<160x128xf32, #tpu.memory_space<hbm>>
            tpu.enqueue_dma source(%dma_start3A_139 : memref<160x128xf32, #tpu.memory_space<hbm>>) target(%arg16 : memref<160x128xf32, #tpu.memory_space<vmem>>) target_semaphore(%arg18 : memref<!tpu.dma_semaphore, #tpu.memory_space<semaphore_mem>>)
          } else {
          }
          %dma_wait3A_100 = arith.constant 0 : i32
          %dma_wait3A_101 = tpu.memref_slice %arg2[%dma_wait3A_100] : memref<320000xi32, #tpu.memory_space<hbm>> -> memref<160xi32, #tpu.memory_space<hbm>>
          %dma_wait3A_102 = arith.constant 0 : i32
          %dma_wait3A_103 = tpu.memref_slice %arg2[%dma_wait3A_102] : memref<320000xi32, #tpu.memory_space<hbm>> -> memref<160xi32, #tpu.memory_space<hbm>>
          tpu.wait_dma2 semaphore(%arg17 : memref<!tpu.dma_semaphore, #tpu.memory_space<semaphore_mem>>) src(%dma_wait3A_103 : memref<160xi32, #tpu.memory_space<hbm>>) dst(%arg13 : memref<160xi32, #tpu.memory_space<vmem>>)
          %dma_wait3A_104 = arith.constant 0 : i32
          %dma_wait3A_105 = arith.constant 0 : i32
          %dma_wait3A_106 = tpu.memref_slice %arg3[%dma_wait3A_104, %dma_wait3A_105] : memref<320000x128xf32, #tpu.memory_space<hbm>> -> memref<160x128xf32, #tpu.memory_space<hbm>>
          %dma_wait3A_107 = arith.constant 0 : i32
          %dma_wait3A_108 = arith.constant 0 : i32
          %dma_wait3A_109 = tpu.memref_slice %arg3[%dma_wait3A_107, %dma_wait3A_108] : memref<320000x128xf32, #tpu.memory_space<hbm>> -> memref<160x128xf32, #tpu.memory_space<hbm>>
          tpu.wait_dma2 semaphore(%arg17 : memref<!tpu.dma_semaphore, #tpu.memory_space<semaphore_mem>>) src(%dma_wait3A_109 : memref<160x128xf32, #tpu.memory_space<hbm>>) dst(%arg15 : memref<160x128xf32, #tpu.memory_space<vmem>>)
          %scan3A_110 = arith.constant 0 : i32
          %scan3A_111 = arith.constant 0 : i32
          %scan3A_112 = arith.constant 160 : i32
          %scan3A_113 = arith.addi %scan3A_111, %scan3A_112 : i32
          %scan3A_114 = arith.constant 1 : i32
          scf.for %scan3A_119 = %scan3A_111 to %scan3A_113 step %scan3A_114  : i32 {
            %get3A = arith.index_cast %scan3A_119 : i32 to index
            %get3A_120 = arith.constant 0 : index
            %get3A_121 = tpu.vector_load %arg15[%get3A, %get3A_120] {strides = array<i32>} : memref<160x128xf32, #tpu.memory_space<vmem>>, vector<1x16xf32>,
            %get3A_122 = vector.shape_cast %get3A_121 : vector<1x16xf32> to vector<16xf32>
            %mul3A_123 = arith.mulf %get3A_122, %get3A_122 : vector<16xf32>
            %swap3A = arith.index_cast %scan3A_119 : i32 to index
            %swap3A_124 = arith.constant 0 : index
            %swap3A_125 = tpu.vector_load %arg15[%swap3A, %swap3A_124] {strides = array<i32>} : memref<160x128xf32, #tpu.memory_space<vmem>>, vector<1x16xf32>,
            %swap3A_126 = vector.shape_cast %swap3A_125 : vector<1x16xf32> to vector<16xf32>
            %swap3A_127 = vector.shape_cast %mul3A_123 : vector<16xf32> to vector<1x16xf32>
            tpu.vector_store %arg15[%swap3A, %swap3A_124], %swap3A_127 {strides = array<i32>} : memref<160x128xf32, #tpu.memory_space<vmem>>, vector<1x16xf32>,
            %get3A_128 = arith.index_cast %scan3A_119 : i32 to index
            %get3A_129 = arith.constant 16 : index
            %get3A_130 = tpu.vector_load %arg15[%get3A_128, %get3A_129] {strides = array<i32>} : memref<160x128xf32, #tpu.memory_space<vmem>>, vector<1x16xf32>,
            %get3A_131 = vector.shape_cast %get3A_130 : vector<1x16xf32> to vector<16xf32>
            %mul3A_132 = arith.mulf %get3A_131, %get3A_131 : vector<16xf32>
            %swap3A_133 = arith.index_cast %scan3A_119 : i32 to index
            %swap3A_134 = arith.constant 16 : index
            %swap3A_135 = tpu.vector_load %arg15[%swap3A_133, %swap3A_134] {strides = array<i32>} : memref<160x128xf32, #tpu.memory_space<vmem>>, vector<1x16xf32>,
            %swap3A_136 = vector.shape_cast %swap3A_135 : vector<1x16xf32> to vector<16xf32>
            %swap3A_137 = vector.shape_cast %mul3A_132 : vector<16xf32> to vector<1x16xf32>
            tpu.vector_store %arg15[%swap3A_133, %swap3A_134], %swap3A_137 {strides = array<i32>} : memref<160x128xf32, #tpu.memory_space<vmem>>, vector<1x16xf32>,
            %get3A_138 = arith.index_cast %scan3A_119 : i32 to index
            %get3A_139 = arith.constant 32 : index
            %get3A_140 = tpu.vector_load %arg15[%get3A_138, %get3A_139] {strides = array<i32>} : memref<160x128xf32, #tpu.memory_space<vmem>>, vector<1x16xf32>,
            %get3A_141 = vector.shape_cast %get3A_140 : vector<1x16xf32> to vector<16xf32>
            %mul3A_142 = arith.mulf %get3A_141, %get3A_141 : vector<16xf32>
            %swap3A_143 = arith.index_cast %scan3A_119 : i32 to index
            %swap3A_144 = arith.constant 32 : index
            %swap3A_145 = tpu.vector_load %arg15[%swap3A_143, %swap3A_144] {strides = array<i32>} : memref<160x128xf32, #tpu.memory_space<vmem>>, vector<1x16xf32>,
            %swap3A_146 = vector.shape_cast %swap3A_145 : vector<1x16xf32> to vector<16xf32>
            %swap3A_147 = vector.shape_cast %mul3A_142 : vector<16xf32> to vector<1x16xf32>
            tpu.vector_store %arg15[%swap3A_143, %swap3A_144], %swap3A_147 {strides = array<i32>} : memref<160x128xf32, #tpu.memory_space<vmem>>, vector<1x16xf32>,
            %get3A_148 = arith.index_cast %scan3A_119 : i32 to index
            %get3A_149 = arith.constant 48 : index
            %get3A_150 = tpu.vector_load %arg15[%get3A_148, %get3A_149] {strides = array<i32>} : memref<160x128xf32, #tpu.memory_space<vmem>>, vector<1x16xf32>,
            %get3A_151 = vector.shape_cast %get3A_150 : vector<1x16xf32> to vector<16xf32>
            %mul3A_152 = arith.mulf %get3A_151, %get3A_151 : vector<16xf32>
            %swap3A_153 = arith.index_cast %scan3A_119 : i32 to index
            %swap3A_154 = arith.constant 48 : index
            %swap3A_155 = tpu.vector_load %arg15[%swap3A_153, %swap3A_154] {strides = array<i32>} : memref<160x128xf32, #tpu.memory_space<vmem>>, vector<1x16xf32>,
            %swap3A_156 = vector.shape_cast %swap3A_155 : vector<1x16xf32> to vector<16xf32>
            %swap3A_157 = vector.shape_cast %mul3A_152 : vector<16xf32> to vector<1x16xf32>
            tpu.vector_store %arg15[%swap3A_153, %swap3A_154], %swap3A_157 {strides = array<i32>} : memref<160x128xf32, #tpu.memory_space<vmem>>, vector<1x16xf32>,
            %get3A_158 = arith.index_cast %scan3A_119 : i32 to index
            %get3A_159 = arith.constant 64 : index
            %get3A_160 = tpu.vector_load %arg15[%get3A_158, %get3A_159] {strides = array<i32>} : memref<160x128xf32, #tpu.memory_space<vmem>>, vector<1x16xf32>,
            %get3A_161 = vector.shape_cast %get3A_160 : vector<1x16xf32> to vector<16xf32>
            %mul3A_162 = arith.mulf %get3A_161, %get3A_161 : vector<16xf32>
            %swap3A_163 = arith.index_cast %scan3A_119 : i32 to index
            %swap3A_164 = arith.constant 64 : index
            %swap3A_165 = tpu.vector_load %arg15[%swap3A_163, %swap3A_164] {strides = array<i32>} : memref<160x128xf32, #tpu.memory_space<vmem>>, vector<1x16xf32>,
            %swap3A_166 = vector.shape_cast %swap3A_165 : vector<1x16xf32> to vector<16xf32>
            %swap3A_167 = vector.shape_cast %mul3A_162 : vector<16xf32> to vector<1x16xf32>
            tpu.vector_store %arg15[%swap3A_163, %swap3A_164], %swap3A_167 {strides = array<i32>} : memref<160x128xf32, #tpu.memory_space<vmem>>, vector<1x16xf32>,
            %get3A_168 = arith.index_cast %scan3A_119 : i32 to index
            %get3A_169 = arith.constant 80 : index
            %get3A_170 = tpu.vector_load %arg15[%get3A_168, %get3A_169] {strides = array<i32>} : memref<160x128xf32, #tpu.memory_space<vmem>>, vector<1x16xf32>,
            %get3A_171 = vector.shape_cast %get3A_170 : vector<1x16xf32> to vector<16xf32>
            %mul3A_172 = arith.mulf %get3A_171, %get3A_171 : vector<16xf32>
            %swap3A_173 = arith.index_cast %scan3A_119 : i32 to index
            %swap3A_174 = arith.constant 80 : index
            %swap3A_175 = tpu.vector_load %arg15[%swap3A_173, %swap3A_174] {strides = array<i32>} : memref<160x128xf32, #tpu.memory_space<vmem>>, vector<1x16xf32>,
            %swap3A_176 = vector.shape_cast %swap3A_175 : vector<1x16xf32> to vector<16xf32>
            %swap3A_177 = vector.shape_cast %mul3A_172 : vector<16xf32> to vector<1x16xf32>
            tpu.vector_store %arg15[%swap3A_173, %swap3A_174], %swap3A_177 {strides = array<i32>} : memref<160x128xf32, #tpu.memory_space<vmem>>, vector<1x16xf32>,
            %get3A_178 = arith.index_cast %scan3A_119 : i32 to index
            %get3A_179 = arith.constant 96 : index
            %get3A_180 = tpu.vector_load %arg15[%get3A_178, %get3A_179] {strides = array<i32>} : memref<160x128xf32, #tpu.memory_space<vmem>>, vector<1x16xf32>,
            %get3A_181 = vector.shape_cast %get3A_180 : vector<1x16xf32> to vector<16xf32>
            %mul3A_182 = arith.mulf %get3A_181, %get3A_181 : vector<16xf32>
            %swap3A_183 = arith.index_cast %scan3A_119 : i32 to index
            %swap3A_184 = arith.constant 96 : index
            %swap3A_185 = tpu.vector_load %arg15[%swap3A_183, %swap3A_184] {strides = array<i32>} : memref<160x128xf32, #tpu.memory_space<vmem>>, vector<1x16xf32>,
            %swap3A_186 = vector.shape_cast %swap3A_185 : vector<1x16xf32> to vector<16xf32>
            %swap3A_187 = vector.shape_cast %mul3A_182 : vector<16xf32> to vector<1x16xf32>
            tpu.vector_store %arg15[%swap3A_183, %swap3A_184], %swap3A_187 {strides = array<i32>} : memref<160x128xf32, #tpu.memory_space<vmem>>, vector<1x16xf32>,
            %get3A_188 = arith.index_cast %scan3A_119 : i32 to index
            %get3A_189 = arith.constant 112 : index
            %get3A_190 = tpu.vector_load %arg15[%get3A_188, %get3A_189] {strides = array<i32>} : memref<160x128xf32, #tpu.memory_space<vmem>>, vector<1x16xf32>,
            %get3A_191 = vector.shape_cast %get3A_190 : vector<1x16xf32> to vector<16xf32>
            %mul3A_192 = arith.mulf %get3A_191, %get3A_191 : vector<16xf32>
            %swap3A_193 = arith.index_cast %scan3A_119 : i32 to index
            %swap3A_194 = arith.constant 112 : index
            %swap3A_195 = tpu.vector_load %arg15[%swap3A_193, %swap3A_194] {strides = array<i32>} : memref<160x128xf32, #tpu.memory_space<vmem>>, vector<1x16xf32>,
            %swap3A_196 = vector.shape_cast %swap3A_195 : vector<1x16xf32> to vector<16xf32>
            %swap3A_197 = vector.shape_cast %mul3A_192 : vector<16xf32> to vector<1x16xf32>
            tpu.vector_store %arg15[%swap3A_193, %swap3A_194], %swap3A_197 {strides = array<i32>} : memref<160x128xf32, #tpu.memory_space<vmem>>, vector<1x16xf32>,
          }
          %scan3A_115 = arith.constant 160 : i32
          %dma_start3A_116 = arith.constant 0 : i32
          %dma_start3A_117 = arith.constant 0 : i32
          %dma_start3A_118 = tpu.memref_slice %arg12[%dma_start3A_116, %dma_start3A_117] : memref<10112x128xf32, #tpu.memory_space<vmem_shared>> -> memref<10112x128xf32, #tpu.memory_space<vmem_shared>>
          tpu.enqueue_indirect_dma source(%arg15 : memref<160x128xf32, #tpu.memory_space<vmem>>) target(%dma_start3A_118 : memref<10112x128xf32, #tpu.memory_space<vmem_shared>>) offsets(%arg13 : memref<160xi32, #tpu.memory_space<vmem>>) semaphore(%arg19 : memref<!tpu.dma_semaphore, #tpu.memory_space<semaphore_mem>>) {add = true}
        } else {
        }
        %mul3A_84 = arith.constant 2 : i32
        %mul3A_85 = arith.muli %mul3A_84, %scan3A_75 : i32
        %add3A_86 = arith.constant 1 : i32
        %add3A_87 = arith.addi %mul3A_85, %add3A_86 : i32
        %lt3A_88 = arith.constant 125 : i32
        %lt3A_89 = arith.cmpi slt, %add3A_87, %lt3A_88 : i32
        %convert_element_type3A_90 = arith.extui %lt3A_89 : i1 to i32
        %cond3A_91 = arith.constant 0 : i32
        %cond3A_92 = arith.cmpi ne, %convert_element_type3A_90, %cond3A_91 : i32
        scf.if %cond3A_92 {
          %add3A_93 = arith.constant 1 : i32
          %add3A_94 = arith.addi %add3A_87, %add3A_93 : i32
          %lt3A_95 = arith.constant 125 : i32
          %lt3A_96 = arith.cmpi slt, %add3A_94, %lt3A_95 : i32
          %convert_element_type3A_97 = arith.extui %lt3A_96 : i1 to i32
          %cond3A_98 = arith.constant 0 : i32
          %cond3A_99 = arith.cmpi ne, %convert_element_type3A_97, %cond3A_98 : i32
          scf.if %cond3A_99 {
            %ge3A = arith.constant 1 : i32
            %ge3A_119 = arith.cmpi sge, %add3A_87, %ge3A : i32
            %convert_element_type3A_120 = arith.extui %ge3A_119 : i1 to i32
            %cond3A_121 = arith.constant 0 : i32
            %cond3A_122 = arith.cmpi ne, %convert_element_type3A_120, %cond3A_121 : i32
            scf.if %cond3A_122 {
              %dma_wait3A_140 = arith.constant 0 : i32
              %dma_wait3A_141 = arith.constant 0 : i32
              %dma_wait3A_142 = tpu.memref_slice %arg12[%dma_wait3A_140, %dma_wait3A_141] : memref<10112x128xf32, #tpu.memory_space<vmem_shared>> -> memref<10112x128xf32, #tpu.memory_space<vmem_shared>>
              tpu.wait_indirect_dma semaphore(%arg19 : memref<!tpu.dma_semaphore, #tpu.memory_space<semaphore_mem>>) src(%arg15 : memref<160x128xf32, #tpu.memory_space<vmem>>) dst(%dma_wait3A_142 : memref<10112x128xf32, #tpu.memory_space<vmem_shared>>)
            } else {
            }
            %add3A_123 = arith.constant 1 : i32
            %add3A_124 = arith.addi %add3A_87, %add3A_123 : i32
            %mul3A_125 = arith.constant 1 : i32
            %mul3A_126 = arith.muli %add3A_124, %mul3A_125 : i32
            %add3A_127 = arith.constant 0 : i32
            %add3A_128 = arith.addi %mul3A_126, %add3A_127 : i32
            %mul3A_129 = arith.constant 16 : i32
            %mul3A_130 = arith.muli %add3A_128, %mul3A_129 : i32
            %add3A_131 = arith.addi %mul3A_130, %arg1 : i32
            %mul3A_132 = arith.constant 160 : i32
            %mul3A_133 = arith.muli %add3A_131, %mul3A_132 : i32
            %dma_start3A_134 = tpu.memref_slice %arg2[%mul3A_133] : memref<320000xi32, #tpu.memory_space<hbm>> -> memref<160xi32, #tpu.memory_space<hbm>>
            %dma_start3A_135 = tpu.memref_slice %arg2[%mul3A_133] : memref<320000xi32, #tpu.memory_space<hbm>> -> memref<160xi32, #tpu.memory_space<hbm>>
            tpu.enqueue_dma source(%dma_start3A_135 : memref<160xi32, #tpu.memory_space<hbm>>) target(%arg13 : memref<160xi32, #tpu.memory_space<vmem>>) target_semaphore(%arg17 : memref<!tpu.dma_semaphore, #tpu.memory_space<semaphore_mem>>)
            %dma_start3A_136 = arith.constant 0 : i32
            %dma_start3A_137 = tpu.memref_slice %arg3[%mul3A_133, %dma_start3A_136] : memref<320000x128xf32, #tpu.memory_space<hbm>> -> memref<160x128xf32, #tpu.memory_space<hbm>>
            %dma_start3A_138 = arith.constant 0 : i32
            %dma_start3A_139 = tpu.memref_slice %arg3[%mul3A_133, %dma_start3A_138] : memref<320000x128xf32, #tpu.memory_space<hbm>> -> memref<160x128xf32, #tpu.memory_space<hbm>>
            tpu.enqueue_dma source(%dma_start3A_139 : memref<160x128xf32, #tpu.memory_space<hbm>>) target(%arg15 : memref<160x128xf32, #tpu.memory_space<vmem>>) target_semaphore(%arg17 : memref<!tpu.dma_semaphore, #tpu.memory_space<semaphore_mem>>)
          } else {
          }
          %dma_wait3A_100 = arith.constant 0 : i32
          %dma_wait3A_101 = tpu.memref_slice %arg2[%dma_wait3A_100] : memref<320000xi32, #tpu.memory_space<hbm>> -> memref<160xi32, #tpu.memory_space<hbm>>
          %dma_wait3A_102 = arith.constant 0 : i32
          %dma_wait3A_103 = tpu.memref_slice %arg2[%dma_wait3A_102] : memref<320000xi32, #tpu.memory_space<hbm>> -> memref<160xi32, #tpu.memory_space<hbm>>
          tpu.wait_dma2 semaphore(%arg18 : memref<!tpu.dma_semaphore, #tpu.memory_space<semaphore_mem>>) src(%dma_wait3A_103 : memref<160xi32, #tpu.memory_space<hbm>>) dst(%arg14 : memref<160xi32, #tpu.memory_space<vmem>>)
          %dma_wait3A_104 = arith.constant 0 : i32
          %dma_wait3A_105 = arith.constant 0 : i32
          %dma_wait3A_106 = tpu.memref_slice %arg3[%dma_wait3A_104, %dma_wait3A_105] : memref<320000x128xf32, #tpu.memory_space<hbm>> -> memref<160x128xf32, #tpu.memory_space<hbm>>
          %dma_wait3A_107 = arith.constant 0 : i32
          %dma_wait3A_108 = arith.constant 0 : i32
          %dma_wait3A_109 = tpu.memref_slice %arg3[%dma_wait3A_107, %dma_wait3A_108] : memref<320000x128xf32, #tpu.memory_space<hbm>> -> memref<160x128xf32, #tpu.memory_space<hbm>>
          tpu.wait_dma2 semaphore(%arg18 : memref<!tpu.dma_semaphore, #tpu.memory_space<semaphore_mem>>) src(%dma_wait3A_109 : memref<160x128xf32, #tpu.memory_space<hbm>>) dst(%arg16 : memref<160x128xf32, #tpu.memory_space<vmem>>)
          %scan3A_110 = arith.constant 0 : i32
          %scan3A_111 = arith.constant 0 : i32
          %scan3A_112 = arith.constant 160 : i32
          %scan3A_113 = arith.addi %scan3A_111, %scan3A_112 : i32
          %scan3A_114 = arith.constant 1 : i32
          scf.for %scan3A_119 = %scan3A_111 to %scan3A_113 step %scan3A_114  : i32 {
            %get3A = arith.index_cast %scan3A_119 : i32 to index
            %get3A_120 = arith.constant 0 : index
            %get3A_121 = tpu.vector_load %arg16[%get3A, %get3A_120] {strides = array<i32>} : memref<160x128xf32, #tpu.memory_space<vmem>>, vector<1x16xf32>,
            %get3A_122 = vector.shape_cast %get3A_121 : vector<1x16xf32> to vector<16xf32>
            %mul3A_123 = arith.mulf %get3A_122, %get3A_122 : vector<16xf32>
            %swap3A = arith.index_cast %scan3A_119 : i32 to index
            %swap3A_124 = arith.constant 0 : index
            %swap3A_125 = tpu.vector_load %arg16[%swap3A, %swap3A_124] {strides = array<i32>} : memref<160x128xf32, #tpu.memory_space<vmem>>, vector<1x16xf32>,
            %swap3A_126 = vector.shape_cast %swap3A_125 : vector<1x16xf32> to vector<16xf32>
            %swap3A_127 = vector.shape_cast %mul3A_123 : vector<16xf32> to vector<1x16xf32>
            tpu.vector_store %arg16[%swap3A, %swap3A_124], %swap3A_127 {strides = array<i32>} : memref<160x128xf32, #tpu.memory_space<vmem>>, vector<1x16xf32>,
            %get3A_128 = arith.index_cast %scan3A_119 : i32 to index
            %get3A_129 = arith.constant 16 : index
            %get3A_130 = tpu.vector_load %arg16[%get3A_128, %get3A_129] {strides = array<i32>} : memref<160x128xf32, #tpu.memory_space<vmem>>, vector<1x16xf32>,
            %get3A_131 = vector.shape_cast %get3A_130 : vector<1x16xf32> to vector<16xf32>
            %mul3A_132 = arith.mulf %get3A_131, %get3A_131 : vector<16xf32>
            %swap3A_133 = arith.index_cast %scan3A_119 : i32 to index
            %swap3A_134 = arith.constant 16 : index
            %swap3A_135 = tpu.vector_load %arg16[%swap3A_133, %swap3A_134] {strides = array<i32>} : memref<160x128xf32, #tpu.memory_space<vmem>>, vector<1x16xf32>,
            %swap3A_136 = vector.shape_cast %swap3A_135 : vector<1x16xf32> to vector<16xf32>
            %swap3A_137 = vector.shape_cast %mul3A_132 : vector<16xf32> to vector<1x16xf32>
            tpu.vector_store %arg16[%swap3A_133, %swap3A_134], %swap3A_137 {strides = array<i32>} : memref<160x128xf32, #tpu.memory_space<vmem>>, vector<1x16xf32>,
            %get3A_138 = arith.index_cast %scan3A_119 : i32 to index
            %get3A_139 = arith.constant 32 : index
            %get3A_140 = tpu.vector_load %arg16[%get3A_138, %get3A_139] {strides = array<i32>} : memref<160x128xf32, #tpu.memory_space<vmem>>, vector<1x16xf32>,
            %get3A_141 = vector.shape_cast %get3A_140 : vector<1x16xf32> to vector<16xf32>
            %mul3A_142 = arith.mulf %get3A_141, %get3A_141 : vector<16xf32>
            %swap3A_143 = arith.index_cast %scan3A_119 : i32 to index
            %swap3A_144 = arith.constant 32 : index
            %swap3A_145 = tpu.vector_load %arg16[%swap3A_143, %swap3A_144] {strides = array<i32>} : memref<160x128xf32, #tpu.memory_space<vmem>>, vector<1x16xf32>,
            %swap3A_146 = vector.shape_cast %swap3A_145 : vector<1x16xf32> to vector<16xf32>
            %swap3A_147 = vector.shape_cast %mul3A_142 : vector<16xf32> to vector<1x16xf32>
            tpu.vector_store %arg16[%swap3A_143, %swap3A_144], %swap3A_147 {strides = array<i32>} : memref<160x128xf32, #tpu.memory_space<vmem>>, vector<1x16xf32>,
            %get3A_148 = arith.index_cast %scan3A_119 : i32 to index
            %get3A_149 = arith.constant 48 : index
            %get3A_150 = tpu.vector_load %arg16[%get3A_148, %get3A_149] {strides = array<i32>} : memref<160x128xf32, #tpu.memory_space<vmem>>, vector<1x16xf32>,
            %get3A_151 = vector.shape_cast %get3A_150 : vector<1x16xf32> to vector<16xf32>
            %mul3A_152 = arith.mulf %get3A_151, %get3A_151 : vector<16xf32>
            %swap3A_153 = arith.index_cast %scan3A_119 : i32 to index
            %swap3A_154 = arith.constant 48 : index
            %swap3A_155 = tpu.vector_load %arg16[%swap3A_153, %swap3A_154] {strides = array<i32>} : memref<160x128xf32, #tpu.memory_space<vmem>>, vector<1x16xf32>,
            %swap3A_156 = vector.shape_cast %swap3A_155 : vector<1x16xf32> to vector<16xf32>
            %swap3A_157 = vector.shape_cast %mul3A_152 : vector<16xf32> to vector<1x16xf32>
            tpu.vector_store %arg16[%swap3A_153, %swap3A_154], %swap3A_157 {strides = array<i32>} : memref<160x128xf32, #tpu.memory_space<vmem>>, vector<1x16xf32>,
            %get3A_158 = arith.index_cast %scan3A_119 : i32 to index
            %get3A_159 = arith.constant 64 : index
            %get3A_160 = tpu.vector_load %arg16[%get3A_158, %get3A_159] {strides = array<i32>} : memref<160x128xf32, #tpu.memory_space<vmem>>, vector<1x16xf32>,
            %get3A_161 = vector.shape_cast %get3A_160 : vector<1x16xf32> to vector<16xf32>
            %mul3A_162 = arith.mulf %get3A_161, %get3A_161 : vector<16xf32>
            %swap3A_163 = arith.index_cast %scan3A_119 : i32 to index
            %swap3A_164 = arith.constant 64 : index
            %swap3A_165 = tpu.vector_load %arg16[%swap3A_163, %swap3A_164] {strides = array<i32>} : memref<160x128xf32, #tpu.memory_space<vmem>>, vector<1x16xf32>,
            %swap3A_166 = vector.shape_cast %swap3A_165 : vector<1x16xf32> to vector<16xf32>
            %swap3A_167 = vector.shape_cast %mul3A_162 : vector<16xf32> to vector<1x16xf32>
            tpu.vector_store %arg16[%swap3A_163, %swap3A_164], %swap3A_167 {strides = array<i32>} : memref<160x128xf32, #tpu.memory_space<vmem>>, vector<1x16xf32>,
            %get3A_168 = arith.index_cast %scan3A_119 : i32 to index
            %get3A_169 = arith.constant 80 : index
            %get3A_170 = tpu.vector_load %arg16[%get3A_168, %get3A_169] {strides = array<i32>} : memref<160x128xf32, #tpu.memory_space<vmem>>, vector<1x16xf32>,
            %get3A_171 = vector.shape_cast %get3A_170 : vector<1x16xf32> to vector<16xf32>
            %mul3A_172 = arith.mulf %get3A_171, %get3A_171 : vector<16xf32>
            %swap3A_173 = arith.index_cast %scan3A_119 : i32 to index
            %swap3A_174 = arith.constant 80 : index
            %swap3A_175 = tpu.vector_load %arg16[%swap3A_173, %swap3A_174] {strides = array<i32>} : memref<160x128xf32, #tpu.memory_space<vmem>>, vector<1x16xf32>,
            %swap3A_176 = vector.shape_cast %swap3A_175 : vector<1x16xf32> to vector<16xf32>
            %swap3A_177 = vector.shape_cast %mul3A_172 : vector<16xf32> to vector<1x16xf32>
            tpu.vector_store %arg16[%swap3A_173, %swap3A_174], %swap3A_177 {strides = array<i32>} : memref<160x128xf32, #tpu.memory_space<vmem>>, vector<1x16xf32>,
            %get3A_178 = arith.index_cast %scan3A_119 : i32 to index
            %get3A_179 = arith.constant 96 : index
            %get3A_180 = tpu.vector_load %arg16[%get3A_178, %get3A_179] {strides = array<i32>} : memref<160x128xf32, #tpu.memory_space<vmem>>, vector<1x16xf32>,
            %get3A_181 = vector.shape_cast %get3A_180 : vector<1x16xf32> to vector<16xf32>
            %mul3A_182 = arith.mulf %get3A_181, %get3A_181 : vector<16xf32>
            %swap3A_183 = arith.index_cast %scan3A_119 : i32 to index
            %swap3A_184 = arith.constant 96 : index
            %swap3A_185 = tpu.vector_load %arg16[%swap3A_183, %swap3A_184] {strides = array<i32>} : memref<160x128xf32, #tpu.memory_space<vmem>>, vector<1x16xf32>,
            %swap3A_186 = vector.shape_cast %swap3A_185 : vector<1x16xf32> to vector<16xf32>
            %swap3A_187 = vector.shape_cast %mul3A_182 : vector<16xf32> to vector<1x16xf32>
            tpu.vector_store %arg16[%swap3A_183, %swap3A_184], %swap3A_187 {strides = array<i32>} : memref<160x128xf32, #tpu.memory_space<vmem>>, vector<1x16xf32>,
            %get3A_188 = arith.index_cast %scan3A_119 : i32 to index
            %get3A_189 = arith.constant 112 : index
            %get3A_190 = tpu.vector_load %arg16[%get3A_188, %get3A_189] {strides = array<i32>} : memref<160x128xf32, #tpu.memory_space<vmem>>, vector<1x16xf32>,
            %get3A_191 = vector.shape_cast %get3A_190 : vector<1x16xf32> to vector<16xf32>
            %mul3A_192 = arith.mulf %get3A_191, %get3A_191 : vector<16xf32>
            %swap3A_193 = arith.index_cast %scan3A_119 : i32 to index
            %swap3A_194 = arith.constant 112 : index
            %swap3A_195 = tpu.vector_load %arg16[%swap3A_193, %swap3A_194] {strides = array<i32>} : memref<160x128xf32, #tpu.memory_space<vmem>>, vector<1x16xf32>,
            %swap3A_196 = vector.shape_cast %swap3A_195 : vector<1x16xf32> to vector<16xf32>
            %swap3A_197 = vector.shape_cast %mul3A_192 : vector<16xf32> to vector<1x16xf32>
            tpu.vector_store %arg16[%swap3A_193, %swap3A_194], %swap3A_197 {strides = array<i32>} : memref<160x128xf32, #tpu.memory_space<vmem>>, vector<1x16xf32>,
          }
          %scan3A_115 = arith.constant 160 : i32
          %dma_start3A_116 = arith.constant 0 : i32
          %dma_start3A_117 = arith.constant 0 : i32
          %dma_start3A_118 = tpu.memref_slice %arg12[%dma_start3A_116, %dma_start3A_117] : memref<10112x128xf32, #tpu.memory_space<vmem_shared>> -> memref<10112x128xf32, #tpu.memory_space<vmem_shared>>
          tpu.enqueue_indirect_dma source(%arg16 : memref<160x128xf32, #tpu.memory_space<vmem>>) target(%dma_start3A_118 : memref<10112x128xf32, #tpu.memory_space<vmem_shared>>) offsets(%arg14 : memref<160xi32, #tpu.memory_space<vmem>>) semaphore(%arg20 : memref<!tpu.dma_semaphore, #tpu.memory_space<semaphore_mem>>) {add = true}
        } else {
        }
      }
      %scan3A_43 = arith.constant 63 : i32
      %dma_wait3A_44 = arith.constant 0 : i32
      %dma_wait3A_45 = arith.constant 0 : i32
      %dma_wait3A_46 = tpu.memref_slice %arg12[%dma_wait3A_44, %dma_wait3A_45] : memref<10112x128xf32, #tpu.memory_space<vmem_shared>> -> memref<10112x128xf32, #tpu.memory_space<vmem_shared>>
      tpu.wait_indirect_dma semaphore(%arg19 : memref<!tpu.dma_semaphore, #tpu.memory_space<semaphore_mem>>) src(%arg15 : memref<160x128xf32, #tpu.memory_space<vmem>>) dst(%dma_wait3A_46 : memref<10112x128xf32, #tpu.memory_space<vmem_shared>>)
      %dma_wait3A_47 = arith.constant 0 : i32
      %dma_wait3A_48 = arith.constant 0 : i32
      %dma_wait3A_49 = tpu.memref_slice %arg12[%dma_wait3A_47, %dma_wait3A_48] : memref<10112x128xf32, #tpu.memory_space<vmem_shared>> -> memref<10112x128xf32, #tpu.memory_space<vmem_shared>>
      tpu.wait_indirect_dma semaphore(%arg20 : memref<!tpu.dma_semaphore, #tpu.memory_space<semaphore_mem>>) src(%arg16 : memref<160x128xf32, #tpu.memory_space<vmem>>) dst(%dma_wait3A_49 : memref<10112x128xf32, #tpu.memory_space<vmem_shared>>)
      %barrier3A_50 = arith.constant 0 : index
      tpu.barrier barrier_id(%barrier3A_50)
      "tpu.region"() ({
        %run_scoped3A = tpu.sem_alloc : memref<!tpu.dma_semaphore, #tpu.memory_space<semaphore_mem>>
        %dma_start3A_75 = arith.constant 0 : i32
        %dma_start3A_76 = tpu.memref_slice %arg7[%mul3A_0, %dma_start3A_75] : memref<10112x128xf32, #tpu.memory_space<hbm>> -> memref<632x128xf32, #tpu.memory_space<hbm>>
        %dma_start3A_77 = arith.constant 0 : i32
        %dma_start3A_78 = tpu.memref_slice %arg12[%mul3A_0, %dma_start3A_77] : memref<10112x128xf32, #tpu.memory_space<vmem_shared>> -> memref<632x128xf32, #tpu.memory_space<vmem_shared>>
        tpu.enqueue_dma source(%dma_start3A_78 : memref<632x128xf32, #tpu.memory_space<vmem_shared>>) target(%dma_start3A_76 : memref<632x128xf32, #tpu.memory_space<hbm>>) target_semaphore(%run_scoped3A : memref<!tpu.dma_semaphore, #tpu.memory_space<semaphore_mem>>)
        %dma_wait3A_79 = arith.constant 0 : i32
        %dma_wait3A_80 = tpu.memref_slice %arg7[%mul3A_0, %dma_wait3A_79] : memref<10112x128xf32, #tpu.memory_space<hbm>> -> memref<632x128xf32, #tpu.memory_space<hbm>>
        %dma_wait3A_81 = arith.constant 0 : i32
        %dma_wait3A_82 = tpu.memref_slice %arg12[%mul3A_0, %dma_wait3A_81] : memref<10112x128xf32, #tpu.memory_space<vmem_shared>> -> memref<632x128xf32, #tpu.memory_space<vmem_shared>>
        tpu.wait_dma2 semaphore(%run_scoped3A : memref<!tpu.dma_semaphore, #tpu.memory_space<semaphore_mem>>) src(%dma_wait3A_82 : memref<632x128xf32, #tpu.memory_space<vmem_shared>>) dst(%dma_wait3A_80 : memref<632x128xf32, #tpu.memory_space<hbm>>)
        tpu.yield
      }) : () -> ()
      "tpu.region"() ({
        %run_scoped3A = tpu.sem_alloc : memref<!tpu.dma_semaphore, #tpu.memory_space<semaphore_mem>>
        %dma_start3A_75 = arith.constant 0 : i32
        %dma_start3A_76 = tpu.memref_slice %arg12[%mul3A_0, %dma_start3A_75] : memref<10112x128xf32, #tpu.memory_space<vmem_shared>> -> memref<632x128xf32, #tpu.memory_space<vmem_shared>>
        tpu.enqueue_dma source(%arg5 : memref<632x128xf32, #tpu.memory_space<hbm>>) target(%dma_start3A_76 : memref<632x128xf32, #tpu.memory_space<vmem_shared>>) target_semaphore(%run_scoped3A : memref<!tpu.dma_semaphore, #tpu.memory_space<semaphore_mem>>)
        %dma_wait3A_77 = arith.constant 0 : i32
        %dma_wait3A_78 = tpu.memref_slice %arg12[%mul3A_0, %dma_wait3A_77] : memref<10112x128xf32, #tpu.memory_space<vmem_shared>> -> memref<632x128xf32, #tpu.memory_space<vmem_shared>>
        tpu.wait_dma2 semaphore(%run_scoped3A : memref<!tpu.dma_semaphore, #tpu.memory_space<semaphore_mem>>) src(%arg5 : memref<632x128xf32, #tpu.memory_space<hbm>>) dst(%dma_wait3A_78 : memref<632x128xf32, #tpu.memory_space<vmem_shared>>)
        tpu.yield
      }) : () -> ()
      %barrier3A_51 = arith.constant 0 : index
      tpu.barrier barrier_id(%barrier3A_51)
      %add3A_52 = arith.constant 0 : i32
      %add3A_53 = arith.addi %add3A_52, %arg1 : i32
      %mul3A_54 = arith.constant 160 : i32
      %mul3A_55 = arith.muli %add3A_53, %mul3A_54 : i32
      %dma_start3A_56 = tpu.memref_slice %arg2[%mul3A_55] : memref<320000xi32, #tpu.memory_space<hbm>> -> memref<160xi32, #tpu.memory_space<hbm>>
      %dma_start3A_57 = tpu.memref_slice %arg2[%mul3A_55] : memref<320000xi32, #tpu.memory_space<hbm>> -> memref<160xi32, #tpu.memory_space<hbm>>
      tpu.enqueue_dma source(%dma_start3A_57 : memref<160xi32, #tpu.memory_space<hbm>>) target(%arg13 : memref<160xi32, #tpu.memory_space<vmem>>) target_semaphore(%arg17 : memref<!tpu.dma_semaphore, #tpu.memory_space<semaphore_mem>>)
      %dma_start3A_58 = arith.constant 0 : i32
      %dma_start3A_59 = tpu.memref_slice %arg4[%mul3A_55, %dma_start3A_58] : memref<320000x128xf32, #tpu.memory_space<hbm>> -> memref<160x128xf32, #tpu.memory_space<hbm>>
      %dma_start3A_60 = arith.constant 0 : i32
      %dma_start3A_61 = tpu.memref_slice %arg4[%mul3A_55, %dma_start3A_60] : memref<320000x128xf32, #tpu.memory_space<hbm>> -> memref<160x128xf32, #tpu.memory_space<hbm>>
      tpu.enqueue_dma source(%dma_start3A_61 : memref<160x128xf32, #tpu.memory_space<hbm>>) target(%arg15 : memref<160x128xf32, #tpu.memory_space<vmem>>) target_semaphore(%arg17 : memref<!tpu.dma_semaphore, #tpu.memory_space<semaphore_mem>>)
      %scan3A_62 = arith.constant 0 : i32
      %scan3A_63 = arith.constant 0 : i32
      %scan3A_64 = arith.constant 32 : i32
      %scan3A_65 = arith.addi %scan3A_63, %scan3A_64 : i32
      %scan3A_66 = arith.constant 1 : i32
      scf.for %scan3A_75 = %scan3A_63 to %scan3A_65 step %scan3A_66  : i32 {
        %mul3A_76 = arith.constant 2 : i32
        %mul3A_77 = arith.muli %mul3A_76, %scan3A_75 : i32
        %add3A_78 = arith.constant 0 : i32
        %add3A_79 = arith.addi %mul3A_77, %add3A_78 : i32
        %lt3A = arith.constant 63 : i32
        %lt3A_80 = arith.cmpi slt, %add3A_79, %lt3A : i32
        %convert_element_type3A_81 = arith.extui %lt3A_80 : i1 to i32
        %cond3A_82 = arith.constant 0 : i32
        %cond3A_83 = arith.cmpi ne, %convert_element_type3A_81, %cond3A_82 : i32
        scf.if %cond3A_83 {
          %add3A_93 = arith.constant 1 : i32
          %add3A_94 = arith.addi %add3A_79, %add3A_93 : i32
          %lt3A_95 = arith.constant 63 : i32
          %lt3A_96 = arith.cmpi slt, %add3A_94, %lt3A_95 : i32
          %convert_element_type3A_97 = arith.extui %lt3A_96 : i1 to i32
          %cond3A_98 = arith.constant 0 : i32
          %cond3A_99 = arith.cmpi ne, %convert_element_type3A_97, %cond3A_98 : i32
          scf.if %cond3A_99 {
            %ge3A = arith.constant 1 : i32
            %ge3A_113 = arith.cmpi sge, %add3A_79, %ge3A : i32
            %convert_element_type3A_114 = arith.extui %ge3A_113 : i1 to i32
            %cond3A_115 = arith.constant 0 : i32
            %cond3A_116 = arith.cmpi ne, %convert_element_type3A_114, %cond3A_115 : i32
            scf.if %cond3A_116 {
              %dma_wait3A_134 = arith.constant 0 : i32
              %dma_wait3A_135 = arith.constant 0 : i32
              %dma_wait3A_136 = tpu.memref_slice %arg12[%dma_wait3A_134, %dma_wait3A_135] : memref<10112x128xf32, #tpu.memory_space<vmem_shared>> -> memref<10112x128xf32, #tpu.memory_space<vmem_shared>>
              tpu.wait_indirect_dma semaphore(%arg20 : memref<!tpu.dma_semaphore, #tpu.memory_space<semaphore_mem>>) src(%arg16 : memref<160x128xf32, #tpu.memory_space<vmem>>) dst(%dma_wait3A_136 : memref<10112x128xf32, #tpu.memory_space<vmem_shared>>)
            } else {
            }
            %add3A_117 = arith.constant 1 : i32
            %add3A_118 = arith.addi %add3A_79, %add3A_117 : i32
            %mul3A_119 = arith.constant 2 : i32
            %mul3A_120 = arith.muli %add3A_118, %mul3A_119 : i32
            %add3A_121 = arith.constant 0 : i32
            %add3A_122 = arith.addi %mul3A_120, %add3A_121 : i32
            %mul3A_123 = arith.constant 16 : i32
            %mul3A_124 = arith.muli %add3A_122, %mul3A_123 : i32
            %add3A_125 = arith.addi %mul3A_124, %arg1 : i32
            %mul3A_126 = arith.constant 160 : i32
            %mul3A_127 = arith.muli %add3A_125, %mul3A_126 : i32
            %dma_start3A_128 = tpu.memref_slice %arg2[%mul3A_127] : memref<320000xi32, #tpu.memory_space<hbm>> -> memref<160xi32, #tpu.memory_space<hbm>>
            %dma_start3A_129 = tpu.memref_slice %arg2[%mul3A_127] : memref<320000xi32, #tpu.memory_space<hbm>> -> memref<160xi32, #tpu.memory_space<hbm>>
            tpu.enqueue_dma source(%dma_start3A_129 : memref<160xi32, #tpu.memory_space<hbm>>) target(%arg14 : memref<160xi32, #tpu.memory_space<vmem>>) target_semaphore(%arg18 : memref<!tpu.dma_semaphore, #tpu.memory_space<semaphore_mem>>)
            %dma_start3A_130 = arith.constant 0 : i32
            %dma_start3A_131 = tpu.memref_slice %arg4[%mul3A_127, %dma_start3A_130] : memref<320000x128xf32, #tpu.memory_space<hbm>> -> memref<160x128xf32, #tpu.memory_space<hbm>>
            %dma_start3A_132 = arith.constant 0 : i32
            %dma_start3A_133 = tpu.memref_slice %arg4[%mul3A_127, %dma_start3A_132] : memref<320000x128xf32, #tpu.memory_space<hbm>> -> memref<160x128xf32, #tpu.memory_space<hbm>>
            tpu.enqueue_dma source(%dma_start3A_133 : memref<160x128xf32, #tpu.memory_space<hbm>>) target(%arg16 : memref<160x128xf32, #tpu.memory_space<vmem>>) target_semaphore(%arg18 : memref<!tpu.dma_semaphore, #tpu.memory_space<semaphore_mem>>)
          } else {
          }
          %dma_wait3A_100 = arith.constant 0 : i32
          %dma_wait3A_101 = tpu.memref_slice %arg2[%dma_wait3A_100] : memref<320000xi32, #tpu.memory_space<hbm>> -> memref<160xi32, #tpu.memory_space<hbm>>
          %dma_wait3A_102 = arith.constant 0 : i32
          %dma_wait3A_103 = tpu.memref_slice %arg2[%dma_wait3A_102] : memref<320000xi32, #tpu.memory_space<hbm>> -> memref<160xi32, #tpu.memory_space<hbm>>
          tpu.wait_dma2 semaphore(%arg17 : memref<!tpu.dma_semaphore, #tpu.memory_space<semaphore_mem>>) src(%dma_wait3A_103 : memref<160xi32, #tpu.memory_space<hbm>>) dst(%arg13 : memref<160xi32, #tpu.memory_space<vmem>>)
          %dma_wait3A_104 = arith.constant 0 : i32
          %dma_wait3A_105 = arith.constant 0 : i32
          %dma_wait3A_106 = tpu.memref_slice %arg4[%dma_wait3A_104, %dma_wait3A_105] : memref<320000x128xf32, #tpu.memory_space<hbm>> -> memref<160x128xf32, #tpu.memory_space<hbm>>
          %dma_wait3A_107 = arith.constant 0 : i32
          %dma_wait3A_108 = arith.constant 0 : i32
          %dma_wait3A_109 = tpu.memref_slice %arg4[%dma_wait3A_107, %dma_wait3A_108] : memref<320000x128xf32, #tpu.memory_space<hbm>> -> memref<160x128xf32, #tpu.memory_space<hbm>>
          tpu.wait_dma2 semaphore(%arg17 : memref<!tpu.dma_semaphore, #tpu.memory_space<semaphore_mem>>) src(%dma_wait3A_109 : memref<160x128xf32, #tpu.memory_space<hbm>>) dst(%arg15 : memref<160x128xf32, #tpu.memory_space<vmem>>)
          %dma_start3A_110 = arith.constant 0 : i32
          %dma_start3A_111 = arith.constant 0 : i32
          %dma_start3A_112 = tpu.memref_slice %arg12[%dma_start3A_110, %dma_start3A_111] : memref<10112x128xf32, #tpu.memory_space<vmem_shared>> -> memref<10112x128xf32, #tpu.memory_space<vmem_shared>>
          tpu.enqueue_indirect_dma source(%arg15 : memref<160x128xf32, #tpu.memory_space<vmem>>) target(%dma_start3A_112 : memref<10112x128xf32, #tpu.memory_space<vmem_shared>>) offsets(%arg13 : memref<160xi32, #tpu.memory_space<vmem>>) semaphore(%arg19 : memref<!tpu.dma_semaphore, #tpu.memory_space<semaphore_mem>>) {add = true}
        } else {
        }
        %mul3A_84 = arith.constant 2 : i32
        %mul3A_85 = arith.muli %mul3A_84, %scan3A_75 : i32
        %add3A_86 = arith.constant 1 : i32
        %add3A_87 = arith.addi %mul3A_85, %add3A_86 : i32
        %lt3A_88 = arith.constant 63 : i32
        %lt3A_89 = arith.cmpi slt, %add3A_87, %lt3A_88 : i32
        %convert_element_type3A_90 = arith.extui %lt3A_89 : i1 to i32
        %cond3A_91 = arith.constant 0 : i32
        %cond3A_92 = arith.cmpi ne, %convert_element_type3A_90, %cond3A_91 : i32
        scf.if %cond3A_92 {
          %add3A_93 = arith.constant 1 : i32
          %add3A_94 = arith.addi %add3A_87, %add3A_93 : i32
          %lt3A_95 = arith.constant 63 : i32
          %lt3A_96 = arith.cmpi slt, %add3A_94, %lt3A_95 : i32
          %convert_element_type3A_97 = arith.extui %lt3A_96 : i1 to i32
          %cond3A_98 = arith.constant 0 : i32
          %cond3A_99 = arith.cmpi ne, %convert_element_type3A_97, %cond3A_98 : i32
          scf.if %cond3A_99 {
            %ge3A = arith.constant 1 : i32
            %ge3A_113 = arith.cmpi sge, %add3A_87, %ge3A : i32
            %convert_element_type3A_114 = arith.extui %ge3A_113 : i1 to i32
            %cond3A_115 = arith.constant 0 : i32
            %cond3A_116 = arith.cmpi ne, %convert_element_type3A_114, %cond3A_115 : i32
            scf.if %cond3A_116 {
              %dma_wait3A_134 = arith.constant 0 : i32
              %dma_wait3A_135 = arith.constant 0 : i32
              %dma_wait3A_136 = tpu.memref_slice %arg12[%dma_wait3A_134, %dma_wait3A_135] : memref<10112x128xf32, #tpu.memory_space<vmem_shared>> -> memref<10112x128xf32, #tpu.memory_space<vmem_shared>>
              tpu.wait_indirect_dma semaphore(%arg19 : memref<!tpu.dma_semaphore, #tpu.memory_space<semaphore_mem>>) src(%arg15 : memref<160x128xf32, #tpu.memory_space<vmem>>) dst(%dma_wait3A_136 : memref<10112x128xf32, #tpu.memory_space<vmem_shared>>)
            } else {
            }
            %add3A_117 = arith.constant 1 : i32
            %add3A_118 = arith.addi %add3A_87, %add3A_117 : i32
            %mul3A_119 = arith.constant 2 : i32
            %mul3A_120 = arith.muli %add3A_118, %mul3A_119 : i32
            %add3A_121 = arith.constant 0 : i32
            %add3A_122 = arith.addi %mul3A_120, %add3A_121 : i32
            %mul3A_123 = arith.constant 16 : i32
            %mul3A_124 = arith.muli %add3A_122, %mul3A_123 : i32
            %add3A_125 = arith.addi %mul3A_124, %arg1 : i32
            %mul3A_126 = arith.constant 160 : i32
            %mul3A_127 = arith.muli %add3A_125, %mul3A_126 : i32
            %dma_start3A_128 = tpu.memref_slice %arg2[%mul3A_127] : memref<320000xi32, #tpu.memory_space<hbm>> -> memref<160xi32, #tpu.memory_space<hbm>>
            %dma_start3A_129 = tpu.memref_slice %arg2[%mul3A_127] : memref<320000xi32, #tpu.memory_space<hbm>> -> memref<160xi32, #tpu.memory_space<hbm>>
            tpu.enqueue_dma source(%dma_start3A_129 : memref<160xi32, #tpu.memory_space<hbm>>) target(%arg13 : memref<160xi32, #tpu.memory_space<vmem>>) target_semaphore(%arg17 : memref<!tpu.dma_semaphore, #tpu.memory_space<semaphore_mem>>)
            %dma_start3A_130 = arith.constant 0 : i32
            %dma_start3A_131 = tpu.memref_slice %arg4[%mul3A_127, %dma_start3A_130] : memref<320000x128xf32, #tpu.memory_space<hbm>> -> memref<160x128xf32, #tpu.memory_space<hbm>>
            %dma_start3A_132 = arith.constant 0 : i32
            %dma_start3A_133 = tpu.memref_slice %arg4[%mul3A_127, %dma_start3A_132] : memref<320000x128xf32, #tpu.memory_space<hbm>> -> memref<160x128xf32, #tpu.memory_space<hbm>>
            tpu.enqueue_dma source(%dma_start3A_133 : memref<160x128xf32, #tpu.memory_space<hbm>>) target(%arg15 : memref<160x128xf32, #tpu.memory_space<vmem>>) target_semaphore(%arg17 : memref<!tpu.dma_semaphore, #tpu.memory_space<semaphore_mem>>)
          } else {
          }
          %dma_wait3A_100 = arith.constant 0 : i32
          %dma_wait3A_101 = tpu.memref_slice %arg2[%dma_wait3A_100] : memref<320000xi32, #tpu.memory_space<hbm>> -> memref<160xi32, #tpu.memory_space<hbm>>
          %dma_wait3A_102 = arith.constant 0 : i32
          %dma_wait3A_103 = tpu.memref_slice %arg2[%dma_wait3A_102] : memref<320000xi32, #tpu.memory_space<hbm>> -> memref<160xi32, #tpu.memory_space<hbm>>
          tpu.wait_dma2 semaphore(%arg18 : memref<!tpu.dma_semaphore, #tpu.memory_space<semaphore_mem>>) src(%dma_wait3A_103 : memref<160xi32, #tpu.memory_space<hbm>>) dst(%arg14 : memref<160xi32, #tpu.memory_space<vmem>>)
          %dma_wait3A_104 = arith.constant 0 : i32
          %dma_wait3A_105 = arith.constant 0 : i32
          %dma_wait3A_106 = tpu.memref_slice %arg4[%dma_wait3A_104, %dma_wait3A_105] : memref<320000x128xf32, #tpu.memory_space<hbm>> -> memref<160x128xf32, #tpu.memory_space<hbm>>
          %dma_wait3A_107 = arith.constant 0 : i32
          %dma_wait3A_108 = arith.constant 0 : i32
          %dma_wait3A_109 = tpu.memref_slice %arg4[%dma_wait3A_107, %dma_wait3A_108] : memref<320000x128xf32, #tpu.memory_space<hbm>> -> memref<160x128xf32, #tpu.memory_space<hbm>>
          tpu.wait_dma2 semaphore(%arg18 : memref<!tpu.dma_semaphore, #tpu.memory_space<semaphore_mem>>) src(%dma_wait3A_109 : memref<160x128xf32, #tpu.memory_space<hbm>>) dst(%arg16 : memref<160x128xf32, #tpu.memory_space<vmem>>)
          %dma_start3A_110 = arith.constant 0 : i32
          %dma_start3A_111 = arith.constant 0 : i32
          %dma_start3A_112 = tpu.memref_slice %arg12[%dma_start3A_110, %dma_start3A_111] : memref<10112x128xf32, #tpu.memory_space<vmem_shared>> -> memref<10112x128xf32, #tpu.memory_space<vmem_shared>>
          tpu.enqueue_indirect_dma source(%arg16 : memref<160x128xf32, #tpu.memory_space<vmem>>) target(%dma_start3A_112 : memref<10112x128xf32, #tpu.memory_space<vmem_shared>>) offsets(%arg14 : memref<160xi32, #tpu.memory_space<vmem>>) semaphore(%arg20 : memref<!tpu.dma_semaphore, #tpu.memory_space<semaphore_mem>>) {add = true}
        } else {
        }
      }
      %scan3A_67 = arith.constant 32 : i32
      %dma_wait3A_68 = arith.constant 0 : i32
      %dma_wait3A_69 = arith.constant 0 : i32
      %dma_wait3A_70 = tpu.memref_slice %arg12[%dma_wait3A_68, %dma_wait3A_69] : memref<10112x128xf32, #tpu.memory_space<vmem_shared>> -> memref<10112x128xf32, #tpu.memory_space<vmem_shared>>
      tpu.wait_indirect_dma semaphore(%arg19 : memref<!tpu.dma_semaphore, #tpu.memory_space<semaphore_mem>>) src(%arg15 : memref<160x128xf32, #tpu.memory_space<vmem>>) dst(%dma_wait3A_70 : memref<10112x128xf32, #tpu.memory_space<vmem_shared>>)
      %dma_wait3A_71 = arith.constant 0 : i32
      %dma_wait3A_72 = arith.constant 0 : i32
      %dma_wait3A_73 = tpu.memref_slice %arg12[%dma_wait3A_71, %dma_wait3A_72] : memref<10112x128xf32, #tpu.memory_space<vmem_shared>> -> memref<10112x128xf32, #tpu.memory_space<vmem_shared>>
      tpu.wait_indirect_dma semaphore(%arg20 : memref<!tpu.dma_semaphore, #tpu.memory_space<semaphore_mem>>) src(%arg16 : memref<160x128xf32, #tpu.memory_space<vmem>>) dst(%dma_wait3A_73 : memref<10112x128xf32, #tpu.memory_space<vmem_shared>>)
      %barrier3A_74 = arith.constant 0 : index
      tpu.barrier barrier_id(%barrier3A_74)
      "tpu.region"() ({
        %run_scoped3A = tpu.sem_alloc : memref<!tpu.dma_semaphore, #tpu.memory_space<semaphore_mem>>
        %dma_start3A_75 = arith.constant 0 : i32
        %dma_start3A_76 = tpu.memref_slice %arg10[%mul3A_0, %dma_start3A_75] : memref<10112x128xf32, #tpu.memory_space<hbm>> -> memref<632x128xf32, #tpu.memory_space<hbm>>
        %dma_start3A_77 = arith.constant 0 : i32
        %dma_start3A_78 = tpu.memref_slice %arg12[%mul3A_0, %dma_start3A_77] : memref<10112x128xf32, #tpu.memory_space<vmem_shared>> -> memref<632x128xf32, #tpu.memory_space<vmem_shared>>
        tpu.enqueue_dma source(%dma_start3A_78 : memref<632x128xf32, #tpu.memory_space<vmem_shared>>) target(%dma_start3A_76 : memref<632x128xf32, #tpu.memory_space<hbm>>) target_semaphore(%run_scoped3A : memref<!tpu.dma_semaphore, #tpu.memory_space<semaphore_mem>>)
        %dma_wait3A_79 = arith.constant 0 : i32
        %dma_wait3A_80 = tpu.memref_slice %arg10[%mul3A_0, %dma_wait3A_79] : memref<10112x128xf32, #tpu.memory_space<hbm>> -> memref<632x128xf32, #tpu.memory_space<hbm>>
        %dma_wait3A_81 = arith.constant 0 : i32
        %dma_wait3A_82 = tpu.memref_slice %arg12[%mul3A_0, %dma_wait3A_81] : memref<10112x128xf32, #tpu.memory_space<vmem_shared>> -> memref<632x128xf32, #tpu.memory_space<vmem_shared>>
        tpu.wait_dma2 semaphore(%run_scoped3A : memref<!tpu.dma_semaphore, #tpu.memory_space<semaphore_mem>>) src(%dma_wait3A_82 : memref<632x128xf32, #tpu.memory_space<vmem_shared>>) dst(%dma_wait3A_80 : memref<632x128xf32, #tpu.memory_space<hbm>>)
        tpu.yield
      }) : () -> ()
    } else {
    }
    %eq3A_3 = arith.constant 1 : i32
    %eq3A_4 = arith.cmpi eq, %arg0, %eq3A_3 : i32
    %convert_element_type3A_5 = arith.extui %eq3A_4 : i1 to i32
    %cond3A_6 = arith.constant 0 : i32
    %cond3A_7 = arith.cmpi ne, %convert_element_type3A_5, %cond3A_6 : i32
    scf.if %cond3A_7 {
      "tpu.region"() ({
        %run_scoped3A = tpu.sem_alloc : memref<!tpu.dma_semaphore, #tpu.memory_space<semaphore_mem>>
        %dma_start3A_75 = arith.constant 0 : i32
        %dma_start3A_76 = tpu.memref_slice %arg12[%mul3A_0, %dma_start3A_75] : memref<10112x128xf32, #tpu.memory_space<vmem_shared>> -> memref<632x128xf32, #tpu.memory_space<vmem_shared>>
        tpu.enqueue_dma source(%arg5 : memref<632x128xf32, #tpu.memory_space<hbm>>) target(%dma_start3A_76 : memref<632x128xf32, #tpu.memory_space<vmem_shared>>) target_semaphore(%run_scoped3A : memref<!tpu.dma_semaphore, #tpu.memory_space<semaphore_mem>>)
        %dma_wait3A_77 = arith.constant 0 : i32
        %dma_wait3A_78 = tpu.memref_slice %arg12[%mul3A_0, %dma_wait3A_77] : memref<10112x128xf32, #tpu.memory_space<vmem_shared>> -> memref<632x128xf32, #tpu.memory_space<vmem_shared>>
        tpu.wait_dma2 semaphore(%run_scoped3A : memref<!tpu.dma_semaphore, #tpu.memory_space<semaphore_mem>>) src(%arg5 : memref<632x128xf32, #tpu.memory_space<hbm>>) dst(%dma_wait3A_78 : memref<632x128xf32, #tpu.memory_space<vmem_shared>>)
        tpu.yield
      }) : () -> ()
      %barrier3A = arith.constant 0 : index
      tpu.barrier barrier_id(%barrier3A)
      %add3A = arith.constant 0 : i32
      %add3A_8 = arith.addi %add3A, %arg1 : i32
      %mul3A_9 = arith.constant 160 : i32
      %mul3A_10 = arith.muli %add3A_8, %mul3A_9 : i32
      %dma_start3A = tpu.memref_slice %arg2[%mul3A_10] : memref<320000xi32, #tpu.memory_space<hbm>> -> memref<160xi32, #tpu.memory_space<hbm>>
      %dma_start3A_11 = tpu.memref_slice %arg2[%mul3A_10] : memref<320000xi32, #tpu.memory_space<hbm>> -> memref<160xi32, #tpu.memory_space<hbm>>
      tpu.enqueue_dma source(%dma_start3A_11 : memref<160xi32, #tpu.memory_space<hbm>>) target(%arg13 : memref<160xi32, #tpu.memory_space<vmem>>) target_semaphore(%arg17 : memref<!tpu.dma_semaphore, #tpu.memory_space<semaphore_mem>>)
      %dma_start3A_12 = arith.constant 0 : i32
      %dma_start3A_13 = tpu.memref_slice %arg3[%mul3A_10, %dma_start3A_12] : memref<320000x128xf32, #tpu.memory_space<hbm>> -> memref<160x128xf32, #tpu.memory_space<hbm>>
      %dma_start3A_14 = arith.constant 0 : i32
      %dma_start3A_15 = tpu.memref_slice %arg3[%mul3A_10, %dma_start3A_14] : memref<320000x128xf32, #tpu.memory_space<hbm>> -> memref<160x128xf32, #tpu.memory_space<hbm>>
      tpu.enqueue_dma source(%dma_start3A_15 : memref<160x128xf32, #tpu.memory_space<hbm>>) target(%arg15 : memref<160x128xf32, #tpu.memory_space<vmem>>) target_semaphore(%arg17 : memref<!tpu.dma_semaphore, #tpu.memory_space<semaphore_mem>>)
      %scan3A = arith.constant 0 : i32
      %scan3A_16 = arith.constant 0 : i32
      %scan3A_17 = arith.constant 63 : i32
      %scan3A_18 = arith.addi %scan3A_16, %scan3A_17 : i32
      %scan3A_19 = arith.constant 1 : i32
      scf.for %scan3A_75 = %scan3A_16 to %scan3A_18 step %scan3A_19  : i32 {
        %mul3A_76 = arith.constant 2 : i32
        %mul3A_77 = arith.muli %mul3A_76, %scan3A_75 : i32
        %add3A_78 = arith.constant 0 : i32
        %add3A_79 = arith.addi %mul3A_77, %add3A_78 : i32
        %lt3A = arith.constant 125 : i32
        %lt3A_80 = arith.cmpi slt, %add3A_79, %lt3A : i32
        %convert_element_type3A_81 = arith.extui %lt3A_80 : i1 to i32
        %cond3A_82 = arith.constant 0 : i32
        %cond3A_83 = arith.cmpi ne, %convert_element_type3A_81, %cond3A_82 : i32
        scf.if %cond3A_83 {
          %add3A_93 = arith.constant 1 : i32
          %add3A_94 = arith.addi %add3A_79, %add3A_93 : i32
          %lt3A_95 = arith.constant 125 : i32
          %lt3A_96 = arith.cmpi slt, %add3A_94, %lt3A_95 : i32
          %convert_element_type3A_97 = arith.extui %lt3A_96 : i1 to i32
          %cond3A_98 = arith.constant 0 : i32
          %cond3A_99 = arith.cmpi ne, %convert_element_type3A_97, %cond3A_98 : i32
          scf.if %cond3A_99 {
            %ge3A = arith.constant 1 : i32
            %ge3A_119 = arith.cmpi sge, %add3A_79, %ge3A : i32
            %convert_element_type3A_120 = arith.extui %ge3A_119 : i1 to i32
            %cond3A_121 = arith.constant 0 : i32
            %cond3A_122 = arith.cmpi ne, %convert_element_type3A_120, %cond3A_121 : i32
            scf.if %cond3A_122 {
              %dma_wait3A_140 = arith.constant 0 : i32
              %dma_wait3A_141 = arith.constant 0 : i32
              %dma_wait3A_142 = tpu.memref_slice %arg12[%dma_wait3A_140, %dma_wait3A_141] : memref<10112x128xf32, #tpu.memory_space<vmem_shared>> -> memref<10112x128xf32, #tpu.memory_space<vmem_shared>>
              tpu.wait_indirect_dma semaphore(%arg20 : memref<!tpu.dma_semaphore, #tpu.memory_space<semaphore_mem>>) src(%arg16 : memref<160x128xf32, #tpu.memory_space<vmem>>) dst(%dma_wait3A_142 : memref<10112x128xf32, #tpu.memory_space<vmem_shared>>)
            } else {
            }
            %add3A_123 = arith.constant 1 : i32
            %add3A_124 = arith.addi %add3A_79, %add3A_123 : i32
            %mul3A_125 = arith.constant 1 : i32
            %mul3A_126 = arith.muli %add3A_124, %mul3A_125 : i32
            %add3A_127 = arith.constant 0 : i32
            %add3A_128 = arith.addi %mul3A_126, %add3A_127 : i32
            %mul3A_129 = arith.constant 16 : i32
            %mul3A_130 = arith.muli %add3A_128, %mul3A_129 : i32
            %add3A_131 = arith.addi %mul3A_130, %arg1 : i32
            %mul3A_132 = arith.constant 160 : i32
            %mul3A_133 = arith.muli %add3A_131, %mul3A_132 : i32
            %dma_start3A_134 = tpu.memref_slice %arg2[%mul3A_133] : memref<320000xi32, #tpu.memory_space<hbm>> -> memref<160xi32, #tpu.memory_space<hbm>>
            %dma_start3A_135 = tpu.memref_slice %arg2[%mul3A_133] : memref<320000xi32, #tpu.memory_space<hbm>> -> memref<160xi32, #tpu.memory_space<hbm>>
            tpu.enqueue_dma source(%dma_start3A_135 : memref<160xi32, #tpu.memory_space<hbm>>) target(%arg14 : memref<160xi32, #tpu.memory_space<vmem>>) target_semaphore(%arg18 : memref<!tpu.dma_semaphore, #tpu.memory_space<semaphore_mem>>)
            %dma_start3A_136 = arith.constant 0 : i32
            %dma_start3A_137 = tpu.memref_slice %arg3[%mul3A_133, %dma_start3A_136] : memref<320000x128xf32, #tpu.memory_space<hbm>> -> memref<160x128xf32, #tpu.memory_space<hbm>>
            %dma_start3A_138 = arith.constant 0 : i32
            %dma_start3A_139 = tpu.memref_slice %arg3[%mul3A_133, %dma_start3A_138] : memref<320000x128xf32, #tpu.memory_space<hbm>> -> memref<160x128xf32, #tpu.memory_space<hbm>>
            tpu.enqueue_dma source(%dma_start3A_139 : memref<160x128xf32, #tpu.memory_space<hbm>>) target(%arg16 : memref<160x128xf32, #tpu.memory_space<vmem>>) target_semaphore(%arg18 : memref<!tpu.dma_semaphore, #tpu.memory_space<semaphore_mem>>)
          } else {
          }
          %dma_wait3A_100 = arith.constant 0 : i32
          %dma_wait3A_101 = tpu.memref_slice %arg2[%dma_wait3A_100] : memref<320000xi32, #tpu.memory_space<hbm>> -> memref<160xi32, #tpu.memory_space<hbm>>
          %dma_wait3A_102 = arith.constant 0 : i32
          %dma_wait3A_103 = tpu.memref_slice %arg2[%dma_wait3A_102] : memref<320000xi32, #tpu.memory_space<hbm>> -> memref<160xi32, #tpu.memory_space<hbm>>
          tpu.wait_dma2 semaphore(%arg17 : memref<!tpu.dma_semaphore, #tpu.memory_space<semaphore_mem>>) src(%dma_wait3A_103 : memref<160xi32, #tpu.memory_space<hbm>>) dst(%arg13 : memref<160xi32, #tpu.memory_space<vmem>>)
          %dma_wait3A_104 = arith.constant 0 : i32
          %dma_wait3A_105 = arith.constant 0 : i32
          %dma_wait3A_106 = tpu.memref_slice %arg3[%dma_wait3A_104, %dma_wait3A_105] : memref<320000x128xf32, #tpu.memory_space<hbm>> -> memref<160x128xf32, #tpu.memory_space<hbm>>
          %dma_wait3A_107 = arith.constant 0 : i32
          %dma_wait3A_108 = arith.constant 0 : i32
          %dma_wait3A_109 = tpu.memref_slice %arg3[%dma_wait3A_107, %dma_wait3A_108] : memref<320000x128xf32, #tpu.memory_space<hbm>> -> memref<160x128xf32, #tpu.memory_space<hbm>>
          tpu.wait_dma2 semaphore(%arg17 : memref<!tpu.dma_semaphore, #tpu.memory_space<semaphore_mem>>) src(%dma_wait3A_109 : memref<160x128xf32, #tpu.memory_space<hbm>>) dst(%arg15 : memref<160x128xf32, #tpu.memory_space<vmem>>)
          %scan3A_110 = arith.constant 0 : i32
          %scan3A_111 = arith.constant 0 : i32
          %scan3A_112 = arith.constant 160 : i32
          %scan3A_113 = arith.addi %scan3A_111, %scan3A_112 : i32
          %scan3A_114 = arith.constant 1 : i32
          scf.for %scan3A_119 = %scan3A_111 to %scan3A_113 step %scan3A_114  : i32 {
            %get3A = arith.index_cast %scan3A_119 : i32 to index
            %get3A_120 = arith.constant 0 : index
            %get3A_121 = tpu.vector_load %arg15[%get3A, %get3A_120] {strides = array<i32>} : memref<160x128xf32, #tpu.memory_space<vmem>>, vector<1x16xf32>,
            %get3A_122 = vector.shape_cast %get3A_121 : vector<1x16xf32> to vector<16xf32>
            %mul3A_123 = arith.mulf %get3A_122, %get3A_122 : vector<16xf32>
            %mul3A_124 = arith.mulf %mul3A_123, %get3A_122 : vector<16xf32>
            %swap3A = arith.index_cast %scan3A_119 : i32 to index
            %swap3A_125 = arith.constant 0 : index
            %swap3A_126 = tpu.vector_load %arg15[%swap3A, %swap3A_125] {strides = array<i32>} : memref<160x128xf32, #tpu.memory_space<vmem>>, vector<1x16xf32>,
            %swap3A_127 = vector.shape_cast %swap3A_126 : vector<1x16xf32> to vector<16xf32>
            %swap3A_128 = vector.shape_cast %mul3A_124 : vector<16xf32> to vector<1x16xf32>
            tpu.vector_store %arg15[%swap3A, %swap3A_125], %swap3A_128 {strides = array<i32>} : memref<160x128xf32, #tpu.memory_space<vmem>>, vector<1x16xf32>,
            %get3A_129 = arith.index_cast %scan3A_119 : i32 to index
            %get3A_130 = arith.constant 16 : index
            %get3A_131 = tpu.vector_load %arg15[%get3A_129, %get3A_130] {strides = array<i32>} : memref<160x128xf32, #tpu.memory_space<vmem>>, vector<1x16xf32>,
            %get3A_132 = vector.shape_cast %get3A_131 : vector<1x16xf32> to vector<16xf32>
            %mul3A_133 = arith.mulf %get3A_132, %get3A_132 : vector<16xf32>
            %mul3A_134 = arith.mulf %mul3A_133, %get3A_132 : vector<16xf32>
            %swap3A_135 = arith.index_cast %scan3A_119 : i32 to index
            %swap3A_136 = arith.constant 16 : index
            %swap3A_137 = tpu.vector_load %arg15[%swap3A_135, %swap3A_136] {strides = array<i32>} : memref<160x128xf32, #tpu.memory_space<vmem>>, vector<1x16xf32>,
            %swap3A_138 = vector.shape_cast %swap3A_137 : vector<1x16xf32> to vector<16xf32>
            %swap3A_139 = vector.shape_cast %mul3A_134 : vector<16xf32> to vector<1x16xf32>
            tpu.vector_store %arg15[%swap3A_135, %swap3A_136], %swap3A_139 {strides = array<i32>} : memref<160x128xf32, #tpu.memory_space<vmem>>, vector<1x16xf32>,
            %get3A_140 = arith.index_cast %scan3A_119 : i32 to index
            %get3A_141 = arith.constant 32 : index
            %get3A_142 = tpu.vector_load %arg15[%get3A_140, %get3A_141] {strides = array<i32>} : memref<160x128xf32, #tpu.memory_space<vmem>>, vector<1x16xf32>,
            %get3A_143 = vector.shape_cast %get3A_142 : vector<1x16xf32> to vector<16xf32>
            %mul3A_144 = arith.mulf %get3A_143, %get3A_143 : vector<16xf32>
            %mul3A_145 = arith.mulf %mul3A_144, %get3A_143 : vector<16xf32>
            %swap3A_146 = arith.index_cast %scan3A_119 : i32 to index
            %swap3A_147 = arith.constant 32 : index
            %swap3A_148 = tpu.vector_load %arg15[%swap3A_146, %swap3A_147] {strides = array<i32>} : memref<160x128xf32, #tpu.memory_space<vmem>>, vector<1x16xf32>,
            %swap3A_149 = vector.shape_cast %swap3A_148 : vector<1x16xf32> to vector<16xf32>
            %swap3A_150 = vector.shape_cast %mul3A_145 : vector<16xf32> to vector<1x16xf32>
            tpu.vector_store %arg15[%swap3A_146, %swap3A_147], %swap3A_150 {strides = array<i32>} : memref<160x128xf32, #tpu.memory_space<vmem>>, vector<1x16xf32>,
            %get3A_151 = arith.index_cast %scan3A_119 : i32 to index
            %get3A_152 = arith.constant 48 : index
            %get3A_153 = tpu.vector_load %arg15[%get3A_151, %get3A_152] {strides = array<i32>} : memref<160x128xf32, #tpu.memory_space<vmem>>, vector<1x16xf32>,
            %get3A_154 = vector.shape_cast %get3A_153 : vector<1x16xf32> to vector<16xf32>
            %mul3A_155 = arith.mulf %get3A_154, %get3A_154 : vector<16xf32>
            %mul3A_156 = arith.mulf %mul3A_155, %get3A_154 : vector<16xf32>
            %swap3A_157 = arith.index_cast %scan3A_119 : i32 to index
            %swap3A_158 = arith.constant 48 : index
            %swap3A_159 = tpu.vector_load %arg15[%swap3A_157, %swap3A_158] {strides = array<i32>} : memref<160x128xf32, #tpu.memory_space<vmem>>, vector<1x16xf32>,
            %swap3A_160 = vector.shape_cast %swap3A_159 : vector<1x16xf32> to vector<16xf32>
            %swap3A_161 = vector.shape_cast %mul3A_156 : vector<16xf32> to vector<1x16xf32>
            tpu.vector_store %arg15[%swap3A_157, %swap3A_158], %swap3A_161 {strides = array<i32>} : memref<160x128xf32, #tpu.memory_space<vmem>>, vector<1x16xf32>,
            %get3A_162 = arith.index_cast %scan3A_119 : i32 to index
            %get3A_163 = arith.constant 64 : index
            %get3A_164 = tpu.vector_load %arg15[%get3A_162, %get3A_163] {strides = array<i32>} : memref<160x128xf32, #tpu.memory_space<vmem>>, vector<1x16xf32>,
            %get3A_165 = vector.shape_cast %get3A_164 : vector<1x16xf32> to vector<16xf32>
            %mul3A_166 = arith.mulf %get3A_165, %get3A_165 : vector<16xf32>
            %mul3A_167 = arith.mulf %mul3A_166, %get3A_165 : vector<16xf32>
            %swap3A_168 = arith.index_cast %scan3A_119 : i32 to index
            %swap3A_169 = arith.constant 64 : index
            %swap3A_170 = tpu.vector_load %arg15[%swap3A_168, %swap3A_169] {strides = array<i32>} : memref<160x128xf32, #tpu.memory_space<vmem>>, vector<1x16xf32>,
            %swap3A_171 = vector.shape_cast %swap3A_170 : vector<1x16xf32> to vector<16xf32>
            %swap3A_172 = vector.shape_cast %mul3A_167 : vector<16xf32> to vector<1x16xf32>
            tpu.vector_store %arg15[%swap3A_168, %swap3A_169], %swap3A_172 {strides = array<i32>} : memref<160x128xf32, #tpu.memory_space<vmem>>, vector<1x16xf32>,
            %get3A_173 = arith.index_cast %scan3A_119 : i32 to index
            %get3A_174 = arith.constant 80 : index
            %get3A_175 = tpu.vector_load %arg15[%get3A_173, %get3A_174] {strides = array<i32>} : memref<160x128xf32, #tpu.memory_space<vmem>>, vector<1x16xf32>,
            %get3A_176 = vector.shape_cast %get3A_175 : vector<1x16xf32> to vector<16xf32>
            %mul3A_177 = arith.mulf %get3A_176, %get3A_176 : vector<16xf32>
            %mul3A_178 = arith.mulf %mul3A_177, %get3A_176 : vector<16xf32>
            %swap3A_179 = arith.index_cast %scan3A_119 : i32 to index
            %swap3A_180 = arith.constant 80 : index
            %swap3A_181 = tpu.vector_load %arg15[%swap3A_179, %swap3A_180] {strides = array<i32>} : memref<160x128xf32, #tpu.memory_space<vmem>>, vector<1x16xf32>,
            %swap3A_182 = vector.shape_cast %swap3A_181 : vector<1x16xf32> to vector<16xf32>
            %swap3A_183 = vector.shape_cast %mul3A_178 : vector<16xf32> to vector<1x16xf32>
            tpu.vector_store %arg15[%swap3A_179, %swap3A_180], %swap3A_183 {strides = array<i32>} : memref<160x128xf32, #tpu.memory_space<vmem>>, vector<1x16xf32>,
            %get3A_184 = arith.index_cast %scan3A_119 : i32 to index
            %get3A_185 = arith.constant 96 : index
            %get3A_186 = tpu.vector_load %arg15[%get3A_184, %get3A_185] {strides = array<i32>} : memref<160x128xf32, #tpu.memory_space<vmem>>, vector<1x16xf32>,
            %get3A_187 = vector.shape_cast %get3A_186 : vector<1x16xf32> to vector<16xf32>
            %mul3A_188 = arith.mulf %get3A_187, %get3A_187 : vector<16xf32>
            %mul3A_189 = arith.mulf %mul3A_188, %get3A_187 : vector<16xf32>
            %swap3A_190 = arith.index_cast %scan3A_119 : i32 to index
            %swap3A_191 = arith.constant 96 : index
            %swap3A_192 = tpu.vector_load %arg15[%swap3A_190, %swap3A_191] {strides = array<i32>} : memref<160x128xf32, #tpu.memory_space<vmem>>, vector<1x16xf32>,
            %swap3A_193 = vector.shape_cast %swap3A_192 : vector<1x16xf32> to vector<16xf32>
            %swap3A_194 = vector.shape_cast %mul3A_189 : vector<16xf32> to vector<1x16xf32>
            tpu.vector_store %arg15[%swap3A_190, %swap3A_191], %swap3A_194 {strides = array<i32>} : memref<160x128xf32, #tpu.memory_space<vmem>>, vector<1x16xf32>,
            %get3A_195 = arith.index_cast %scan3A_119 : i32 to index
            %get3A_196 = arith.constant 112 : index
            %get3A_197 = tpu.vector_load %arg15[%get3A_195, %get3A_196] {strides = array<i32>} : memref<160x128xf32, #tpu.memory_space<vmem>>, vector<1x16xf32>,
            %get3A_198 = vector.shape_cast %get3A_197 : vector<1x16xf32> to vector<16xf32>
            %mul3A_199 = arith.mulf %get3A_198, %get3A_198 : vector<16xf32>
            %mul3A_200 = arith.mulf %mul3A_199, %get3A_198 : vector<16xf32>
            %swap3A_201 = arith.index_cast %scan3A_119 : i32 to index
            %swap3A_202 = arith.constant 112 : index
            %swap3A_203 = tpu.vector_load %arg15[%swap3A_201, %swap3A_202] {strides = array<i32>} : memref<160x128xf32, #tpu.memory_space<vmem>>, vector<1x16xf32>,
            %swap3A_204 = vector.shape_cast %swap3A_203 : vector<1x16xf32> to vector<16xf32>
            %swap3A_205 = vector.shape_cast %mul3A_200 : vector<16xf32> to vector<1x16xf32>
            tpu.vector_store %arg15[%swap3A_201, %swap3A_202], %swap3A_205 {strides = array<i32>} : memref<160x128xf32, #tpu.memory_space<vmem>>, vector<1x16xf32>,
          }
          %scan3A_115 = arith.constant 160 : i32
          %dma_start3A_116 = arith.constant 0 : i32
          %dma_start3A_117 = arith.constant 0 : i32
          %dma_start3A_118 = tpu.memref_slice %arg12[%dma_start3A_116, %dma_start3A_117] : memref<10112x128xf32, #tpu.memory_space<vmem_shared>> -> memref<10112x128xf32, #tpu.memory_space<vmem_shared>>
          tpu.enqueue_indirect_dma source(%arg15 : memref<160x128xf32, #tpu.memory_space<vmem>>) target(%dma_start3A_118 : memref<10112x128xf32, #tpu.memory_space<vmem_shared>>) offsets(%arg13 : memref<160xi32, #tpu.memory_space<vmem>>) semaphore(%arg19 : memref<!tpu.dma_semaphore, #tpu.memory_space<semaphore_mem>>) {add = true}
        } else {
        }
        %mul3A_84 = arith.constant 2 : i32
        %mul3A_85 = arith.muli %mul3A_84, %scan3A_75 : i32
        %add3A_86 = arith.constant 1 : i32
        %add3A_87 = arith.addi %mul3A_85, %add3A_86 : i32
        %lt3A_88 = arith.constant 125 : i32
        %lt3A_89 = arith.cmpi slt, %add3A_87, %lt3A_88 : i32
        %convert_element_type3A_90 = arith.extui %lt3A_89 : i1 to i32
        %cond3A_91 = arith.constant 0 : i32
        %cond3A_92 = arith.cmpi ne, %convert_element_type3A_90, %cond3A_91 : i32
        scf.if %cond3A_92 {
          %add3A_93 = arith.constant 1 : i32
          %add3A_94 = arith.addi %add3A_87, %add3A_93 : i32
          %lt3A_95 = arith.constant 125 : i32
          %lt3A_96 = arith.cmpi slt, %add3A_94, %lt3A_95 : i32
          %convert_element_type3A_97 = arith.extui %lt3A_96 : i1 to i32
          %cond3A_98 = arith.constant 0 : i32
          %cond3A_99 = arith.cmpi ne, %convert_element_type3A_97, %cond3A_98 : i32
          scf.if %cond3A_99 {
            %ge3A = arith.constant 1 : i32
            %ge3A_119 = arith.cmpi sge, %add3A_87, %ge3A : i32
            %convert_element_type3A_120 = arith.extui %ge3A_119 : i1 to i32
            %cond3A_121 = arith.constant 0 : i32
            %cond3A_122 = arith.cmpi ne, %convert_element_type3A_120, %cond3A_121 : i32
            scf.if %cond3A_122 {
              %dma_wait3A_140 = arith.constant 0 : i32
              %dma_wait3A_141 = arith.constant 0 : i32
              %dma_wait3A_142 = tpu.memref_slice %arg12[%dma_wait3A_140, %dma_wait3A_141] : memref<10112x128xf32, #tpu.memory_space<vmem_shared>> -> memref<10112x128xf32, #tpu.memory_space<vmem_shared>>
              tpu.wait_indirect_dma semaphore(%arg19 : memref<!tpu.dma_semaphore, #tpu.memory_space<semaphore_mem>>) src(%arg15 : memref<160x128xf32, #tpu.memory_space<vmem>>) dst(%dma_wait3A_142 : memref<10112x128xf32, #tpu.memory_space<vmem_shared>>)
            } else {
            }
            %add3A_123 = arith.constant 1 : i32
            %add3A_124 = arith.addi %add3A_87, %add3A_123 : i32
            %mul3A_125 = arith.constant 1 : i32
            %mul3A_126 = arith.muli %add3A_124, %mul3A_125 : i32
            %add3A_127 = arith.constant 0 : i32
            %add3A_128 = arith.addi %mul3A_126, %add3A_127 : i32
            %mul3A_129 = arith.constant 16 : i32
            %mul3A_130 = arith.muli %add3A_128, %mul3A_129 : i32
            %add3A_131 = arith.addi %mul3A_130, %arg1 : i32
            %mul3A_132 = arith.constant 160 : i32
            %mul3A_133 = arith.muli %add3A_131, %mul3A_132 : i32
            %dma_start3A_134 = tpu.memref_slice %arg2[%mul3A_133] : memref<320000xi32, #tpu.memory_space<hbm>> -> memref<160xi32, #tpu.memory_space<hbm>>
            %dma_start3A_135 = tpu.memref_slice %arg2[%mul3A_133] : memref<320000xi32, #tpu.memory_space<hbm>> -> memref<160xi32, #tpu.memory_space<hbm>>
            tpu.enqueue_dma source(%dma_start3A_135 : memref<160xi32, #tpu.memory_space<hbm>>) target(%arg13 : memref<160xi32, #tpu.memory_space<vmem>>) target_semaphore(%arg17 : memref<!tpu.dma_semaphore, #tpu.memory_space<semaphore_mem>>)
            %dma_start3A_136 = arith.constant 0 : i32
            %dma_start3A_137 = tpu.memref_slice %arg3[%mul3A_133, %dma_start3A_136] : memref<320000x128xf32, #tpu.memory_space<hbm>> -> memref<160x128xf32, #tpu.memory_space<hbm>>
            %dma_start3A_138 = arith.constant 0 : i32
            %dma_start3A_139 = tpu.memref_slice %arg3[%mul3A_133, %dma_start3A_138] : memref<320000x128xf32, #tpu.memory_space<hbm>> -> memref<160x128xf32, #tpu.memory_space<hbm>>
            tpu.enqueue_dma source(%dma_start3A_139 : memref<160x128xf32, #tpu.memory_space<hbm>>) target(%arg15 : memref<160x128xf32, #tpu.memory_space<vmem>>) target_semaphore(%arg17 : memref<!tpu.dma_semaphore, #tpu.memory_space<semaphore_mem>>)
          } else {
          }
          %dma_wait3A_100 = arith.constant 0 : i32
          %dma_wait3A_101 = tpu.memref_slice %arg2[%dma_wait3A_100] : memref<320000xi32, #tpu.memory_space<hbm>> -> memref<160xi32, #tpu.memory_space<hbm>>
          %dma_wait3A_102 = arith.constant 0 : i32
          %dma_wait3A_103 = tpu.memref_slice %arg2[%dma_wait3A_102] : memref<320000xi32, #tpu.memory_space<hbm>> -> memref<160xi32, #tpu.memory_space<hbm>>
          tpu.wait_dma2 semaphore(%arg18 : memref<!tpu.dma_semaphore, #tpu.memory_space<semaphore_mem>>) src(%dma_wait3A_103 : memref<160xi32, #tpu.memory_space<hbm>>) dst(%arg14 : memref<160xi32, #tpu.memory_space<vmem>>)
          %dma_wait3A_104 = arith.constant 0 : i32
          %dma_wait3A_105 = arith.constant 0 : i32
          %dma_wait3A_106 = tpu.memref_slice %arg3[%dma_wait3A_104, %dma_wait3A_105] : memref<320000x128xf32, #tpu.memory_space<hbm>> -> memref<160x128xf32, #tpu.memory_space<hbm>>
          %dma_wait3A_107 = arith.constant 0 : i32
          %dma_wait3A_108 = arith.constant 0 : i32
          %dma_wait3A_109 = tpu.memref_slice %arg3[%dma_wait3A_107, %dma_wait3A_108] : memref<320000x128xf32, #tpu.memory_space<hbm>> -> memref<160x128xf32, #tpu.memory_space<hbm>>
          tpu.wait_dma2 semaphore(%arg18 : memref<!tpu.dma_semaphore, #tpu.memory_space<semaphore_mem>>) src(%dma_wait3A_109 : memref<160x128xf32, #tpu.memory_space<hbm>>) dst(%arg16 : memref<160x128xf32, #tpu.memory_space<vmem>>)
          %scan3A_110 = arith.constant 0 : i32
          %scan3A_111 = arith.constant 0 : i32
          %scan3A_112 = arith.constant 160 : i32
          %scan3A_113 = arith.addi %scan3A_111, %scan3A_112 : i32
          %scan3A_114 = arith.constant 1 : i32
          scf.for %scan3A_119 = %scan3A_111 to %scan3A_113 step %scan3A_114  : i32 {
            %get3A = arith.index_cast %scan3A_119 : i32 to index
            %get3A_120 = arith.constant 0 : index
            %get3A_121 = tpu.vector_load %arg16[%get3A, %get3A_120] {strides = array<i32>} : memref<160x128xf32, #tpu.memory_space<vmem>>, vector<1x16xf32>,
            %get3A_122 = vector.shape_cast %get3A_121 : vector<1x16xf32> to vector<16xf32>
            %mul3A_123 = arith.mulf %get3A_122, %get3A_122 : vector<16xf32>
            %mul3A_124 = arith.mulf %mul3A_123, %get3A_122 : vector<16xf32>
            %swap3A = arith.index_cast %scan3A_119 : i32 to index
            %swap3A_125 = arith.constant 0 : index
            %swap3A_126 = tpu.vector_load %arg16[%swap3A, %swap3A_125] {strides = array<i32>} : memref<160x128xf32, #tpu.memory_space<vmem>>, vector<1x16xf32>,
            %swap3A_127 = vector.shape_cast %swap3A_126 : vector<1x16xf32> to vector<16xf32>
            %swap3A_128 = vector.shape_cast %mul3A_124 : vector<16xf32> to vector<1x16xf32>
            tpu.vector_store %arg16[%swap3A, %swap3A_125], %swap3A_128 {strides = array<i32>} : memref<160x128xf32, #tpu.memory_space<vmem>>, vector<1x16xf32>,
            %get3A_129 = arith.index_cast %scan3A_119 : i32 to index
            %get3A_130 = arith.constant 16 : index
            %get3A_131 = tpu.vector_load %arg16[%get3A_129, %get3A_130] {strides = array<i32>} : memref<160x128xf32, #tpu.memory_space<vmem>>, vector<1x16xf32>,
            %get3A_132 = vector.shape_cast %get3A_131 : vector<1x16xf32> to vector<16xf32>
            %mul3A_133 = arith.mulf %get3A_132, %get3A_132 : vector<16xf32>
            %mul3A_134 = arith.mulf %mul3A_133, %get3A_132 : vector<16xf32>
            %swap3A_135 = arith.index_cast %scan3A_119 : i32 to index
            %swap3A_136 = arith.constant 16 : index
            %swap3A_137 = tpu.vector_load %arg16[%swap3A_135, %swap3A_136] {strides = array<i32>} : memref<160x128xf32, #tpu.memory_space<vmem>>, vector<1x16xf32>,
            %swap3A_138 = vector.shape_cast %swap3A_137 : vector<1x16xf32> to vector<16xf32>
            %swap3A_139 = vector.shape_cast %mul3A_134 : vector<16xf32> to vector<1x16xf32>
            tpu.vector_store %arg16[%swap3A_135, %swap3A_136], %swap3A_139 {strides = array<i32>} : memref<160x128xf32, #tpu.memory_space<vmem>>, vector<1x16xf32>,
            %get3A_140 = arith.index_cast %scan3A_119 : i32 to index
            %get3A_141 = arith.constant 32 : index
            %get3A_142 = tpu.vector_load %arg16[%get3A_140, %get3A_141] {strides = array<i32>} : memref<160x128xf32, #tpu.memory_space<vmem>>, vector<1x16xf32>,
            %get3A_143 = vector.shape_cast %get3A_142 : vector<1x16xf32> to vector<16xf32>
            %mul3A_144 = arith.mulf %get3A_143, %get3A_143 : vector<16xf32>
            %mul3A_145 = arith.mulf %mul3A_144, %get3A_143 : vector<16xf32>
            %swap3A_146 = arith.index_cast %scan3A_119 : i32 to index
            %swap3A_147 = arith.constant 32 : index
            %swap3A_148 = tpu.vector_load %arg16[%swap3A_146, %swap3A_147] {strides = array<i32>} : memref<160x128xf32, #tpu.memory_space<vmem>>, vector<1x16xf32>,
            %swap3A_149 = vector.shape_cast %swap3A_148 : vector<1x16xf32> to vector<16xf32>
            %swap3A_150 = vector.shape_cast %mul3A_145 : vector<16xf32> to vector<1x16xf32>
            tpu.vector_store %arg16[%swap3A_146, %swap3A_147], %swap3A_150 {strides = array<i32>} : memref<160x128xf32, #tpu.memory_space<vmem>>, vector<1x16xf32>,
            %get3A_151 = arith.index_cast %scan3A_119 : i32 to index
            %get3A_152 = arith.constant 48 : index
            %get3A_153 = tpu.vector_load %arg16[%get3A_151, %get3A_152] {strides = array<i32>} : memref<160x128xf32, #tpu.memory_space<vmem>>, vector<1x16xf32>,
            %get3A_154 = vector.shape_cast %get3A_153 : vector<1x16xf32> to vector<16xf32>
            %mul3A_155 = arith.mulf %get3A_154, %get3A_154 : vector<16xf32>
            %mul3A_156 = arith.mulf %mul3A_155, %get3A_154 : vector<16xf32>
            %swap3A_157 = arith.index_cast %scan3A_119 : i32 to index
            %swap3A_158 = arith.constant 48 : index
            %swap3A_159 = tpu.vector_load %arg16[%swap3A_157, %swap3A_158] {strides = array<i32>} : memref<160x128xf32, #tpu.memory_space<vmem>>, vector<1x16xf32>,
            %swap3A_160 = vector.shape_cast %swap3A_159 : vector<1x16xf32> to vector<16xf32>
            %swap3A_161 = vector.shape_cast %mul3A_156 : vector<16xf32> to vector<1x16xf32>
            tpu.vector_store %arg16[%swap3A_157, %swap3A_158], %swap3A_161 {strides = array<i32>} : memref<160x128xf32, #tpu.memory_space<vmem>>, vector<1x16xf32>,
            %get3A_162 = arith.index_cast %scan3A_119 : i32 to index
            %get3A_163 = arith.constant 64 : index
            %get3A_164 = tpu.vector_load %arg16[%get3A_162, %get3A_163] {strides = array<i32>} : memref<160x128xf32, #tpu.memory_space<vmem>>, vector<1x16xf32>,
            %get3A_165 = vector.shape_cast %get3A_164 : vector<1x16xf32> to vector<16xf32>
            %mul3A_166 = arith.mulf %get3A_165, %get3A_165 : vector<16xf32>
            %mul3A_167 = arith.mulf %mul3A_166, %get3A_165 : vector<16xf32>
            %swap3A_168 = arith.index_cast %scan3A_119 : i32 to index
            %swap3A_169 = arith.constant 64 : index
            %swap3A_170 = tpu.vector_load %arg16[%swap3A_168, %swap3A_169] {strides = array<i32>} : memref<160x128xf32, #tpu.memory_space<vmem>>, vector<1x16xf32>,
            %swap3A_171 = vector.shape_cast %swap3A_170 : vector<1x16xf32> to vector<16xf32>
            %swap3A_172 = vector.shape_cast %mul3A_167 : vector<16xf32> to vector<1x16xf32>
            tpu.vector_store %arg16[%swap3A_168, %swap3A_169], %swap3A_172 {strides = array<i32>} : memref<160x128xf32, #tpu.memory_space<vmem>>, vector<1x16xf32>,
            %get3A_173 = arith.index_cast %scan3A_119 : i32 to index
            %get3A_174 = arith.constant 80 : index
            %get3A_175 = tpu.vector_load %arg16[%get3A_173, %get3A_174] {strides = array<i32>} : memref<160x128xf32, #tpu.memory_space<vmem>>, vector<1x16xf32>,
            %get3A_176 = vector.shape_cast %get3A_175 : vector<1x16xf32> to vector<16xf32>
            %mul3A_177 = arith.mulf %get3A_176, %get3A_176 : vector<16xf32>
            %mul3A_178 = arith.mulf %mul3A_177, %get3A_176 : vector<16xf32>
            %swap3A_179 = arith.index_cast %scan3A_119 : i32 to index
            %swap3A_180 = arith.constant 80 : index
            %swap3A_181 = tpu.vector_load %arg16[%swap3A_179, %swap3A_180] {strides = array<i32>} : memref<160x128xf32, #tpu.memory_space<vmem>>, vector<1x16xf32>,
            %swap3A_182 = vector.shape_cast %swap3A_181 : vector<1x16xf32> to vector<16xf32>
            %swap3A_183 = vector.shape_cast %mul3A_178 : vector<16xf32> to vector<1x16xf32>
            tpu.vector_store %arg16[%swap3A_179, %swap3A_180], %swap3A_183 {strides = array<i32>} : memref<160x128xf32, #tpu.memory_space<vmem>>, vector<1x16xf32>,
            %get3A_184 = arith.index_cast %scan3A_119 : i32 to index
            %get3A_185 = arith.constant 96 : index
            %get3A_186 = tpu.vector_load %arg16[%get3A_184, %get3A_185] {strides = array<i32>} : memref<160x128xf32, #tpu.memory_space<vmem>>, vector<1x16xf32>,
            %get3A_187 = vector.shape_cast %get3A_186 : vector<1x16xf32> to vector<16xf32>
            %mul3A_188 = arith.mulf %get3A_187, %get3A_187 : vector<16xf32>
            %mul3A_189 = arith.mulf %mul3A_188, %get3A_187 : vector<16xf32>
            %swap3A_190 = arith.index_cast %scan3A_119 : i32 to index
            %swap3A_191 = arith.constant 96 : index
            %swap3A_192 = tpu.vector_load %arg16[%swap3A_190, %swap3A_191] {strides = array<i32>} : memref<160x128xf32, #tpu.memory_space<vmem>>, vector<1x16xf32>,
            %swap3A_193 = vector.shape_cast %swap3A_192 : vector<1x16xf32> to vector<16xf32>
            %swap3A_194 = vector.shape_cast %mul3A_189 : vector<16xf32> to vector<1x16xf32>
            tpu.vector_store %arg16[%swap3A_190, %swap3A_191], %swap3A_194 {strides = array<i32>} : memref<160x128xf32, #tpu.memory_space<vmem>>, vector<1x16xf32>,
            %get3A_195 = arith.index_cast %scan3A_119 : i32 to index
            %get3A_196 = arith.constant 112 : index
            %get3A_197 = tpu.vector_load %arg16[%get3A_195, %get3A_196] {strides = array<i32>} : memref<160x128xf32, #tpu.memory_space<vmem>>, vector<1x16xf32>,
            %get3A_198 = vector.shape_cast %get3A_197 : vector<1x16xf32> to vector<16xf32>
            %mul3A_199 = arith.mulf %get3A_198, %get3A_198 : vector<16xf32>
            %mul3A_200 = arith.mulf %mul3A_199, %get3A_198 : vector<16xf32>
            %swap3A_201 = arith.index_cast %scan3A_119 : i32 to index
            %swap3A_202 = arith.constant 112 : index
            %swap3A_203 = tpu.vector_load %arg16[%swap3A_201, %swap3A_202] {strides = array<i32>} : memref<160x128xf32, #tpu.memory_space<vmem>>, vector<1x16xf32>,
            %swap3A_204 = vector.shape_cast %swap3A_203 : vector<1x16xf32> to vector<16xf32>
            %swap3A_205 = vector.shape_cast %mul3A_200 : vector<16xf32> to vector<1x16xf32>
            tpu.vector_store %arg16[%swap3A_201, %swap3A_202], %swap3A_205 {strides = array<i32>} : memref<160x128xf32, #tpu.memory_space<vmem>>, vector<1x16xf32>,
          }
          %scan3A_115 = arith.constant 160 : i32
          %dma_start3A_116 = arith.constant 0 : i32
          %dma_start3A_117 = arith.constant 0 : i32
          %dma_start3A_118 = tpu.memref_slice %arg12[%dma_start3A_116, %dma_start3A_117] : memref<10112x128xf32, #tpu.memory_space<vmem_shared>> -> memref<10112x128xf32, #tpu.memory_space<vmem_shared>>
          tpu.enqueue_indirect_dma source(%arg16 : memref<160x128xf32, #tpu.memory_space<vmem>>) target(%dma_start3A_118 : memref<10112x128xf32, #tpu.memory_space<vmem_shared>>) offsets(%arg14 : memref<160xi32, #tpu.memory_space<vmem>>) semaphore(%arg20 : memref<!tpu.dma_semaphore, #tpu.memory_space<semaphore_mem>>) {add = true}
        } else {
        }
      }
      %scan3A_20 = arith.constant 63 : i32
      %dma_wait3A = arith.constant 0 : i32
      %dma_wait3A_21 = arith.constant 0 : i32
      %dma_wait3A_22 = tpu.memref_slice %arg12[%dma_wait3A, %dma_wait3A_21] : memref<10112x128xf32, #tpu.memory_space<vmem_shared>> -> memref<10112x128xf32, #tpu.memory_space<vmem_shared>>
      tpu.wait_indirect_dma semaphore(%arg19 : memref<!tpu.dma_semaphore, #tpu.memory_space<semaphore_mem>>) src(%arg15 : memref<160x128xf32, #tpu.memory_space<vmem>>) dst(%dma_wait3A_22 : memref<10112x128xf32, #tpu.memory_space<vmem_shared>>)
      %dma_wait3A_23 = arith.constant 0 : i32
      %dma_wait3A_24 = arith.constant 0 : i32
      %dma_wait3A_25 = tpu.memref_slice %arg12[%dma_wait3A_23, %dma_wait3A_24] : memref<10112x128xf32, #tpu.memory_space<vmem_shared>> -> memref<10112x128xf32, #tpu.memory_space<vmem_shared>>
      tpu.wait_indirect_dma semaphore(%arg20 : memref<!tpu.dma_semaphore, #tpu.memory_space<semaphore_mem>>) src(%arg16 : memref<160x128xf32, #tpu.memory_space<vmem>>) dst(%dma_wait3A_25 : memref<10112x128xf32, #tpu.memory_space<vmem_shared>>)
      %barrier3A_26 = arith.constant 0 : index
      tpu.barrier barrier_id(%barrier3A_26)
      "tpu.region"() ({
        %run_scoped3A = tpu.sem_alloc : memref<!tpu.dma_semaphore, #tpu.memory_space<semaphore_mem>>
        %dma_start3A_75 = arith.constant 0 : i32
        %dma_start3A_76 = tpu.memref_slice %arg8[%mul3A_0, %dma_start3A_75] : memref<10112x128xf32, #tpu.memory_space<hbm>> -> memref<632x128xf32, #tpu.memory_space<hbm>>
        %dma_start3A_77 = arith.constant 0 : i32
        %dma_start3A_78 = tpu.memref_slice %arg12[%mul3A_0, %dma_start3A_77] : memref<10112x128xf32, #tpu.memory_space<vmem_shared>> -> memref<632x128xf32, #tpu.memory_space<vmem_shared>>
        tpu.enqueue_dma source(%dma_start3A_78 : memref<632x128xf32, #tpu.memory_space<vmem_shared>>) target(%dma_start3A_76 : memref<632x128xf32, #tpu.memory_space<hbm>>) target_semaphore(%run_scoped3A : memref<!tpu.dma_semaphore, #tpu.memory_space<semaphore_mem>>)
        %dma_wait3A_79 = arith.constant 0 : i32
        %dma_wait3A_80 = tpu.memref_slice %arg8[%mul3A_0, %dma_wait3A_79] : memref<10112x128xf32, #tpu.memory_space<hbm>> -> memref<632x128xf32, #tpu.memory_space<hbm>>
        %dma_wait3A_81 = arith.constant 0 : i32
        %dma_wait3A_82 = tpu.memref_slice %arg12[%mul3A_0, %dma_wait3A_81] : memref<10112x128xf32, #tpu.memory_space<vmem_shared>> -> memref<632x128xf32, #tpu.memory_space<vmem_shared>>
        tpu.wait_dma2 semaphore(%run_scoped3A : memref<!tpu.dma_semaphore, #tpu.memory_space<semaphore_mem>>) src(%dma_wait3A_82 : memref<632x128xf32, #tpu.memory_space<vmem_shared>>) dst(%dma_wait3A_80 : memref<632x128xf32, #tpu.memory_space<hbm>>)
        tpu.yield
      }) : () -> ()
      "tpu.region"() ({
        %run_scoped3A = tpu.sem_alloc : memref<!tpu.dma_semaphore, #tpu.memory_space<semaphore_mem>>
        %dma_start3A_75 = arith.constant 0 : i32
        %dma_start3A_76 = tpu.memref_slice %arg12[%mul3A_0, %dma_start3A_75] : memref<10112x128xf32, #tpu.memory_space<vmem_shared>> -> memref<632x128xf32, #tpu.memory_space<vmem_shared>>
        tpu.enqueue_dma source(%arg5 : memref<632x128xf32, #tpu.memory_space<hbm>>) target(%dma_start3A_76 : memref<632x128xf32, #tpu.memory_space<vmem_shared>>) target_semaphore(%run_scoped3A : memref<!tpu.dma_semaphore, #tpu.memory_space<semaphore_mem>>)
        %dma_wait3A_77 = arith.constant 0 : i32
        %dma_wait3A_78 = tpu.memref_slice %arg12[%mul3A_0, %dma_wait3A_77] : memref<10112x128xf32, #tpu.memory_space<vmem_shared>> -> memref<632x128xf32, #tpu.memory_space<vmem_shared>>
        tpu.wait_dma2 semaphore(%run_scoped3A : memref<!tpu.dma_semaphore, #tpu.memory_space<semaphore_mem>>) src(%arg5 : memref<632x128xf32, #tpu.memory_space<hbm>>) dst(%dma_wait3A_78 : memref<632x128xf32, #tpu.memory_space<vmem_shared>>)
        tpu.yield
      }) : () -> ()
      %barrier3A_27 = arith.constant 0 : index
      tpu.barrier barrier_id(%barrier3A_27)
      %add3A_28 = arith.constant 0 : i32
      %add3A_29 = arith.addi %add3A_28, %arg1 : i32
      %mul3A_30 = arith.constant 160 : i32
      %mul3A_31 = arith.muli %add3A_29, %mul3A_30 : i32
      %dma_start3A_32 = tpu.memref_slice %arg2[%mul3A_31] : memref<320000xi32, #tpu.memory_space<hbm>> -> memref<160xi32, #tpu.memory_space<hbm>>
      %dma_start3A_33 = tpu.memref_slice %arg2[%mul3A_31] : memref<320000xi32, #tpu.memory_space<hbm>> -> memref<160xi32, #tpu.memory_space<hbm>>
      tpu.enqueue_dma source(%dma_start3A_33 : memref<160xi32, #tpu.memory_space<hbm>>) target(%arg13 : memref<160xi32, #tpu.memory_space<vmem>>) target_semaphore(%arg17 : memref<!tpu.dma_semaphore, #tpu.memory_space<semaphore_mem>>)
      %dma_start3A_34 = arith.constant 0 : i32
      %dma_start3A_35 = tpu.memref_slice %arg3[%mul3A_31, %dma_start3A_34] : memref<320000x128xf32, #tpu.memory_space<hbm>> -> memref<160x128xf32, #tpu.memory_space<hbm>>
      %dma_start3A_36 = arith.constant 0 : i32
      %dma_start3A_37 = tpu.memref_slice %arg3[%mul3A_31, %dma_start3A_36] : memref<320000x128xf32, #tpu.memory_space<hbm>> -> memref<160x128xf32, #tpu.memory_space<hbm>>
      tpu.enqueue_dma source(%dma_start3A_37 : memref<160x128xf32, #tpu.memory_space<hbm>>) target(%arg15 : memref<160x128xf32, #tpu.memory_space<vmem>>) target_semaphore(%arg17 : memref<!tpu.dma_semaphore, #tpu.memory_space<semaphore_mem>>)
      %scan3A_38 = arith.constant 0 : i32
      %scan3A_39 = arith.constant 0 : i32
      %scan3A_40 = arith.constant 63 : i32
      %scan3A_41 = arith.addi %scan3A_39, %scan3A_40 : i32
      %scan3A_42 = arith.constant 1 : i32
      scf.for %scan3A_75 = %scan3A_39 to %scan3A_41 step %scan3A_42  : i32 {
        %mul3A_76 = arith.constant 2 : i32
        %mul3A_77 = arith.muli %mul3A_76, %scan3A_75 : i32
        %add3A_78 = arith.constant 0 : i32
        %add3A_79 = arith.addi %mul3A_77, %add3A_78 : i32
        %lt3A = arith.constant 125 : i32
        %lt3A_80 = arith.cmpi slt, %add3A_79, %lt3A : i32
        %convert_element_type3A_81 = arith.extui %lt3A_80 : i1 to i32
        %cond3A_82 = arith.constant 0 : i32
        %cond3A_83 = arith.cmpi ne, %convert_element_type3A_81, %cond3A_82 : i32
        scf.if %cond3A_83 {
          %add3A_93 = arith.constant 1 : i32
          %add3A_94 = arith.addi %add3A_79, %add3A_93 : i32
          %lt3A_95 = arith.constant 125 : i32
          %lt3A_96 = arith.cmpi slt, %add3A_94, %lt3A_95 : i32
          %convert_element_type3A_97 = arith.extui %lt3A_96 : i1 to i32
          %cond3A_98 = arith.constant 0 : i32
          %cond3A_99 = arith.cmpi ne, %convert_element_type3A_97, %cond3A_98 : i32
          scf.if %cond3A_99 {
            %ge3A = arith.constant 1 : i32
            %ge3A_119 = arith.cmpi sge, %add3A_79, %ge3A : i32
            %convert_element_type3A_120 = arith.extui %ge3A_119 : i1 to i32
            %cond3A_121 = arith.constant 0 : i32
            %cond3A_122 = arith.cmpi ne, %convert_element_type3A_120, %cond3A_121 : i32
            scf.if %cond3A_122 {
              %dma_wait3A_140 = arith.constant 0 : i32
              %dma_wait3A_141 = arith.constant 0 : i32
              %dma_wait3A_142 = tpu.memref_slice %arg12[%dma_wait3A_140, %dma_wait3A_141] : memref<10112x128xf32, #tpu.memory_space<vmem_shared>> -> memref<10112x128xf32, #tpu.memory_space<vmem_shared>>
              tpu.wait_indirect_dma semaphore(%arg20 : memref<!tpu.dma_semaphore, #tpu.memory_space<semaphore_mem>>) src(%arg16 : memref<160x128xf32, #tpu.memory_space<vmem>>) dst(%dma_wait3A_142 : memref<10112x128xf32, #tpu.memory_space<vmem_shared>>)
            } else {
            }
            %add3A_123 = arith.constant 1 : i32
            %add3A_124 = arith.addi %add3A_79, %add3A_123 : i32
            %mul3A_125 = arith.constant 1 : i32
            %mul3A_126 = arith.muli %add3A_124, %mul3A_125 : i32
            %add3A_127 = arith.constant 0 : i32
            %add3A_128 = arith.addi %mul3A_126, %add3A_127 : i32
            %mul3A_129 = arith.constant 16 : i32
            %mul3A_130 = arith.muli %add3A_128, %mul3A_129 : i32
            %add3A_131 = arith.addi %mul3A_130, %arg1 : i32
            %mul3A_132 = arith.constant 160 : i32
            %mul3A_133 = arith.muli %add3A_131, %mul3A_132 : i32
            %dma_start3A_134 = tpu.memref_slice %arg2[%mul3A_133] : memref<320000xi32, #tpu.memory_space<hbm>> -> memref<160xi32, #tpu.memory_space<hbm>>
            %dma_start3A_135 = tpu.memref_slice %arg2[%mul3A_133] : memref<320000xi32, #tpu.memory_space<hbm>> -> memref<160xi32, #tpu.memory_space<hbm>>
            tpu.enqueue_dma source(%dma_start3A_135 : memref<160xi32, #tpu.memory_space<hbm>>) target(%arg14 : memref<160xi32, #tpu.memory_space<vmem>>) target_semaphore(%arg18 : memref<!tpu.dma_semaphore, #tpu.memory_space<semaphore_mem>>)
            %dma_start3A_136 = arith.constant 0 : i32
            %dma_start3A_137 = tpu.memref_slice %arg3[%mul3A_133, %dma_start3A_136] : memref<320000x128xf32, #tpu.memory_space<hbm>> -> memref<160x128xf32, #tpu.memory_space<hbm>>
            %dma_start3A_138 = arith.constant 0 : i32
            %dma_start3A_139 = tpu.memref_slice %arg3[%mul3A_133, %dma_start3A_138] : memref<320000x128xf32, #tpu.memory_space<hbm>> -> memref<160x128xf32, #tpu.memory_space<hbm>>
            tpu.enqueue_dma source(%dma_start3A_139 : memref<160x128xf32, #tpu.memory_space<hbm>>) target(%arg16 : memref<160x128xf32, #tpu.memory_space<vmem>>) target_semaphore(%arg18 : memref<!tpu.dma_semaphore, #tpu.memory_space<semaphore_mem>>)
          } else {
          }
          %dma_wait3A_100 = arith.constant 0 : i32
          %dma_wait3A_101 = tpu.memref_slice %arg2[%dma_wait3A_100] : memref<320000xi32, #tpu.memory_space<hbm>> -> memref<160xi32, #tpu.memory_space<hbm>>
          %dma_wait3A_102 = arith.constant 0 : i32
          %dma_wait3A_103 = tpu.memref_slice %arg2[%dma_wait3A_102] : memref<320000xi32, #tpu.memory_space<hbm>> -> memref<160xi32, #tpu.memory_space<hbm>>
          tpu.wait_dma2 semaphore(%arg17 : memref<!tpu.dma_semaphore, #tpu.memory_space<semaphore_mem>>) src(%dma_wait3A_103 : memref<160xi32, #tpu.memory_space<hbm>>) dst(%arg13 : memref<160xi32, #tpu.memory_space<vmem>>)
          %dma_wait3A_104 = arith.constant 0 : i32
          %dma_wait3A_105 = arith.constant 0 : i32
          %dma_wait3A_106 = tpu.memref_slice %arg3[%dma_wait3A_104, %dma_wait3A_105] : memref<320000x128xf32, #tpu.memory_space<hbm>> -> memref<160x128xf32, #tpu.memory_space<hbm>>
          %dma_wait3A_107 = arith.constant 0 : i32
          %dma_wait3A_108 = arith.constant 0 : i32
          %dma_wait3A_109 = tpu.memref_slice %arg3[%dma_wait3A_107, %dma_wait3A_108] : memref<320000x128xf32, #tpu.memory_space<hbm>> -> memref<160x128xf32, #tpu.memory_space<hbm>>
          tpu.wait_dma2 semaphore(%arg17 : memref<!tpu.dma_semaphore, #tpu.memory_space<semaphore_mem>>) src(%dma_wait3A_109 : memref<160x128xf32, #tpu.memory_space<hbm>>) dst(%arg15 : memref<160x128xf32, #tpu.memory_space<vmem>>)
          %scan3A_110 = arith.constant 0 : i32
          %scan3A_111 = arith.constant 0 : i32
          %scan3A_112 = arith.constant 160 : i32
          %scan3A_113 = arith.addi %scan3A_111, %scan3A_112 : i32
          %scan3A_114 = arith.constant 1 : i32
          scf.for %scan3A_119 = %scan3A_111 to %scan3A_113 step %scan3A_114  : i32 {
            %get3A = arith.index_cast %scan3A_119 : i32 to index
            %get3A_120 = arith.constant 0 : index
            %get3A_121 = tpu.vector_load %arg15[%get3A, %get3A_120] {strides = array<i32>} : memref<160x128xf32, #tpu.memory_space<vmem>>, vector<1x16xf32>,
            %get3A_122 = vector.shape_cast %get3A_121 : vector<1x16xf32> to vector<16xf32>
            %mul3A_123 = arith.mulf %get3A_122, %get3A_122 : vector<16xf32>
            %mul3A_124 = arith.mulf %mul3A_123, %mul3A_123 : vector<16xf32>
            %swap3A = arith.index_cast %scan3A_119 : i32 to index
            %swap3A_125 = arith.constant 0 : index
            %swap3A_126 = tpu.vector_load %arg15[%swap3A, %swap3A_125] {strides = array<i32>} : memref<160x128xf32, #tpu.memory_space<vmem>>, vector<1x16xf32>,
            %swap3A_127 = vector.shape_cast %swap3A_126 : vector<1x16xf32> to vector<16xf32>
            %swap3A_128 = vector.shape_cast %mul3A_124 : vector<16xf32> to vector<1x16xf32>
            tpu.vector_store %arg15[%swap3A, %swap3A_125], %swap3A_128 {strides = array<i32>} : memref<160x128xf32, #tpu.memory_space<vmem>>, vector<1x16xf32>,
            %get3A_129 = arith.index_cast %scan3A_119 : i32 to index
            %get3A_130 = arith.constant 16 : index
            %get3A_131 = tpu.vector_load %arg15[%get3A_129, %get3A_130] {strides = array<i32>} : memref<160x128xf32, #tpu.memory_space<vmem>>, vector<1x16xf32>,
            %get3A_132 = vector.shape_cast %get3A_131 : vector<1x16xf32> to vector<16xf32>
            %mul3A_133 = arith.mulf %get3A_132, %get3A_132 : vector<16xf32>
            %mul3A_134 = arith.mulf %mul3A_133, %mul3A_133 : vector<16xf32>
            %swap3A_135 = arith.index_cast %scan3A_119 : i32 to index
            %swap3A_136 = arith.constant 16 : index
            %swap3A_137 = tpu.vector_load %arg15[%swap3A_135, %swap3A_136] {strides = array<i32>} : memref<160x128xf32, #tpu.memory_space<vmem>>, vector<1x16xf32>,
            %swap3A_138 = vector.shape_cast %swap3A_137 : vector<1x16xf32> to vector<16xf32>
            %swap3A_139 = vector.shape_cast %mul3A_134 : vector<16xf32> to vector<1x16xf32>
            tpu.vector_store %arg15[%swap3A_135, %swap3A_136], %swap3A_139 {strides = array<i32>} : memref<160x128xf32, #tpu.memory_space<vmem>>, vector<1x16xf32>,
            %get3A_140 = arith.index_cast %scan3A_119 : i32 to index
            %get3A_141 = arith.constant 32 : index
            %get3A_142 = tpu.vector_load %arg15[%get3A_140, %get3A_141] {strides = array<i32>} : memref<160x128xf32, #tpu.memory_space<vmem>>, vector<1x16xf32>,
            %get3A_143 = vector.shape_cast %get3A_142 : vector<1x16xf32> to vector<16xf32>
            %mul3A_144 = arith.mulf %get3A_143, %get3A_143 : vector<16xf32>
            %mul3A_145 = arith.mulf %mul3A_144, %mul3A_144 : vector<16xf32>
            %swap3A_146 = arith.index_cast %scan3A_119 : i32 to index
            %swap3A_147 = arith.constant 32 : index
            %swap3A_148 = tpu.vector_load %arg15[%swap3A_146, %swap3A_147] {strides = array<i32>} : memref<160x128xf32, #tpu.memory_space<vmem>>, vector<1x16xf32>,
            %swap3A_149 = vector.shape_cast %swap3A_148 : vector<1x16xf32> to vector<16xf32>
            %swap3A_150 = vector.shape_cast %mul3A_145 : vector<16xf32> to vector<1x16xf32>
            tpu.vector_store %arg15[%swap3A_146, %swap3A_147], %swap3A_150 {strides = array<i32>} : memref<160x128xf32, #tpu.memory_space<vmem>>, vector<1x16xf32>,
            %get3A_151 = arith.index_cast %scan3A_119 : i32 to index
            %get3A_152 = arith.constant 48 : index
            %get3A_153 = tpu.vector_load %arg15[%get3A_151, %get3A_152] {strides = array<i32>} : memref<160x128xf32, #tpu.memory_space<vmem>>, vector<1x16xf32>,
            %get3A_154 = vector.shape_cast %get3A_153 : vector<1x16xf32> to vector<16xf32>
            %mul3A_155 = arith.mulf %get3A_154, %get3A_154 : vector<16xf32>
            %mul3A_156 = arith.mulf %mul3A_155, %mul3A_155 : vector<16xf32>
            %swap3A_157 = arith.index_cast %scan3A_119 : i32 to index
            %swap3A_158 = arith.constant 48 : index
            %swap3A_159 = tpu.vector_load %arg15[%swap3A_157, %swap3A_158] {strides = array<i32>} : memref<160x128xf32, #tpu.memory_space<vmem>>, vector<1x16xf32>,
            %swap3A_160 = vector.shape_cast %swap3A_159 : vector<1x16xf32> to vector<16xf32>
            %swap3A_161 = vector.shape_cast %mul3A_156 : vector<16xf32> to vector<1x16xf32>
            tpu.vector_store %arg15[%swap3A_157, %swap3A_158], %swap3A_161 {strides = array<i32>} : memref<160x128xf32, #tpu.memory_space<vmem>>, vector<1x16xf32>,
            %get3A_162 = arith.index_cast %scan3A_119 : i32 to index
            %get3A_163 = arith.constant 64 : index
            %get3A_164 = tpu.vector_load %arg15[%get3A_162, %get3A_163] {strides = array<i32>} : memref<160x128xf32, #tpu.memory_space<vmem>>, vector<1x16xf32>,
            %get3A_165 = vector.shape_cast %get3A_164 : vector<1x16xf32> to vector<16xf32>
            %mul3A_166 = arith.mulf %get3A_165, %get3A_165 : vector<16xf32>
            %mul3A_167 = arith.mulf %mul3A_166, %mul3A_166 : vector<16xf32>
            %swap3A_168 = arith.index_cast %scan3A_119 : i32 to index
            %swap3A_169 = arith.constant 64 : index
            %swap3A_170 = tpu.vector_load %arg15[%swap3A_168, %swap3A_169] {strides = array<i32>} : memref<160x128xf32, #tpu.memory_space<vmem>>, vector<1x16xf32>,
            %swap3A_171 = vector.shape_cast %swap3A_170 : vector<1x16xf32> to vector<16xf32>
            %swap3A_172 = vector.shape_cast %mul3A_167 : vector<16xf32> to vector<1x16xf32>
            tpu.vector_store %arg15[%swap3A_168, %swap3A_169], %swap3A_172 {strides = array<i32>} : memref<160x128xf32, #tpu.memory_space<vmem>>, vector<1x16xf32>,
            %get3A_173 = arith.index_cast %scan3A_119 : i32 to index
            %get3A_174 = arith.constant 80 : index
            %get3A_175 = tpu.vector_load %arg15[%get3A_173, %get3A_174] {strides = array<i32>} : memref<160x128xf32, #tpu.memory_space<vmem>>, vector<1x16xf32>,
            %get3A_176 = vector.shape_cast %get3A_175 : vector<1x16xf32> to vector<16xf32>
            %mul3A_177 = arith.mulf %get3A_176, %get3A_176 : vector<16xf32>
            %mul3A_178 = arith.mulf %mul3A_177, %mul3A_177 : vector<16xf32>
            %swap3A_179 = arith.index_cast %scan3A_119 : i32 to index
            %swap3A_180 = arith.constant 80 : index
            %swap3A_181 = tpu.vector_load %arg15[%swap3A_179, %swap3A_180] {strides = array<i32>} : memref<160x128xf32, #tpu.memory_space<vmem>>, vector<1x16xf32>,
            %swap3A_182 = vector.shape_cast %swap3A_181 : vector<1x16xf32> to vector<16xf32>
            %swap3A_183 = vector.shape_cast %mul3A_178 : vector<16xf32> to vector<1x16xf32>
            tpu.vector_store %arg15[%swap3A_179, %swap3A_180], %swap3A_183 {strides = array<i32>} : memref<160x128xf32, #tpu.memory_space<vmem>>, vector<1x16xf32>,
            %get3A_184 = arith.index_cast %scan3A_119 : i32 to index
            %get3A_185 = arith.constant 96 : index
            %get3A_186 = tpu.vector_load %arg15[%get3A_184, %get3A_185] {strides = array<i32>} : memref<160x128xf32, #tpu.memory_space<vmem>>, vector<1x16xf32>,
            %get3A_187 = vector.shape_cast %get3A_186 : vector<1x16xf32> to vector<16xf32>
            %mul3A_188 = arith.mulf %get3A_187, %get3A_187 : vector<16xf32>
            %mul3A_189 = arith.mulf %mul3A_188, %mul3A_188 : vector<16xf32>
            %swap3A_190 = arith.index_cast %scan3A_119 : i32 to index
            %swap3A_191 = arith.constant 96 : index
            %swap3A_192 = tpu.vector_load %arg15[%swap3A_190, %swap3A_191] {strides = array<i32>} : memref<160x128xf32, #tpu.memory_space<vmem>>, vector<1x16xf32>,
            %swap3A_193 = vector.shape_cast %swap3A_192 : vector<1x16xf32> to vector<16xf32>
            %swap3A_194 = vector.shape_cast %mul3A_189 : vector<16xf32> to vector<1x16xf32>
            tpu.vector_store %arg15[%swap3A_190, %swap3A_191], %swap3A_194 {strides = array<i32>} : memref<160x128xf32, #tpu.memory_space<vmem>>, vector<1x16xf32>,
            %get3A_195 = arith.index_cast %scan3A_119 : i32 to index
            %get3A_196 = arith.constant 112 : index
            %get3A_197 = tpu.vector_load %arg15[%get3A_195, %get3A_196] {strides = array<i32>} : memref<160x128xf32, #tpu.memory_space<vmem>>, vector<1x16xf32>,
            %get3A_198 = vector.shape_cast %get3A_197 : vector<1x16xf32> to vector<16xf32>
            %mul3A_199 = arith.mulf %get3A_198, %get3A_198 : vector<16xf32>
            %mul3A_200 = arith.mulf %mul3A_199, %mul3A_199 : vector<16xf32>
            %swap3A_201 = arith.index_cast %scan3A_119 : i32 to index
            %swap3A_202 = arith.constant 112 : index
            %swap3A_203 = tpu.vector_load %arg15[%swap3A_201, %swap3A_202] {strides = array<i32>} : memref<160x128xf32, #tpu.memory_space<vmem>>, vector<1x16xf32>,
            %swap3A_204 = vector.shape_cast %swap3A_203 : vector<1x16xf32> to vector<16xf32>
            %swap3A_205 = vector.shape_cast %mul3A_200 : vector<16xf32> to vector<1x16xf32>
            tpu.vector_store %arg15[%swap3A_201, %swap3A_202], %swap3A_205 {strides = array<i32>} : memref<160x128xf32, #tpu.memory_space<vmem>>, vector<1x16xf32>,
          }
          %scan3A_115 = arith.constant 160 : i32
          %dma_start3A_116 = arith.constant 0 : i32
          %dma_start3A_117 = arith.constant 0 : i32
          %dma_start3A_118 = tpu.memref_slice %arg12[%dma_start3A_116, %dma_start3A_117] : memref<10112x128xf32, #tpu.memory_space<vmem_shared>> -> memref<10112x128xf32, #tpu.memory_space<vmem_shared>>
          tpu.enqueue_indirect_dma source(%arg15 : memref<160x128xf32, #tpu.memory_space<vmem>>) target(%dma_start3A_118 : memref<10112x128xf32, #tpu.memory_space<vmem_shared>>) offsets(%arg13 : memref<160xi32, #tpu.memory_space<vmem>>) semaphore(%arg19 : memref<!tpu.dma_semaphore, #tpu.memory_space<semaphore_mem>>) {add = true}
        } else {
        }
        %mul3A_84 = arith.constant 2 : i32
        %mul3A_85 = arith.muli %mul3A_84, %scan3A_75 : i32
        %add3A_86 = arith.constant 1 : i32
        %add3A_87 = arith.addi %mul3A_85, %add3A_86 : i32
        %lt3A_88 = arith.constant 125 : i32
        %lt3A_89 = arith.cmpi slt, %add3A_87, %lt3A_88 : i32
        %convert_element_type3A_90 = arith.extui %lt3A_89 : i1 to i32
        %cond3A_91 = arith.constant 0 : i32
        %cond3A_92 = arith.cmpi ne, %convert_element_type3A_90, %cond3A_91 : i32
        scf.if %cond3A_92 {
          %add3A_93 = arith.constant 1 : i32
          %add3A_94 = arith.addi %add3A_87, %add3A_93 : i32
          %lt3A_95 = arith.constant 125 : i32
          %lt3A_96 = arith.cmpi slt, %add3A_94, %lt3A_95 : i32
          %convert_element_type3A_97 = arith.extui %lt3A_96 : i1 to i32
          %cond3A_98 = arith.constant 0 : i32
          %cond3A_99 = arith.cmpi ne, %convert_element_type3A_97, %cond3A_98 : i32
          scf.if %cond3A_99 {
            %ge3A = arith.constant 1 : i32
            %ge3A_119 = arith.cmpi sge, %add3A_87, %ge3A : i32
            %convert_element_type3A_120 = arith.extui %ge3A_119 : i1 to i32
            %cond3A_121 = arith.constant 0 : i32
            %cond3A_122 = arith.cmpi ne, %convert_element_type3A_120, %cond3A_121 : i32
            scf.if %cond3A_122 {
              %dma_wait3A_140 = arith.constant 0 : i32
              %dma_wait3A_141 = arith.constant 0 : i32
              %dma_wait3A_142 = tpu.memref_slice %arg12[%dma_wait3A_140, %dma_wait3A_141] : memref<10112x128xf32, #tpu.memory_space<vmem_shared>> -> memref<10112x128xf32, #tpu.memory_space<vmem_shared>>
              tpu.wait_indirect_dma semaphore(%arg19 : memref<!tpu.dma_semaphore, #tpu.memory_space<semaphore_mem>>) src(%arg15 : memref<160x128xf32, #tpu.memory_space<vmem>>) dst(%dma_wait3A_142 : memref<10112x128xf32, #tpu.memory_space<vmem_shared>>)
            } else {
            }
            %add3A_123 = arith.constant 1 : i32
            %add3A_124 = arith.addi %add3A_87, %add3A_123 : i32
            %mul3A_125 = arith.constant 1 : i32
            %mul3A_126 = arith.muli %add3A_124, %mul3A_125 : i32
            %add3A_127 = arith.constant 0 : i32
            %add3A_128 = arith.addi %mul3A_126, %add3A_127 : i32
            %mul3A_129 = arith.constant 16 : i32
            %mul3A_130 = arith.muli %add3A_128, %mul3A_129 : i32
            %add3A_131 = arith.addi %mul3A_130, %arg1 : i32
            %mul3A_132 = arith.constant 160 : i32
            %mul3A_133 = arith.muli %add3A_131, %mul3A_132 : i32
            %dma_start3A_134 = tpu.memref_slice %arg2[%mul3A_133] : memref<320000xi32, #tpu.memory_space<hbm>> -> memref<160xi32, #tpu.memory_space<hbm>>
            %dma_start3A_135 = tpu.memref_slice %arg2[%mul3A_133] : memref<320000xi32, #tpu.memory_space<hbm>> -> memref<160xi32, #tpu.memory_space<hbm>>
            tpu.enqueue_dma source(%dma_start3A_135 : memref<160xi32, #tpu.memory_space<hbm>>) target(%arg13 : memref<160xi32, #tpu.memory_space<vmem>>) target_semaphore(%arg17 : memref<!tpu.dma_semaphore, #tpu.memory_space<semaphore_mem>>)
            %dma_start3A_136 = arith.constant 0 : i32
            %dma_start3A_137 = tpu.memref_slice %arg3[%mul3A_133, %dma_start3A_136] : memref<320000x128xf32, #tpu.memory_space<hbm>> -> memref<160x128xf32, #tpu.memory_space<hbm>>
            %dma_start3A_138 = arith.constant 0 : i32
            %dma_start3A_139 = tpu.memref_slice %arg3[%mul3A_133, %dma_start3A_138] : memref<320000x128xf32, #tpu.memory_space<hbm>> -> memref<160x128xf32, #tpu.memory_space<hbm>>
            tpu.enqueue_dma source(%dma_start3A_139 : memref<160x128xf32, #tpu.memory_space<hbm>>) target(%arg15 : memref<160x128xf32, #tpu.memory_space<vmem>>) target_semaphore(%arg17 : memref<!tpu.dma_semaphore, #tpu.memory_space<semaphore_mem>>)
          } else {
          }
          %dma_wait3A_100 = arith.constant 0 : i32
          %dma_wait3A_101 = tpu.memref_slice %arg2[%dma_wait3A_100] : memref<320000xi32, #tpu.memory_space<hbm>> -> memref<160xi32, #tpu.memory_space<hbm>>
          %dma_wait3A_102 = arith.constant 0 : i32
          %dma_wait3A_103 = tpu.memref_slice %arg2[%dma_wait3A_102] : memref<320000xi32, #tpu.memory_space<hbm>> -> memref<160xi32, #tpu.memory_space<hbm>>
          tpu.wait_dma2 semaphore(%arg18 : memref<!tpu.dma_semaphore, #tpu.memory_space<semaphore_mem>>) src(%dma_wait3A_103 : memref<160xi32, #tpu.memory_space<hbm>>) dst(%arg14 : memref<160xi32, #tpu.memory_space<vmem>>)
          %dma_wait3A_104 = arith.constant 0 : i32
          %dma_wait3A_105 = arith.constant 0 : i32
          %dma_wait3A_106 = tpu.memref_slice %arg3[%dma_wait3A_104, %dma_wait3A_105] : memref<320000x128xf32, #tpu.memory_space<hbm>> -> memref<160x128xf32, #tpu.memory_space<hbm>>
          %dma_wait3A_107 = arith.constant 0 : i32
          %dma_wait3A_108 = arith.constant 0 : i32
          %dma_wait3A_109 = tpu.memref_slice %arg3[%dma_wait3A_107, %dma_wait3A_108] : memref<320000x128xf32, #tpu.memory_space<hbm>> -> memref<160x128xf32, #tpu.memory_space<hbm>>
          tpu.wait_dma2 semaphore(%arg18 : memref<!tpu.dma_semaphore, #tpu.memory_space<semaphore_mem>>) src(%dma_wait3A_109 : memref<160x128xf32, #tpu.memory_space<hbm>>) dst(%arg16 : memref<160x128xf32, #tpu.memory_space<vmem>>)
          %scan3A_110 = arith.constant 0 : i32
          %scan3A_111 = arith.constant 0 : i32
          %scan3A_112 = arith.constant 160 : i32
          %scan3A_113 = arith.addi %scan3A_111, %scan3A_112 : i32
          %scan3A_114 = arith.constant 1 : i32
          scf.for %scan3A_119 = %scan3A_111 to %scan3A_113 step %scan3A_114  : i32 {
            %get3A = arith.index_cast %scan3A_119 : i32 to index
            %get3A_120 = arith.constant 0 : index
            %get3A_121 = tpu.vector_load %arg16[%get3A, %get3A_120] {strides = array<i32>} : memref<160x128xf32, #tpu.memory_space<vmem>>, vector<1x16xf32>,
            %get3A_122 = vector.shape_cast %get3A_121 : vector<1x16xf32> to vector<16xf32>
            %mul3A_123 = arith.mulf %get3A_122, %get3A_122 : vector<16xf32>
            %mul3A_124 = arith.mulf %mul3A_123, %mul3A_123 : vector<16xf32>
            %swap3A = arith.index_cast %scan3A_119 : i32 to index
            %swap3A_125 = arith.constant 0 : index
            %swap3A_126 = tpu.vector_load %arg16[%swap3A, %swap3A_125] {strides = array<i32>} : memref<160x128xf32, #tpu.memory_space<vmem>>, vector<1x16xf32>,
            %swap3A_127 = vector.shape_cast %swap3A_126 : vector<1x16xf32> to vector<16xf32>
            %swap3A_128 = vector.shape_cast %mul3A_124 : vector<16xf32> to vector<1x16xf32>
            tpu.vector_store %arg16[%swap3A, %swap3A_125], %swap3A_128 {strides = array<i32>} : memref<160x128xf32, #tpu.memory_space<vmem>>, vector<1x16xf32>,
            %get3A_129 = arith.index_cast %scan3A_119 : i32 to index
            %get3A_130 = arith.constant 16 : index
            %get3A_131 = tpu.vector_load %arg16[%get3A_129, %get3A_130] {strides = array<i32>} : memref<160x128xf32, #tpu.memory_space<vmem>>, vector<1x16xf32>,
            %get3A_132 = vector.shape_cast %get3A_131 : vector<1x16xf32> to vector<16xf32>
            %mul3A_133 = arith.mulf %get3A_132, %get3A_132 : vector<16xf32>
            %mul3A_134 = arith.mulf %mul3A_133, %mul3A_133 : vector<16xf32>
            %swap3A_135 = arith.index_cast %scan3A_119 : i32 to index
            %swap3A_136 = arith.constant 16 : index
            %swap3A_137 = tpu.vector_load %arg16[%swap3A_135, %swap3A_136] {strides = array<i32>} : memref<160x128xf32, #tpu.memory_space<vmem>>, vector<1x16xf32>,
            %swap3A_138 = vector.shape_cast %swap3A_137 : vector<1x16xf32> to vector<16xf32>
            %swap3A_139 = vector.shape_cast %mul3A_134 : vector<16xf32> to vector<1x16xf32>
            tpu.vector_store %arg16[%swap3A_135, %swap3A_136], %swap3A_139 {strides = array<i32>} : memref<160x128xf32, #tpu.memory_space<vmem>>, vector<1x16xf32>,
            %get3A_140 = arith.index_cast %scan3A_119 : i32 to index
            %get3A_141 = arith.constant 32 : index
            %get3A_142 = tpu.vector_load %arg16[%get3A_140, %get3A_141] {strides = array<i32>} : memref<160x128xf32, #tpu.memory_space<vmem>>, vector<1x16xf32>,
            %get3A_143 = vector.shape_cast %get3A_142 : vector<1x16xf32> to vector<16xf32>
            %mul3A_144 = arith.mulf %get3A_143, %get3A_143 : vector<16xf32>
            %mul3A_145 = arith.mulf %mul3A_144, %mul3A_144 : vector<16xf32>
            %swap3A_146 = arith.index_cast %scan3A_119 : i32 to index
            %swap3A_147 = arith.constant 32 : index
            %swap3A_148 = tpu.vector_load %arg16[%swap3A_146, %swap3A_147] {strides = array<i32>} : memref<160x128xf32, #tpu.memory_space<vmem>>, vector<1x16xf32>,
            %swap3A_149 = vector.shape_cast %swap3A_148 : vector<1x16xf32> to vector<16xf32>
            %swap3A_150 = vector.shape_cast %mul3A_145 : vector<16xf32> to vector<1x16xf32>
            tpu.vector_store %arg16[%swap3A_146, %swap3A_147], %swap3A_150 {strides = array<i32>} : memref<160x128xf32, #tpu.memory_space<vmem>>, vector<1x16xf32>,
            %get3A_151 = arith.index_cast %scan3A_119 : i32 to index
            %get3A_152 = arith.constant 48 : index
            %get3A_153 = tpu.vector_load %arg16[%get3A_151, %get3A_152] {strides = array<i32>} : memref<160x128xf32, #tpu.memory_space<vmem>>, vector<1x16xf32>,
            %get3A_154 = vector.shape_cast %get3A_153 : vector<1x16xf32> to vector<16xf32>
            %mul3A_155 = arith.mulf %get3A_154, %get3A_154 : vector<16xf32>
            %mul3A_156 = arith.mulf %mul3A_155, %mul3A_155 : vector<16xf32>
            %swap3A_157 = arith.index_cast %scan3A_119 : i32 to index
            %swap3A_158 = arith.constant 48 : index
            %swap3A_159 = tpu.vector_load %arg16[%swap3A_157, %swap3A_158] {strides = array<i32>} : memref<160x128xf32, #tpu.memory_space<vmem>>, vector<1x16xf32>,
            %swap3A_160 = vector.shape_cast %swap3A_159 : vector<1x16xf32> to vector<16xf32>
            %swap3A_161 = vector.shape_cast %mul3A_156 : vector<16xf32> to vector<1x16xf32>
            tpu.vector_store %arg16[%swap3A_157, %swap3A_158], %swap3A_161 {strides = array<i32>} : memref<160x128xf32, #tpu.memory_space<vmem>>, vector<1x16xf32>,
            %get3A_162 = arith.index_cast %scan3A_119 : i32 to index
            %get3A_163 = arith.constant 64 : index
            %get3A_164 = tpu.vector_load %arg16[%get3A_162, %get3A_163] {strides = array<i32>} : memref<160x128xf32, #tpu.memory_space<vmem>>, vector<1x16xf32>,
            %get3A_165 = vector.shape_cast %get3A_164 : vector<1x16xf32> to vector<16xf32>
            %mul3A_166 = arith.mulf %get3A_165, %get3A_165 : vector<16xf32>
            %mul3A_167 = arith.mulf %mul3A_166, %mul3A_166 : vector<16xf32>
            %swap3A_168 = arith.index_cast %scan3A_119 : i32 to index
            %swap3A_169 = arith.constant 64 : index
            %swap3A_170 = tpu.vector_load %arg16[%swap3A_168, %swap3A_169] {strides = array<i32>} : memref<160x128xf32, #tpu.memory_space<vmem>>, vector<1x16xf32>,
            %swap3A_171 = vector.shape_cast %swap3A_170 : vector<1x16xf32> to vector<16xf32>
            %swap3A_172 = vector.shape_cast %mul3A_167 : vector<16xf32> to vector<1x16xf32>
            tpu.vector_store %arg16[%swap3A_168, %swap3A_169], %swap3A_172 {strides = array<i32>} : memref<160x128xf32, #tpu.memory_space<vmem>>, vector<1x16xf32>,
            %get3A_173 = arith.index_cast %scan3A_119 : i32 to index
            %get3A_174 = arith.constant 80 : index
            %get3A_175 = tpu.vector_load %arg16[%get3A_173, %get3A_174] {strides = array<i32>} : memref<160x128xf32, #tpu.memory_space<vmem>>, vector<1x16xf32>,
            %get3A_176 = vector.shape_cast %get3A_175 : vector<1x16xf32> to vector<16xf32>
            %mul3A_177 = arith.mulf %get3A_176, %get3A_176 : vector<16xf32>
            %mul3A_178 = arith.mulf %mul3A_177, %mul3A_177 : vector<16xf32>
            %swap3A_179 = arith.index_cast %scan3A_119 : i32 to index
            %swap3A_180 = arith.constant 80 : index
            %swap3A_181 = tpu.vector_load %arg16[%swap3A_179, %swap3A_180] {strides = array<i32>} : memref<160x128xf32, #tpu.memory_space<vmem>>, vector<1x16xf32>,
            %swap3A_182 = vector.shape_cast %swap3A_181 : vector<1x16xf32> to vector<16xf32>
            %swap3A_183 = vector.shape_cast %mul3A_178 : vector<16xf32> to vector<1x16xf32>
            tpu.vector_store %arg16[%swap3A_179, %swap3A_180], %swap3A_183 {strides = array<i32>} : memref<160x128xf32, #tpu.memory_space<vmem>>, vector<1x16xf32>,
            %get3A_184 = arith.index_cast %scan3A_119 : i32 to index
            %get3A_185 = arith.constant 96 : index
            %get3A_186 = tpu.vector_load %arg16[%get3A_184, %get3A_185] {strides = array<i32>} : memref<160x128xf32, #tpu.memory_space<vmem>>, vector<1x16xf32>,
            %get3A_187 = vector.shape_cast %get3A_186 : vector<1x16xf32> to vector<16xf32>
            %mul3A_188 = arith.mulf %get3A_187, %get3A_187 : vector<16xf32>
            %mul3A_189 = arith.mulf %mul3A_188, %mul3A_188 : vector<16xf32>
            %swap3A_190 = arith.index_cast %scan3A_119 : i32 to index
            %swap3A_191 = arith.constant 96 : index
            %swap3A_192 = tpu.vector_load %arg16[%swap3A_190, %swap3A_191] {strides = array<i32>} : memref<160x128xf32, #tpu.memory_space<vmem>>, vector<1x16xf32>,
            %swap3A_193 = vector.shape_cast %swap3A_192 : vector<1x16xf32> to vector<16xf32>
            %swap3A_194 = vector.shape_cast %mul3A_189 : vector<16xf32> to vector<1x16xf32>
            tpu.vector_store %arg16[%swap3A_190, %swap3A_191], %swap3A_194 {strides = array<i32>} : memref<160x128xf32, #tpu.memory_space<vmem>>, vector<1x16xf32>,
            %get3A_195 = arith.index_cast %scan3A_119 : i32 to index
            %get3A_196 = arith.constant 112 : index
            %get3A_197 = tpu.vector_load %arg16[%get3A_195, %get3A_196] {strides = array<i32>} : memref<160x128xf32, #tpu.memory_space<vmem>>, vector<1x16xf32>,
            %get3A_198 = vector.shape_cast %get3A_197 : vector<1x16xf32> to vector<16xf32>
            %mul3A_199 = arith.mulf %get3A_198, %get3A_198 : vector<16xf32>
            %mul3A_200 = arith.mulf %mul3A_199, %mul3A_199 : vector<16xf32>
            %swap3A_201 = arith.index_cast %scan3A_119 : i32 to index
            %swap3A_202 = arith.constant 112 : index
            %swap3A_203 = tpu.vector_load %arg16[%swap3A_201, %swap3A_202] {strides = array<i32>} : memref<160x128xf32, #tpu.memory_space<vmem>>, vector<1x16xf32>,
            %swap3A_204 = vector.shape_cast %swap3A_203 : vector<1x16xf32> to vector<16xf32>
            %swap3A_205 = vector.shape_cast %mul3A_200 : vector<16xf32> to vector<1x16xf32>
            tpu.vector_store %arg16[%swap3A_201, %swap3A_202], %swap3A_205 {strides = array<i32>} : memref<160x128xf32, #tpu.memory_space<vmem>>, vector<1x16xf32>,
          }
          %scan3A_115 = arith.constant 160 : i32
          %dma_start3A_116 = arith.constant 0 : i32
          %dma_start3A_117 = arith.constant 0 : i32
          %dma_start3A_118 = tpu.memref_slice %arg12[%dma_start3A_116, %dma_start3A_117] : memref<10112x128xf32, #tpu.memory_space<vmem_shared>> -> memref<10112x128xf32, #tpu.memory_space<vmem_shared>>
          tpu.enqueue_indirect_dma source(%arg16 : memref<160x128xf32, #tpu.memory_space<vmem>>) target(%dma_start3A_118 : memref<10112x128xf32, #tpu.memory_space<vmem_shared>>) offsets(%arg14 : memref<160xi32, #tpu.memory_space<vmem>>) semaphore(%arg20 : memref<!tpu.dma_semaphore, #tpu.memory_space<semaphore_mem>>) {add = true}
        } else {
        }
      }
      %scan3A_43 = arith.constant 63 : i32
      %dma_wait3A_44 = arith.constant 0 : i32
      %dma_wait3A_45 = arith.constant 0 : i32
      %dma_wait3A_46 = tpu.memref_slice %arg12[%dma_wait3A_44, %dma_wait3A_45] : memref<10112x128xf32, #tpu.memory_space<vmem_shared>> -> memref<10112x128xf32, #tpu.memory_space<vmem_shared>>
      tpu.wait_indirect_dma semaphore(%arg19 : memref<!tpu.dma_semaphore, #tpu.memory_space<semaphore_mem>>) src(%arg15 : memref<160x128xf32, #tpu.memory_space<vmem>>) dst(%dma_wait3A_46 : memref<10112x128xf32, #tpu.memory_space<vmem_shared>>)
      %dma_wait3A_47 = arith.constant 0 : i32
      %dma_wait3A_48 = arith.constant 0 : i32
      %dma_wait3A_49 = tpu.memref_slice %arg12[%dma_wait3A_47, %dma_wait3A_48] : memref<10112x128xf32, #tpu.memory_space<vmem_shared>> -> memref<10112x128xf32, #tpu.memory_space<vmem_shared>>
      tpu.wait_indirect_dma semaphore(%arg20 : memref<!tpu.dma_semaphore, #tpu.memory_space<semaphore_mem>>) src(%arg16 : memref<160x128xf32, #tpu.memory_space<vmem>>) dst(%dma_wait3A_49 : memref<10112x128xf32, #tpu.memory_space<vmem_shared>>)
      %barrier3A_50 = arith.constant 0 : index
      tpu.barrier barrier_id(%barrier3A_50)
      "tpu.region"() ({
        %run_scoped3A = tpu.sem_alloc : memref<!tpu.dma_semaphore, #tpu.memory_space<semaphore_mem>>
        %dma_start3A_75 = arith.constant 0 : i32
        %dma_start3A_76 = tpu.memref_slice %arg9[%mul3A_0, %dma_start3A_75] : memref<10112x128xf32, #tpu.memory_space<hbm>> -> memref<632x128xf32, #tpu.memory_space<hbm>>
        %dma_start3A_77 = arith.constant 0 : i32
        %dma_start3A_78 = tpu.memref_slice %arg12[%mul3A_0, %dma_start3A_77] : memref<10112x128xf32, #tpu.memory_space<vmem_shared>> -> memref<632x128xf32, #tpu.memory_space<vmem_shared>>
        tpu.enqueue_dma source(%dma_start3A_78 : memref<632x128xf32, #tpu.memory_space<vmem_shared>>) target(%dma_start3A_76 : memref<632x128xf32, #tpu.memory_space<hbm>>) target_semaphore(%run_scoped3A : memref<!tpu.dma_semaphore, #tpu.memory_space<semaphore_mem>>)
        %dma_wait3A_79 = arith.constant 0 : i32
        %dma_wait3A_80 = tpu.memref_slice %arg9[%mul3A_0, %dma_wait3A_79] : memref<10112x128xf32, #tpu.memory_space<hbm>> -> memref<632x128xf32, #tpu.memory_space<hbm>>
        %dma_wait3A_81 = arith.constant 0 : i32
        %dma_wait3A_82 = tpu.memref_slice %arg12[%mul3A_0, %dma_wait3A_81] : memref<10112x128xf32, #tpu.memory_space<vmem_shared>> -> memref<632x128xf32, #tpu.memory_space<vmem_shared>>
        tpu.wait_dma2 semaphore(%run_scoped3A : memref<!tpu.dma_semaphore, #tpu.memory_space<semaphore_mem>>) src(%dma_wait3A_82 : memref<632x128xf32, #tpu.memory_space<vmem_shared>>) dst(%dma_wait3A_80 : memref<632x128xf32, #tpu.memory_space<hbm>>)
        tpu.yield
      }) : () -> ()
      "tpu.region"() ({
        %run_scoped3A = tpu.sem_alloc : memref<!tpu.dma_semaphore, #tpu.memory_space<semaphore_mem>>
        %dma_start3A_75 = arith.constant 0 : i32
        %dma_start3A_76 = tpu.memref_slice %arg12[%mul3A_0, %dma_start3A_75] : memref<10112x128xf32, #tpu.memory_space<vmem_shared>> -> memref<632x128xf32, #tpu.memory_space<vmem_shared>>
        tpu.enqueue_dma source(%arg5 : memref<632x128xf32, #tpu.memory_space<hbm>>) target(%dma_start3A_76 : memref<632x128xf32, #tpu.memory_space<vmem_shared>>) target_semaphore(%run_scoped3A : memref<!tpu.dma_semaphore, #tpu.memory_space<semaphore_mem>>)
        %dma_wait3A_77 = arith.constant 0 : i32
        %dma_wait3A_78 = tpu.memref_slice %arg12[%mul3A_0, %dma_wait3A_77] : memref<10112x128xf32, #tpu.memory_space<vmem_shared>> -> memref<632x128xf32, #tpu.memory_space<vmem_shared>>
        tpu.wait_dma2 semaphore(%run_scoped3A : memref<!tpu.dma_semaphore, #tpu.memory_space<semaphore_mem>>) src(%arg5 : memref<632x128xf32, #tpu.memory_space<hbm>>) dst(%dma_wait3A_78 : memref<632x128xf32, #tpu.memory_space<vmem_shared>>)
        tpu.yield
      }) : () -> ()
      %barrier3A_51 = arith.constant 0 : index
      tpu.barrier barrier_id(%barrier3A_51)
      %add3A_52 = arith.constant 16 : i32
      %add3A_53 = arith.addi %add3A_52, %arg1 : i32
      %mul3A_54 = arith.constant 160 : i32
      %mul3A_55 = arith.muli %add3A_53, %mul3A_54 : i32
      %dma_start3A_56 = tpu.memref_slice %arg2[%mul3A_55] : memref<320000xi32, #tpu.memory_space<hbm>> -> memref<160xi32, #tpu.memory_space<hbm>>
      %dma_start3A_57 = tpu.memref_slice %arg2[%mul3A_55] : memref<320000xi32, #tpu.memory_space<hbm>> -> memref<160xi32, #tpu.memory_space<hbm>>
      tpu.enqueue_dma source(%dma_start3A_57 : memref<160xi32, #tpu.memory_space<hbm>>) target(%arg13 : memref<160xi32, #tpu.memory_space<vmem>>) target_semaphore(%arg17 : memref<!tpu.dma_semaphore, #tpu.memory_space<semaphore_mem>>)
      %dma_start3A_58 = arith.constant 0 : i32
      %dma_start3A_59 = tpu.memref_slice %arg4[%mul3A_55, %dma_start3A_58] : memref<320000x128xf32, #tpu.memory_space<hbm>> -> memref<160x128xf32, #tpu.memory_space<hbm>>
      %dma_start3A_60 = arith.constant 0 : i32
      %dma_start3A_61 = tpu.memref_slice %arg4[%mul3A_55, %dma_start3A_60] : memref<320000x128xf32, #tpu.memory_space<hbm>> -> memref<160x128xf32, #tpu.memory_space<hbm>>
      tpu.enqueue_dma source(%dma_start3A_61 : memref<160x128xf32, #tpu.memory_space<hbm>>) target(%arg15 : memref<160x128xf32, #tpu.memory_space<vmem>>) target_semaphore(%arg17 : memref<!tpu.dma_semaphore, #tpu.memory_space<semaphore_mem>>)
      %scan3A_62 = arith.constant 0 : i32
      %scan3A_63 = arith.constant 0 : i32
      %scan3A_64 = arith.constant 31 : i32
      %scan3A_65 = arith.addi %scan3A_63, %scan3A_64 : i32
      %scan3A_66 = arith.constant 1 : i32
      scf.for %scan3A_75 = %scan3A_63 to %scan3A_65 step %scan3A_66  : i32 {
        %mul3A_76 = arith.constant 2 : i32
        %mul3A_77 = arith.muli %mul3A_76, %scan3A_75 : i32
        %add3A_78 = arith.constant 0 : i32
        %add3A_79 = arith.addi %mul3A_77, %add3A_78 : i32
        %lt3A = arith.constant 62 : i32
        %lt3A_80 = arith.cmpi slt, %add3A_79, %lt3A : i32
        %convert_element_type3A_81 = arith.extui %lt3A_80 : i1 to i32
        %cond3A_82 = arith.constant 0 : i32
        %cond3A_83 = arith.cmpi ne, %convert_element_type3A_81, %cond3A_82 : i32
        scf.if %cond3A_83 {
          %add3A_93 = arith.constant 1 : i32
          %add3A_94 = arith.addi %add3A_79, %add3A_93 : i32
          %lt3A_95 = arith.constant 62 : i32
          %lt3A_96 = arith.cmpi slt, %add3A_94, %lt3A_95 : i32
          %convert_element_type3A_97 = arith.extui %lt3A_96 : i1 to i32
          %cond3A_98 = arith.constant 0 : i32
          %cond3A_99 = arith.cmpi ne, %convert_element_type3A_97, %cond3A_98 : i32
          scf.if %cond3A_99 {
            %ge3A = arith.constant 1 : i32
            %ge3A_113 = arith.cmpi sge, %add3A_79, %ge3A : i32
            %convert_element_type3A_114 = arith.extui %ge3A_113 : i1 to i32
            %cond3A_115 = arith.constant 0 : i32
            %cond3A_116 = arith.cmpi ne, %convert_element_type3A_114, %cond3A_115 : i32
            scf.if %cond3A_116 {
              %dma_wait3A_134 = arith.constant 0 : i32
              %dma_wait3A_135 = arith.constant 0 : i32
              %dma_wait3A_136 = tpu.memref_slice %arg12[%dma_wait3A_134, %dma_wait3A_135] : memref<10112x128xf32, #tpu.memory_space<vmem_shared>> -> memref<10112x128xf32, #tpu.memory_space<vmem_shared>>
              tpu.wait_indirect_dma semaphore(%arg20 : memref<!tpu.dma_semaphore, #tpu.memory_space<semaphore_mem>>) src(%arg16 : memref<160x128xf32, #tpu.memory_space<vmem>>) dst(%dma_wait3A_136 : memref<10112x128xf32, #tpu.memory_space<vmem_shared>>)
            } else {
            }
            %add3A_117 = arith.constant 1 : i32
            %add3A_118 = arith.addi %add3A_79, %add3A_117 : i32
            %mul3A_119 = arith.constant 2 : i32
            %mul3A_120 = arith.muli %add3A_118, %mul3A_119 : i32
            %add3A_121 = arith.constant 1 : i32
            %add3A_122 = arith.addi %mul3A_120, %add3A_121 : i32
            %mul3A_123 = arith.constant 16 : i32
            %mul3A_124 = arith.muli %add3A_122, %mul3A_123 : i32
            %add3A_125 = arith.addi %mul3A_124, %arg1 : i32
            %mul3A_126 = arith.constant 160 : i32
            %mul3A_127 = arith.muli %add3A_125, %mul3A_126 : i32
            %dma_start3A_128 = tpu.memref_slice %arg2[%mul3A_127] : memref<320000xi32, #tpu.memory_space<hbm>> -> memref<160xi32, #tpu.memory_space<hbm>>
            %dma_start3A_129 = tpu.memref_slice %arg2[%mul3A_127] : memref<320000xi32, #tpu.memory_space<hbm>> -> memref<160xi32, #tpu.memory_space<hbm>>
            tpu.enqueue_dma source(%dma_start3A_129 : memref<160xi32, #tpu.memory_space<hbm>>) target(%arg14 : memref<160xi32, #tpu.memory_space<vmem>>) target_semaphore(%arg18 : memref<!tpu.dma_semaphore, #tpu.memory_space<semaphore_mem>>)
            %dma_start3A_130 = arith.constant 0 : i32
            %dma_start3A_131 = tpu.memref_slice %arg4[%mul3A_127, %dma_start3A_130] : memref<320000x128xf32, #tpu.memory_space<hbm>> -> memref<160x128xf32, #tpu.memory_space<hbm>>
            %dma_start3A_132 = arith.constant 0 : i32
            %dma_start3A_133 = tpu.memref_slice %arg4[%mul3A_127, %dma_start3A_132] : memref<320000x128xf32, #tpu.memory_space<hbm>> -> memref<160x128xf32, #tpu.memory_space<hbm>>
            tpu.enqueue_dma source(%dma_start3A_133 : memref<160x128xf32, #tpu.memory_space<hbm>>) target(%arg16 : memref<160x128xf32, #tpu.memory_space<vmem>>) target_semaphore(%arg18 : memref<!tpu.dma_semaphore, #tpu.memory_space<semaphore_mem>>)
          } else {
          }
          %dma_wait3A_100 = arith.constant 0 : i32
          %dma_wait3A_101 = tpu.memref_slice %arg2[%dma_wait3A_100] : memref<320000xi32, #tpu.memory_space<hbm>> -> memref<160xi32, #tpu.memory_space<hbm>>
          %dma_wait3A_102 = arith.constant 0 : i32
          %dma_wait3A_103 = tpu.memref_slice %arg2[%dma_wait3A_102] : memref<320000xi32, #tpu.memory_space<hbm>> -> memref<160xi32, #tpu.memory_space<hbm>>
          tpu.wait_dma2 semaphore(%arg17 : memref<!tpu.dma_semaphore, #tpu.memory_space<semaphore_mem>>) src(%dma_wait3A_103 : memref<160xi32, #tpu.memory_space<hbm>>) dst(%arg13 : memref<160xi32, #tpu.memory_space<vmem>>)
          %dma_wait3A_104 = arith.constant 0 : i32
          %dma_wait3A_105 = arith.constant 0 : i32
          %dma_wait3A_106 = tpu.memref_slice %arg4[%dma_wait3A_104, %dma_wait3A_105] : memref<320000x128xf32, #tpu.memory_space<hbm>> -> memref<160x128xf32, #tpu.memory_space<hbm>>
          %dma_wait3A_107 = arith.constant 0 : i32
          %dma_wait3A_108 = arith.constant 0 : i32
          %dma_wait3A_109 = tpu.memref_slice %arg4[%dma_wait3A_107, %dma_wait3A_108] : memref<320000x128xf32, #tpu.memory_space<hbm>> -> memref<160x128xf32, #tpu.memory_space<hbm>>
          tpu.wait_dma2 semaphore(%arg17 : memref<!tpu.dma_semaphore, #tpu.memory_space<semaphore_mem>>) src(%dma_wait3A_109 : memref<160x128xf32, #tpu.memory_space<hbm>>) dst(%arg15 : memref<160x128xf32, #tpu.memory_space<vmem>>)
          %dma_start3A_110 = arith.constant 0 : i32
          %dma_start3A_111 = arith.constant 0 : i32
          %dma_start3A_112 = tpu.memref_slice %arg12[%dma_start3A_110, %dma_start3A_111] : memref<10112x128xf32, #tpu.memory_space<vmem_shared>> -> memref<10112x128xf32, #tpu.memory_space<vmem_shared>>
          tpu.enqueue_indirect_dma source(%arg15 : memref<160x128xf32, #tpu.memory_space<vmem>>) target(%dma_start3A_112 : memref<10112x128xf32, #tpu.memory_space<vmem_shared>>) offsets(%arg13 : memref<160xi32, #tpu.memory_space<vmem>>) semaphore(%arg19 : memref<!tpu.dma_semaphore, #tpu.memory_space<semaphore_mem>>) {add = true}
        } else {
        }
        %mul3A_84 = arith.constant 2 : i32
        %mul3A_85 = arith.muli %mul3A_84, %scan3A_75 : i32
        %add3A_86 = arith.constant 1 : i32
        %add3A_87 = arith.addi %mul3A_85, %add3A_86 : i32
        %lt3A_88 = arith.constant 62 : i32
        %lt3A_89 = arith.cmpi slt, %add3A_87, %lt3A_88 : i32
        %convert_element_type3A_90 = arith.extui %lt3A_89 : i1 to i32
        %cond3A_91 = arith.constant 0 : i32
        %cond3A_92 = arith.cmpi ne, %convert_element_type3A_90, %cond3A_91 : i32
        scf.if %cond3A_92 {
          %add3A_93 = arith.constant 1 : i32
          %add3A_94 = arith.addi %add3A_87, %add3A_93 : i32
          %lt3A_95 = arith.constant 62 : i32
          %lt3A_96 = arith.cmpi slt, %add3A_94, %lt3A_95 : i32
          %convert_element_type3A_97 = arith.extui %lt3A_96 : i1 to i32
          %cond3A_98 = arith.constant 0 : i32
          %cond3A_99 = arith.cmpi ne, %convert_element_type3A_97, %cond3A_98 : i32
          scf.if %cond3A_99 {
            %ge3A = arith.constant 1 : i32
            %ge3A_113 = arith.cmpi sge, %add3A_87, %ge3A : i32
            %convert_element_type3A_114 = arith.extui %ge3A_113 : i1 to i32
            %cond3A_115 = arith.constant 0 : i32
            %cond3A_116 = arith.cmpi ne, %convert_element_type3A_114, %cond3A_115 : i32
            scf.if %cond3A_116 {
              %dma_wait3A_134 = arith.constant 0 : i32
              %dma_wait3A_135 = arith.constant 0 : i32
              %dma_wait3A_136 = tpu.memref_slice %arg12[%dma_wait3A_134, %dma_wait3A_135] : memref<10112x128xf32, #tpu.memory_space<vmem_shared>> -> memref<10112x128xf32, #tpu.memory_space<vmem_shared>>
              tpu.wait_indirect_dma semaphore(%arg19 : memref<!tpu.dma_semaphore, #tpu.memory_space<semaphore_mem>>) src(%arg15 : memref<160x128xf32, #tpu.memory_space<vmem>>) dst(%dma_wait3A_136 : memref<10112x128xf32, #tpu.memory_space<vmem_shared>>)
            } else {
            }
            %add3A_117 = arith.constant 1 : i32
            %add3A_118 = arith.addi %add3A_87, %add3A_117 : i32
            %mul3A_119 = arith.constant 2 : i32
            %mul3A_120 = arith.muli %add3A_118, %mul3A_119 : i32
            %add3A_121 = arith.constant 1 : i32
            %add3A_122 = arith.addi %mul3A_120, %add3A_121 : i32
            %mul3A_123 = arith.constant 16 : i32
            %mul3A_124 = arith.muli %add3A_122, %mul3A_123 : i32
            %add3A_125 = arith.addi %mul3A_124, %arg1 : i32
            %mul3A_126 = arith.constant 160 : i32
            %mul3A_127 = arith.muli %add3A_125, %mul3A_126 : i32
            %dma_start3A_128 = tpu.memref_slice %arg2[%mul3A_127] : memref<320000xi32, #tpu.memory_space<hbm>> -> memref<160xi32, #tpu.memory_space<hbm>>
            %dma_start3A_129 = tpu.memref_slice %arg2[%mul3A_127] : memref<320000xi32, #tpu.memory_space<hbm>> -> memref<160xi32, #tpu.memory_space<hbm>>
            tpu.enqueue_dma source(%dma_start3A_129 : memref<160xi32, #tpu.memory_space<hbm>>) target(%arg13 : memref<160xi32, #tpu.memory_space<vmem>>) target_semaphore(%arg17 : memref<!tpu.dma_semaphore, #tpu.memory_space<semaphore_mem>>)
            %dma_start3A_130 = arith.constant 0 : i32
            %dma_start3A_131 = tpu.memref_slice %arg4[%mul3A_127, %dma_start3A_130] : memref<320000x128xf32, #tpu.memory_space<hbm>> -> memref<160x128xf32, #tpu.memory_space<hbm>>
            %dma_start3A_132 = arith.constant 0 : i32
            %dma_start3A_133 = tpu.memref_slice %arg4[%mul3A_127, %dma_start3A_132] : memref<320000x128xf32, #tpu.memory_space<hbm>> -> memref<160x128xf32, #tpu.memory_space<hbm>>
            tpu.enqueue_dma source(%dma_start3A_133 : memref<160x128xf32, #tpu.memory_space<hbm>>) target(%arg15 : memref<160x128xf32, #tpu.memory_space<vmem>>) target_semaphore(%arg17 : memref<!tpu.dma_semaphore, #tpu.memory_space<semaphore_mem>>)
          } else {
          }
          %dma_wait3A_100 = arith.constant 0 : i32
          %dma_wait3A_101 = tpu.memref_slice %arg2[%dma_wait3A_100] : memref<320000xi32, #tpu.memory_space<hbm>> -> memref<160xi32, #tpu.memory_space<hbm>>
          %dma_wait3A_102 = arith.constant 0 : i32
          %dma_wait3A_103 = tpu.memref_slice %arg2[%dma_wait3A_102] : memref<320000xi32, #tpu.memory_space<hbm>> -> memref<160xi32, #tpu.memory_space<hbm>>
          tpu.wait_dma2 semaphore(%arg18 : memref<!tpu.dma_semaphore, #tpu.memory_space<semaphore_mem>>) src(%dma_wait3A_103 : memref<160xi32, #tpu.memory_space<hbm>>) dst(%arg14 : memref<160xi32, #tpu.memory_space<vmem>>)
          %dma_wait3A_104 = arith.constant 0 : i32
          %dma_wait3A_105 = arith.constant 0 : i32
          %dma_wait3A_106 = tpu.memref_slice %arg4[%dma_wait3A_104, %dma_wait3A_105] : memref<320000x128xf32, #tpu.memory_space<hbm>> -> memref<160x128xf32, #tpu.memory_space<hbm>>
          %dma_wait3A_107 = arith.constant 0 : i32
          %dma_wait3A_108 = arith.constant 0 : i32
          %dma_wait3A_109 = tpu.memref_slice %arg4[%dma_wait3A_107, %dma_wait3A_108] : memref<320000x128xf32, #tpu.memory_space<hbm>> -> memref<160x128xf32, #tpu.memory_space<hbm>>
          tpu.wait_dma2 semaphore(%arg18 : memref<!tpu.dma_semaphore, #tpu.memory_space<semaphore_mem>>) src(%dma_wait3A_109 : memref<160x128xf32, #tpu.memory_space<hbm>>) dst(%arg16 : memref<160x128xf32, #tpu.memory_space<vmem>>)
          %dma_start3A_110 = arith.constant 0 : i32
          %dma_start3A_111 = arith.constant 0 : i32
          %dma_start3A_112 = tpu.memref_slice %arg12[%dma_start3A_110, %dma_start3A_111] : memref<10112x128xf32, #tpu.memory_space<vmem_shared>> -> memref<10112x128xf32, #tpu.memory_space<vmem_shared>>
          tpu.enqueue_indirect_dma source(%arg16 : memref<160x128xf32, #tpu.memory_space<vmem>>) target(%dma_start3A_112 : memref<10112x128xf32, #tpu.memory_space<vmem_shared>>) offsets(%arg14 : memref<160xi32, #tpu.memory_space<vmem>>) semaphore(%arg20 : memref<!tpu.dma_semaphore, #tpu.memory_space<semaphore_mem>>) {add = true}
        } else {
        }
      }
      %scan3A_67 = arith.constant 31 : i32
      %dma_wait3A_68 = arith.constant 0 : i32
      %dma_wait3A_69 = arith.constant 0 : i32
      %dma_wait3A_70 = tpu.memref_slice %arg12[%dma_wait3A_68, %dma_wait3A_69] : memref<10112x128xf32, #tpu.memory_space<vmem_shared>> -> memref<10112x128xf32, #tpu.memory_space<vmem_shared>>
      tpu.wait_indirect_dma semaphore(%arg20 : memref<!tpu.dma_semaphore, #tpu.memory_space<semaphore_mem>>) src(%arg16 : memref<160x128xf32, #tpu.memory_space<vmem>>) dst(%dma_wait3A_70 : memref<10112x128xf32, #tpu.memory_space<vmem_shared>>)
      %dma_wait3A_71 = arith.constant 0 : i32
      %dma_wait3A_72 = arith.constant 0 : i32
      %dma_wait3A_73 = tpu.memref_slice %arg12[%dma_wait3A_71, %dma_wait3A_72] : memref<10112x128xf32, #tpu.memory_space<vmem_shared>> -> memref<10112x128xf32, #tpu.memory_space<vmem_shared>>
      tpu.wait_indirect_dma semaphore(%arg19 : memref<!tpu.dma_semaphore, #tpu.memory_space<semaphore_mem>>) src(%arg15 : memref<160x128xf32, #tpu.memory_space<vmem>>) dst(%dma_wait3A_73 : memref<10112x128xf32, #tpu.memory_space<vmem_shared>>)
      %barrier3A_74 = arith.constant 0 : index
      tpu.barrier barrier_id(%barrier3A_74)
      "tpu.region"() ({
        %run_scoped3A = tpu.sem_alloc : memref<!tpu.dma_semaphore, #tpu.memory_space<semaphore_mem>>
        %dma_start3A_75 = arith.constant 0 : i32
        %dma_start3A_76 = tpu.memref_slice %arg11[%mul3A_0, %dma_start3A_75] : memref<10112x128xf32, #tpu.memory_space<hbm>> -> memref<632x128xf32, #tpu.memory_space<hbm>>
        %dma_start3A_77 = arith.constant 0 : i32
        %dma_start3A_78 = tpu.memref_slice %arg12[%mul3A_0, %dma_start3A_77] : memref<10112x128xf32, #tpu.memory_space<vmem_shared>> -> memref<632x128xf32, #tpu.memory_space<vmem_shared>>
        tpu.enqueue_dma source(%dma_start3A_78 : memref<632x128xf32, #tpu.memory_space<vmem_shared>>) target(%dma_start3A_76 : memref<632x128xf32, #tpu.memory_space<hbm>>) target_semaphore(%run_scoped3A : memref<!tpu.dma_semaphore, #tpu.memory_space<semaphore_mem>>)
        %dma_wait3A_79 = arith.constant 0 : i32
        %dma_wait3A_80 = tpu.memref_slice %arg11[%mul3A_0, %dma_wait3A_79] : memref<10112x128xf32, #tpu.memory_space<hbm>> -> memref<632x128xf32, #tpu.memory_space<hbm>>
        %dma_wait3A_81 = arith.constant 0 : i32
        %dma_wait3A_82 = tpu.memref_slice %arg12[%mul3A_0, %dma_wait3A_81] : memref<10112x128xf32, #tpu.memory_space<vmem_shared>> -> memref<632x128xf32, #tpu.memory_space<vmem_shared>>
        tpu.wait_dma2 semaphore(%run_scoped3A : memref<!tpu.dma_semaphore, #tpu.memory_space<semaphore_mem>>) src(%dma_wait3A_82 : memref<632x128xf32, #tpu.memory_space<vmem_shared>>) dst(%dma_wait3A_80 : memref<632x128xf32, #tpu.memory_space<hbm>>)
        tpu.yield
      }) : () -> ()
    } else {
    }
    return
  }
}

module attributes {stable_mosaic.version = 14 : i64} {
  func.func @_mlp1_body(%arg0: i32, %arg1: memref<2048x128xf32, #tpu.memory_space<vmem>>, %arg2: memref<2048x16xf32, #tpu.memory_space<vmem>>, %arg3: memref<144x144xf32, #tpu.memory_space<vmem>>, %arg4: memref<1x144xf32, #tpu.memory_space<vmem>>, %arg5: memref<144x144xf32, #tpu.memory_space<vmem>>, %arg6: memref<1x144xf32, #tpu.memory_space<vmem>>, %arg7: memref<2048x128xf32, #tpu.memory_space<vmem>>, %arg8: memref<2048x128xf32, #tpu.memory_space<vmem>>) attributes {dimension_semantics = [#tpu.dimension_semantics<arbitrary>], iteration_bounds = array<i64: 157>, scalar_prefetch = 0 : i64, scratch_operands = 0 : i64, tpu.core_type = #tpu.core_type<tc>, window_params = [{transform_indices = @transform_0, window_bounds = array<i64: 2048, 128>}, {transform_indices = @transform_1, window_bounds = array<i64: 2048, 16>}, {pipeline_mode = #tpu.pipeline_mode<synchronous>, transform_indices = @transform_2, window_bounds = array<i64: 144, 144>}, {pipeline_mode = #tpu.pipeline_mode<synchronous>, transform_indices = @transform_3, window_bounds = array<i64: 1, 144>}, {pipeline_mode = #tpu.pipeline_mode<synchronous>, transform_indices = @transform_4, window_bounds = array<i64: 144, 144>}, {pipeline_mode = #tpu.pipeline_mode<synchronous>, transform_indices = @transform_5, window_bounds = array<i64: 1, 144>}, {transform_indices = @transform_6, window_bounds = array<i64: 2048, 128>}, {transform_indices = @transform_7, window_bounds = array<i64: 2048, 128>}]} {
    %get3A = arith.constant 0 : index
    %get3A_0 = arith.constant 0 : index
    %get3A_1 = vector.load %arg1[%get3A, %get3A_0] : memref<2048x128xf32, #tpu.memory_space<vmem>>, vector<2048x128xf32>
    %get3A_2 = arith.constant 0 : index
    %get3A_3 = arith.constant 0 : index
    %get3A_4 = vector.load %arg2[%get3A_2, %get3A_3] : memref<2048x16xf32, #tpu.memory_space<vmem>>, vector<2048x16xf32>
    %concatenate3A = tpu.concatenate %get3A_1, %get3A_4 in 1 : vector<2048x128xf32>, vector<2048x16xf32> -> vector<2048x144xf32>
    %get3A_5 = arith.constant 0 : index
    %get3A_6 = arith.constant 0 : index
    %get3A_7 = vector.load %arg3[%get3A_5, %get3A_6] : memref<144x144xf32, #tpu.memory_space<vmem>>, vector<144x144xf32>
    %dot_general3A = arith.constant dense<0.000000e+00> : vector<2048x144xf32>
    %dot_general3A_8 = tpu.matmul %concatenate3A, %get3A_7, %dot_general3A {dimension_numbers = #tpu.dot_dimension_numbers<[1], [0], [0], [1], [0, 0, 1, 1], [], []>, transpose_lhs_hint = false} : vector<2048x144xf32>, vector<144x144xf32>, vector<2048x144xf32> -> vector<2048x144xf32>
    %get3A_9 = arith.constant 0 : index
    %get3A_10 = arith.constant 0 : index
    %get3A_11 = vector.load %arg4[%get3A_9, %get3A_10] : memref<1x144xf32, #tpu.memory_space<vmem>>, vector<1x144xf32>
    %add3A = vector.broadcast %get3A_11 : vector<1x144xf32> to vector<2048x144xf32>
    %add3A_12 = arith.addf %dot_general3A_8, %add3A : vector<2048x144xf32>
    %ge3A = arith.constant 0.000000e+00 : f32
    %ge3A_13 = vector.broadcast %ge3A : f32 to vector<2048x144xf32>
    %ge3A_14 = arith.cmpf oge, %add3A_12, %ge3A_13 : vector<2048x144xf32>
    %mul3A = arith.constant 1.000000e-01 : f32
    %mul3A_15 = vector.broadcast %mul3A : f32 to vector<2048x144xf32>
    %mul3A_16 = arith.mulf %mul3A_15, %add3A_12 : vector<2048x144xf32>
    %select_n3A = arith.select %ge3A_14, %add3A_12, %mul3A_16 : vector<2048x144xi1>, vector<2048x144xf32>
    %get3A_17 = arith.constant 0 : index
    %get3A_18 = arith.constant 0 : index
    %get3A_19 = vector.load %arg5[%get3A_17, %get3A_18] : memref<144x144xf32, #tpu.memory_space<vmem>>, vector<144x144xf32>
    %dot_general3A_20 = arith.constant dense<0.000000e+00> : vector<2048x144xf32>
    %dot_general3A_21 = tpu.matmul %select_n3A, %get3A_19, %dot_general3A_20 {dimension_numbers = #tpu.dot_dimension_numbers<[1], [0], [0], [1], [0, 0, 1, 1], [], []>, transpose_lhs_hint = false} : vector<2048x144xf32>, vector<144x144xf32>, vector<2048x144xf32> -> vector<2048x144xf32>
    %get3A_22 = arith.constant 0 : index
    %get3A_23 = arith.constant 0 : index
    %get3A_24 = vector.load %arg6[%get3A_22, %get3A_23] : memref<1x144xf32, #tpu.memory_space<vmem>>, vector<1x144xf32>
    %add3A_25 = vector.broadcast %get3A_24 : vector<1x144xf32> to vector<2048x144xf32>
    %add3A_26 = arith.addf %dot_general3A_21, %add3A_25 : vector<2048x144xf32>
    %slice3A = vector.extract_strided_slice %add3A_26 {offsets = [0, 128], sizes = [2048, 16], strides = [1, 1]} : vector<2048x144xf32> to vector<2048x16xf32>
    %mul3A_27 = arith.mulf %slice3A, %slice3A : vector<2048x16xf32>
    %slice3A_28 = vector.extract_strided_slice %add3A_26 {offsets = [0, 0], sizes = [2048, 128], strides = [1, 1]} : vector<2048x144xf32> to vector<2048x128xf32>
    %swap3A = arith.constant 0 : index
    %swap3A_29 = arith.constant 0 : index
    %swap3A_30 = vector.load %arg7[%swap3A, %swap3A_29] : memref<2048x128xf32, #tpu.memory_space<vmem>>, vector<2048x128xf32>
    tpu.vector_store %arg7[%swap3A, %swap3A_29], %slice3A_28 {strides = array<i32>} : memref<2048x128xf32, #tpu.memory_space<vmem>>, vector<2048x128xf32>,
    %mul3A_31 = arith.mulf %mul3A_27, %slice3A : vector<2048x16xf32>
    %mul3A_32 = arith.mulf %mul3A_27, %mul3A_27 : vector<2048x16xf32>
    %broadcast_in_dim3A = arith.constant 1.000000e+00 : f32
    %broadcast_in_dim3A_33 = vector.broadcast %broadcast_in_dim3A : f32 to vector<2048x1xf32>
    %broadcast_in_dim3A_34 = arith.constant 0.000000e+00 : f32
    %broadcast_in_dim3A_35 = vector.broadcast %broadcast_in_dim3A_34 : f32 to vector<2048x63xf32>
    %concatenate3A_36 = tpu.concatenate %slice3A, %mul3A_27, %mul3A_31, %mul3A_32, %broadcast_in_dim3A_33, %broadcast_in_dim3A_35 in 1 : vector<2048x16xf32>, vector<2048x16xf32>, vector<2048x16xf32>, vector<2048x16xf32>, vector<2048x1xf32>, vector<2048x63xf32> -> vector<2048x128xf32>
    %swap3A_37 = arith.constant 0 : index
    %swap3A_38 = arith.constant 0 : index
    %swap3A_39 = vector.load %arg8[%swap3A_37, %swap3A_38] : memref<2048x128xf32, #tpu.memory_space<vmem>>, vector<2048x128xf32>
    tpu.vector_store %arg8[%swap3A_37, %swap3A_38], %concatenate3A_36 {strides = array<i32>} : memref<2048x128xf32, #tpu.memory_space<vmem>>, vector<2048x128xf32>,
    return
  }
  func.func @transform_0(%arg0: i32) -> (i32, i32) {
    %c0_i32 = arith.constant 0 : i32
    %c0_i32_0 = arith.constant 0 : i32
    return %arg0, %c0_i32 : i32, i32
  }
  func.func @transform_1(%arg0: i32) -> (i32, i32) {
    %c0_i32 = arith.constant 0 : i32
    %c0_i32_0 = arith.constant 0 : i32
    return %arg0, %c0_i32 : i32, i32
  }
  func.func @transform_2(%arg0: i32) -> (i32, i32) {
    %c0_i32 = arith.constant 0 : i32
    %c0_i32_0 = arith.constant 0 : i32
    %c0_i32_1 = arith.constant 0 : i32
    return %c0_i32, %c0_i32_0 : i32, i32
  }
  func.func @transform_3(%arg0: i32) -> (i32, i32) {
    %c0_i32 = arith.constant 0 : i32
    %c0_i32_0 = arith.constant 0 : i32
    %c0_i32_1 = arith.constant 0 : i32
    return %c0_i32, %c0_i32_0 : i32, i32
  }
  func.func @transform_4(%arg0: i32) -> (i32, i32) {
    %c0_i32 = arith.constant 0 : i32
    %c0_i32_0 = arith.constant 0 : i32
    %c0_i32_1 = arith.constant 0 : i32
    return %c0_i32, %c0_i32_0 : i32, i32
  }
  func.func @transform_5(%arg0: i32) -> (i32, i32) {
    %c0_i32 = arith.constant 0 : i32
    %c0_i32_0 = arith.constant 0 : i32
    %c0_i32_1 = arith.constant 0 : i32
    return %c0_i32, %c0_i32_0 : i32, i32
  }
  func.func @transform_6(%arg0: i32) -> (i32, i32) {
    %c0_i32 = arith.constant 0 : i32
    %c0_i32_0 = arith.constant 0 : i32
    return %arg0, %c0_i32 : i32, i32
  }
  func.func @transform_7(%arg0: i32) -> (i32, i32) {
    %c0_i32 = arith.constant 0 : i32
    %c0_i32_0 = arith.constant 0 : i32
    return %arg0, %c0_i32 : i32, i32
  }
}

module attributes {stable_mosaic.version = 14 : i64} {
  func.func @_fin_body(%arg0: i32, %arg1: memref<512x128xf32, #tpu.memory_space<vmem>>, %arg2: memref<512x128xf32, #tpu.memory_space<vmem>>, %arg3: memref<512x128xf32, #tpu.memory_space<vmem>>, %arg4: memref<512x128xf32, #tpu.memory_space<vmem>>, %arg5: memref<512x128xf32, #tpu.memory_space<vmem>>, %arg6: memref<512x128xf32, #tpu.memory_space<vmem>>, %arg7: memref<512x128xf32, #tpu.memory_space<vmem>>, %arg8: memref<512x1xi32, #tpu.memory_space<vmem>>, %arg9: memref<8x16xf32, #tpu.memory_space<vmem>>, %arg10: memref<128x128xf32, #tpu.memory_space<vmem>>, %arg11: memref<1x128xf32, #tpu.memory_space<vmem>>, %arg12: memref<144x128xf32, #tpu.memory_space<vmem>>, %arg13: memref<144x128xf32, #tpu.memory_space<vmem>>, %arg14: memref<144x128xf32, #tpu.memory_space<vmem>>, %arg15: memref<144x128xf32, #tpu.memory_space<vmem>>, %arg16: memref<16x128xf32, #tpu.memory_space<vmem>>, %arg17: memref<1x128xf32, #tpu.memory_space<vmem>>, %arg18: memref<128x128xf32, #tpu.memory_space<vmem>>, %arg19: memref<1x128xf32, #tpu.memory_space<vmem>>, %arg20: memref<512x128xf32, #tpu.memory_space<vmem>>) attributes {dimension_semantics = [#tpu.dimension_semantics<arbitrary>], iteration_bounds = array<i64: 20>, scalar_prefetch = 0 : i64, scratch_operands = 0 : i64, tpu.core_type = #tpu.core_type<tc>, window_params = [{transform_indices = @transform_0, window_bounds = array<i64: 512, 128>}, {transform_indices = @transform_1, window_bounds = array<i64: 512, 128>}, {transform_indices = @transform_2, window_bounds = array<i64: 512, 128>}, {transform_indices = @transform_3, window_bounds = array<i64: 512, 128>}, {transform_indices = @transform_4, window_bounds = array<i64: 512, 128>}, {transform_indices = @transform_5, window_bounds = array<i64: 512, 128>}, {transform_indices = @transform_6, window_bounds = array<i64: 512, 128>}, {transform_indices = @transform_7, window_bounds = array<i64: 512, 1>}, {pipeline_mode = #tpu.pipeline_mode<synchronous>, transform_indices = @transform_8, window_bounds = array<i64: 8, 16>}, {pipeline_mode = #tpu.pipeline_mode<synchronous>, transform_indices = @transform_9, window_bounds = array<i64: 128, 128>}, {pipeline_mode = #tpu.pipeline_mode<synchronous>, transform_indices = @transform_10, window_bounds = array<i64: 1, 128>}, {pipeline_mode = #tpu.pipeline_mode<synchronous>, transform_indices = @transform_11, window_bounds = array<i64: 144, 128>}, {pipeline_mode = #tpu.pipeline_mode<synchronous>, transform_indices = @transform_12, window_bounds = array<i64: 144, 128>}, {pipeline_mode = #tpu.pipeline_mode<synchronous>, transform_indices = @transform_13, window_bounds = array<i64: 144, 128>}, {pipeline_mode = #tpu.pipeline_mode<synchronous>, transform_indices = @transform_14, window_bounds = array<i64: 144, 128>}, {pipeline_mode = #tpu.pipeline_mode<synchronous>, transform_indices = @transform_15, window_bounds = array<i64: 16, 128>}, {pipeline_mode = #tpu.pipeline_mode<synchronous>, transform_indices = @transform_16, window_bounds = array<i64: 1, 128>}, {pipeline_mode = #tpu.pipeline_mode<synchronous>, transform_indices = @transform_17, window_bounds = array<i64: 128, 128>}, {pipeline_mode = #tpu.pipeline_mode<synchronous>, transform_indices = @transform_18, window_bounds = array<i64: 1, 128>}, {transform_indices = @transform_19, window_bounds = array<i64: 512, 128>}]} {
    %get3A = arith.constant 0 : index
    %get3A_0 = arith.constant 0 : index
    %get3A_1 = vector.load %arg6[%get3A, %get3A_0] : memref<512x128xf32, #tpu.memory_space<vmem>>, vector<512x128xf32>
    %get3A_2 = arith.constant 0 : index
    %get3A_3 = arith.constant 0 : index
    %get3A_4 = vector.load %arg7[%get3A_2, %get3A_3] : memref<512x128xf32, #tpu.memory_space<vmem>>, vector<512x128xf32>
    %add3A = arith.addf %get3A_1, %get3A_4 : vector<512x128xf32>
    %slice3A = vector.extract_strided_slice %add3A {offsets = [0, 64], sizes = [512, 1], strides = [1, 1]} : vector<512x128xf32> to vector<512x1xf32>
    %max3A = arith.constant 1.000000e+00 : f32
    %max3A_5 = vector.broadcast %max3A : f32 to vector<512x1xf32>
    %max3A_6 = arith.maximumf %slice3A, %max3A_5 : vector<512x1xf32>
    %div3A = arith.constant 1.000000e+00 : f32
    %div3A_7 = vector.broadcast %div3A : f32 to vector<512x1xf32>
    %div3A_8 = arith.divf %div3A_7, %max3A_6 : vector<512x1xf32>
    %get3A_9 = arith.constant 0 : index
    %get3A_10 = arith.constant 0 : index
    %get3A_11 = vector.load %arg2[%get3A_9, %get3A_10] : memref<512x128xf32, #tpu.memory_space<vmem>>, vector<512x128xf32>
    %slice3A_12 = vector.extract_strided_slice %add3A {offsets = [0, 0], sizes = [512, 16], strides = [1, 1]} : vector<512x128xf32> to vector<512x16xf32>
    %concatenate3A = tpu.concatenate %get3A_11, %slice3A_12 in 1 : vector<512x128xf32>, vector<512x16xf32> -> vector<512x144xf32>
    %mul3A = vector.broadcast %div3A_8 : vector<512x1xf32> to vector<512x144xf32>
    %mul3A_13 = arith.mulf %concatenate3A, %mul3A : vector<512x144xf32>
    %get3A_14 = arith.constant 0 : index
    %get3A_15 = arith.constant 0 : index
    %get3A_16 = vector.load %arg3[%get3A_14, %get3A_15] : memref<512x128xf32, #tpu.memory_space<vmem>>, vector<512x128xf32>
    %slice3A_17 = vector.extract_strided_slice %add3A {offsets = [0, 16], sizes = [512, 16], strides = [1, 1]} : vector<512x128xf32> to vector<512x16xf32>
    %concatenate3A_18 = tpu.concatenate %get3A_16, %slice3A_17 in 1 : vector<512x128xf32>, vector<512x16xf32> -> vector<512x144xf32>
    %mul3A_19 = vector.broadcast %div3A_8 : vector<512x1xf32> to vector<512x144xf32>
    %mul3A_20 = arith.mulf %concatenate3A_18, %mul3A_19 : vector<512x144xf32>
    %get3A_21 = arith.constant 0 : index
    %get3A_22 = arith.constant 0 : index
    %get3A_23 = vector.load %arg4[%get3A_21, %get3A_22] : memref<512x128xf32, #tpu.memory_space<vmem>>, vector<512x128xf32>
    %slice3A_24 = vector.extract_strided_slice %add3A {offsets = [0, 32], sizes = [512, 16], strides = [1, 1]} : vector<512x128xf32> to vector<512x16xf32>
    %concatenate3A_25 = tpu.concatenate %get3A_23, %slice3A_24 in 1 : vector<512x128xf32>, vector<512x16xf32> -> vector<512x144xf32>
    %mul3A_26 = vector.broadcast %div3A_8 : vector<512x1xf32> to vector<512x144xf32>
    %mul3A_27 = arith.mulf %concatenate3A_25, %mul3A_26 : vector<512x144xf32>
    %get3A_28 = arith.constant 0 : index
    %get3A_29 = arith.constant 0 : index
    %get3A_30 = vector.load %arg5[%get3A_28, %get3A_29] : memref<512x128xf32, #tpu.memory_space<vmem>>, vector<512x128xf32>
    %slice3A_31 = vector.extract_strided_slice %add3A {offsets = [0, 48], sizes = [512, 16], strides = [1, 1]} : vector<512x128xf32> to vector<512x16xf32>
    %concatenate3A_32 = tpu.concatenate %get3A_30, %slice3A_31 in 1 : vector<512x128xf32>, vector<512x16xf32> -> vector<512x144xf32>
    %mul3A_33 = vector.broadcast %div3A_8 : vector<512x1xf32> to vector<512x144xf32>
    %mul3A_34 = arith.mulf %concatenate3A_32, %mul3A_33 : vector<512x144xf32>
    %mul3A_35 = arith.mulf %mul3A_13, %mul3A_13 : vector<512x144xf32>
    %sub3A = arith.subf %mul3A_20, %mul3A_35 : vector<512x144xf32>
    %max3A_36 = arith.constant 0.000000e+00 : f32
    %max3A_37 = vector.broadcast %max3A_36 : f32 to vector<512x144xf32>
    %max3A_38 = arith.maximumf %sub3A, %max3A_37 : vector<512x144xf32>
    %add3A_39 = arith.constant 9.99999997E-7 : f32
    %add3A_40 = vector.broadcast %add3A_39 : f32 to vector<512x144xf32>
    %add3A_41 = arith.addf %add3A_40, %max3A_38 : vector<512x144xf32>
    %sqrt3A = math.sqrt %add3A_41 : vector<512x144xf32>
    %mul3A_42 = arith.constant 3.000000e+00 : f32
    %mul3A_43 = vector.broadcast %mul3A_42 : f32 to vector<512x144xf32>
    %mul3A_44 = arith.mulf %mul3A_43, %mul3A_13 : vector<512x144xf32>
    %mul3A_45 = arith.mulf %mul3A_44, %mul3A_20 : vector<512x144xf32>
    %sub3A_46 = arith.subf %mul3A_27, %mul3A_45 : vector<512x144xf32>
    %mul3A_47 = arith.constant 2.000000e+00 : f32
    %mul3A_48 = vector.broadcast %mul3A_47 : f32 to vector<512x144xf32>
    %mul3A_49 = arith.mulf %mul3A_48, %mul3A_13 : vector<512x144xf32>
    %mul3A_50 = arith.mulf %mul3A_49, %mul3A_35 : vector<512x144xf32>
    %add3A_51 = arith.addf %sub3A_46, %mul3A_50 : vector<512x144xf32>
    %mul3A_52 = arith.mulf %add3A_41, %sqrt3A : vector<512x144xf32>
    %div3A_53 = arith.divf %add3A_51, %mul3A_52 : vector<512x144xf32>
    %mul3A_54 = arith.constant 4.000000e+00 : f32
    %mul3A_55 = vector.broadcast %mul3A_54 : f32 to vector<512x144xf32>
    %mul3A_56 = arith.mulf %mul3A_55, %mul3A_13 : vector<512x144xf32>
    %mul3A_57 = arith.mulf %mul3A_56, %mul3A_27 : vector<512x144xf32>
    %sub3A_58 = arith.subf %mul3A_34, %mul3A_57 : vector<512x144xf32>
    %mul3A_59 = arith.constant 6.000000e+00 : f32
    %mul3A_60 = vector.broadcast %mul3A_59 : f32 to vector<512x144xf32>
    %mul3A_61 = arith.mulf %mul3A_60, %mul3A_35 : vector<512x144xf32>
    %mul3A_62 = arith.mulf %mul3A_61, %mul3A_20 : vector<512x144xf32>
    %add3A_63 = arith.addf %sub3A_58, %mul3A_62 : vector<512x144xf32>
    %mul3A_64 = arith.constant 3.000000e+00 : f32
    %mul3A_65 = vector.broadcast %mul3A_64 : f32 to vector<512x144xf32>
    %mul3A_66 = arith.mulf %mul3A_65, %mul3A_35 : vector<512x144xf32>
    %mul3A_67 = arith.mulf %mul3A_66, %mul3A_35 : vector<512x144xf32>
    %sub3A_68 = arith.subf %add3A_63, %mul3A_67 : vector<512x144xf32>
    %mul3A_69 = arith.mulf %add3A_41, %add3A_41 : vector<512x144xf32>
    %div3A_70 = arith.divf %sub3A_68, %mul3A_69 : vector<512x144xf32>
    %get3A_71 = arith.constant 0 : index
    %get3A_72 = arith.constant 0 : index
    %get3A_73 = vector.load %arg8[%get3A_71, %get3A_72] : memref<512x1xi32, #tpu.memory_space<vmem>>, vector<512x1xi32>
    %iota3A = tpu.iota {dimensions = array<i32: 1>} : vector<512x8xi32>
    %eq3A = vector.broadcast %get3A_73 : vector<512x1xi32> to vector<512x8xi32>
    %eq3A_74 = arith.cmpi eq, %eq3A, %iota3A : vector<512x8xi32>
    %convert_element_type3A = arith.extui %eq3A_74 : vector<512x8xi1> to vector<512x8xi32>
    %convert_element_type3A_75 = arith.sitofp %convert_element_type3A : vector<512x8xi32> to vector<512x8xf32>
    %get3A_76 = arith.constant 0 : index
    %get3A_77 = arith.constant 0 : index
    %get3A_78 = vector.load %arg9[%get3A_76, %get3A_77] : memref<8x16xf32, #tpu.memory_space<vmem>>, vector<8x16xf32>
    %dot_general3A = arith.constant dense<0.000000e+00> : vector<512x16xf32>
    %dot_general3A_79 = tpu.matmul %convert_element_type3A_75, %get3A_78, %dot_general3A {dimension_numbers = #tpu.dot_dimension_numbers<[1], [0], [0], [1], [0, 0, 1, 1], [], []>, transpose_lhs_hint = false} : vector<512x8xf32>, vector<8x16xf32>, vector<512x16xf32> -> vector<512x16xf32>
    %get3A_80 = arith.constant 0 : index
    %get3A_81 = arith.constant 0 : index
    %get3A_82 = vector.load %arg1[%get3A_80, %get3A_81] : memref<512x128xf32, #tpu.memory_space<vmem>>, vector<512x128xf32>
    %get3A_83 = arith.constant 0 : index
    %get3A_84 = arith.constant 0 : index
    %get3A_85 = vector.load %arg10[%get3A_83, %get3A_84] : memref<128x128xf32, #tpu.memory_space<vmem>>, vector<128x128xf32>
    %dot_general3A_86 = arith.constant dense<0.000000e+00> : vector<512x128xf32>
    %dot_general3A_87 = tpu.matmul %get3A_82, %get3A_85, %dot_general3A_86 {dimension_numbers = #tpu.dot_dimension_numbers<[1], [0], [0], [1], [0, 0, 1, 1], [], []>, transpose_lhs_hint = false} : vector<512x128xf32>, vector<128x128xf32>, vector<512x128xf32> -> vector<512x128xf32>
    %get3A_88 = arith.constant 0 : index
    %get3A_89 = arith.constant 0 : index
    %get3A_90 = vector.load %arg11[%get3A_88, %get3A_89] : memref<1x128xf32, #tpu.memory_space<vmem>>, vector<1x128xf32>
    %mul3A_91 = vector.broadcast %slice3A : vector<512x1xf32> to vector<512x128xf32>
    %mul3A_92 = vector.broadcast %get3A_90 : vector<1x128xf32> to vector<512x128xf32>
    %mul3A_93 = arith.mulf %mul3A_91, %mul3A_92 : vector<512x128xf32>
    %add3A_94 = arith.addf %dot_general3A_87, %mul3A_93 : vector<512x128xf32>
    %get3A_95 = arith.constant 0 : index
    %get3A_96 = arith.constant 0 : index
    %get3A_97 = vector.load %arg12[%get3A_95, %get3A_96] : memref<144x128xf32, #tpu.memory_space<vmem>>, vector<144x128xf32>
    %dot_general3A_98 = arith.constant dense<0.000000e+00> : vector<512x128xf32>
    %dot_general3A_99 = tpu.matmul %mul3A_13, %get3A_97, %dot_general3A_98 {dimension_numbers = #tpu.dot_dimension_numbers<[1], [0], [0], [1], [0, 0, 1, 1], [], []>, transpose_lhs_hint = false} : vector<512x144xf32>, vector<144x128xf32>, vector<512x128xf32> -> vector<512x128xf32>
    %add3A_100 = arith.addf %add3A_94, %dot_general3A_99 : vector<512x128xf32>
    %get3A_101 = arith.constant 0 : index
    %get3A_102 = arith.constant 0 : index
    %get3A_103 = vector.load %arg13[%get3A_101, %get3A_102] : memref<144x128xf32, #tpu.memory_space<vmem>>, vector<144x128xf32>
    %dot_general3A_104 = arith.constant dense<0.000000e+00> : vector<512x128xf32>
    %dot_general3A_105 = tpu.matmul %sqrt3A, %get3A_103, %dot_general3A_104 {dimension_numbers = #tpu.dot_dimension_numbers<[1], [0], [0], [1], [0, 0, 1, 1], [], []>, transpose_lhs_hint = false} : vector<512x144xf32>, vector<144x128xf32>, vector<512x128xf32> -> vector<512x128xf32>
    %add3A_106 = arith.addf %add3A_100, %dot_general3A_105 : vector<512x128xf32>
    %get3A_107 = arith.constant 0 : index
    %get3A_108 = arith.constant 0 : index
    %get3A_109 = vector.load %arg14[%get3A_107, %get3A_108] : memref<144x128xf32, #tpu.memory_space<vmem>>, vector<144x128xf32>
    %dot_general3A_110 = arith.constant dense<0.000000e+00> : vector<512x128xf32>
    %dot_general3A_111 = tpu.matmul %div3A_53, %get3A_109, %dot_general3A_110 {dimension_numbers = #tpu.dot_dimension_numbers<[1], [0], [0], [1], [0, 0, 1, 1], [], []>, transpose_lhs_hint = false} : vector<512x144xf32>, vector<144x128xf32>, vector<512x128xf32> -> vector<512x128xf32>
    %add3A_112 = arith.addf %add3A_106, %dot_general3A_111 : vector<512x128xf32>
    %get3A_113 = arith.constant 0 : index
    %get3A_114 = arith.constant 0 : index
    %get3A_115 = vector.load %arg15[%get3A_113, %get3A_114] : memref<144x128xf32, #tpu.memory_space<vmem>>, vector<144x128xf32>
    %dot_general3A_116 = arith.constant dense<0.000000e+00> : vector<512x128xf32>
    %dot_general3A_117 = tpu.matmul %div3A_70, %get3A_115, %dot_general3A_116 {dimension_numbers = #tpu.dot_dimension_numbers<[1], [0], [0], [1], [0, 0, 1, 1], [], []>, transpose_lhs_hint = false} : vector<512x144xf32>, vector<144x128xf32>, vector<512x128xf32> -> vector<512x128xf32>
    %add3A_118 = arith.addf %add3A_112, %dot_general3A_117 : vector<512x128xf32>
    %get3A_119 = arith.constant 0 : index
    %get3A_120 = arith.constant 0 : index
    %get3A_121 = vector.load %arg16[%get3A_119, %get3A_120] : memref<16x128xf32, #tpu.memory_space<vmem>>, vector<16x128xf32>
    %dot_general3A_122 = arith.constant dense<0.000000e+00> : vector<512x128xf32>
    %dot_general3A_123 = tpu.matmul %dot_general3A_79, %get3A_121, %dot_general3A_122 {dimension_numbers = #tpu.dot_dimension_numbers<[1], [0], [0], [1], [0, 0, 1, 1], [], []>, transpose_lhs_hint = false} : vector<512x16xf32>, vector<16x128xf32>, vector<512x128xf32> -> vector<512x128xf32>
    %add3A_124 = arith.addf %add3A_118, %dot_general3A_123 : vector<512x128xf32>
    %get3A_125 = arith.constant 0 : index
    %get3A_126 = arith.constant 0 : index
    %get3A_127 = vector.load %arg17[%get3A_125, %get3A_126] : memref<1x128xf32, #tpu.memory_space<vmem>>, vector<1x128xf32>
    %add3A_128 = vector.broadcast %get3A_127 : vector<1x128xf32> to vector<512x128xf32>
    %add3A_129 = arith.addf %add3A_124, %add3A_128 : vector<512x128xf32>
    %ge3A = arith.constant 0.000000e+00 : f32
    %ge3A_130 = vector.broadcast %ge3A : f32 to vector<512x128xf32>
    %ge3A_131 = arith.cmpf oge, %add3A_129, %ge3A_130 : vector<512x128xf32>
    %mul3A_132 = arith.constant 1.000000e-01 : f32
    %mul3A_133 = vector.broadcast %mul3A_132 : f32 to vector<512x128xf32>
    %mul3A_134 = arith.mulf %mul3A_133, %add3A_129 : vector<512x128xf32>
    %select_n3A = arith.select %ge3A_131, %add3A_129, %mul3A_134 : vector<512x128xi1>, vector<512x128xf32>
    %get3A_135 = arith.constant 0 : index
    %get3A_136 = arith.constant 0 : index
    %get3A_137 = vector.load %arg18[%get3A_135, %get3A_136] : memref<128x128xf32, #tpu.memory_space<vmem>>, vector<128x128xf32>
    %dot_general3A_138 = arith.constant dense<0.000000e+00> : vector<512x128xf32>
    %dot_general3A_139 = tpu.matmul %select_n3A, %get3A_137, %dot_general3A_138 {dimension_numbers = #tpu.dot_dimension_numbers<[1], [0], [0], [1], [0, 0, 1, 1], [], []>, transpose_lhs_hint = false} : vector<512x128xf32>, vector<128x128xf32>, vector<512x128xf32> -> vector<512x128xf32>
    %get3A_140 = arith.constant 0 : index
    %get3A_141 = arith.constant 0 : index
    %get3A_142 = vector.load %arg19[%get3A_140, %get3A_141] : memref<1x128xf32, #tpu.memory_space<vmem>>, vector<1x128xf32>
    %add3A_143 = vector.broadcast %get3A_142 : vector<1x128xf32> to vector<512x128xf32>
    %add3A_144 = arith.addf %dot_general3A_139, %add3A_143 : vector<512x128xf32>
    %swap3A = arith.constant 0 : index
    %swap3A_145 = arith.constant 0 : index
    %swap3A_146 = vector.load %arg20[%swap3A, %swap3A_145] : memref<512x128xf32, #tpu.memory_space<vmem>>, vector<512x128xf32>
    tpu.vector_store %arg20[%swap3A, %swap3A_145], %add3A_144 {strides = array<i32>} : memref<512x128xf32, #tpu.memory_space<vmem>>, vector<512x128xf32>,
    return
  }
  func.func @transform_0(%arg0: i32) -> (i32, i32) {
    %c0_i32 = arith.constant 0 : i32
    %c0_i32_0 = arith.constant 0 : i32
    return %arg0, %c0_i32 : i32, i32
  }
  func.func @transform_1(%arg0: i32) -> (i32, i32) {
    %c0_i32 = arith.constant 0 : i32
    %c0_i32_0 = arith.constant 0 : i32
    return %arg0, %c0_i32 : i32, i32
  }
  func.func @transform_2(%arg0: i32) -> (i32, i32) {
    %c0_i32 = arith.constant 0 : i32
    %c0_i32_0 = arith.constant 0 : i32
    return %arg0, %c0_i32 : i32, i32
  }
  func.func @transform_3(%arg0: i32) -> (i32, i32) {
    %c0_i32 = arith.constant 0 : i32
    %c0_i32_0 = arith.constant 0 : i32
    return %arg0, %c0_i32 : i32, i32
  }
  func.func @transform_4(%arg0: i32) -> (i32, i32) {
    %c0_i32 = arith.constant 0 : i32
    %c0_i32_0 = arith.constant 0 : i32
    return %arg0, %c0_i32 : i32, i32
  }
  func.func @transform_5(%arg0: i32) -> (i32, i32) {
    %c0_i32 = arith.constant 0 : i32
    %c0_i32_0 = arith.constant 0 : i32
    return %arg0, %c0_i32 : i32, i32
  }
  func.func @transform_6(%arg0: i32) -> (i32, i32) {
    %c0_i32 = arith.constant 0 : i32
    %c0_i32_0 = arith.constant 0 : i32
    return %arg0, %c0_i32 : i32, i32
  }
  func.func @transform_7(%arg0: i32) -> (i32, i32) {
    %c0_i32 = arith.constant 0 : i32
    %c0_i32_0 = arith.constant 0 : i32
    return %arg0, %c0_i32 : i32, i32
  }
  func.func @transform_8(%arg0: i32) -> (i32, i32) {
    %c0_i32 = arith.constant 0 : i32
    %c0_i32_0 = arith.constant 0 : i32
    %c0_i32_1 = arith.constant 0 : i32
    return %c0_i32, %c0_i32_0 : i32, i32
  }
  func.func @transform_9(%arg0: i32) -> (i32, i32) {
    %c0_i32 = arith.constant 0 : i32
    %c0_i32_0 = arith.constant 0 : i32
    %c0_i32_1 = arith.constant 0 : i32
    return %c0_i32, %c0_i32_0 : i32, i32
  }
  func.func @transform_10(%arg0: i32) -> (i32, i32) {
    %c0_i32 = arith.constant 0 : i32
    %c0_i32_0 = arith.constant 0 : i32
    %c0_i32_1 = arith.constant 0 : i32
    return %c0_i32, %c0_i32_0 : i32, i32
  }
  func.func @transform_11(%arg0: i32) -> (i32, i32) {
    %c0_i32 = arith.constant 0 : i32
    %c0_i32_0 = arith.constant 0 : i32
    %c0_i32_1 = arith.constant 0 : i32
    return %c0_i32, %c0_i32_0 : i32, i32
  }
  func.func @transform_12(%arg0: i32) -> (i32, i32) {
    %c0_i32 = arith.constant 0 : i32
    %c0_i32_0 = arith.constant 0 : i32
    %c0_i32_1 = arith.constant 0 : i32
    return %c0_i32, %c0_i32_0 : i32, i32
  }
  func.func @transform_13(%arg0: i32) -> (i32, i32) {
    %c0_i32 = arith.constant 0 : i32
    %c0_i32_0 = arith.constant 0 : i32
    %c0_i32_1 = arith.constant 0 : i32
    return %c0_i32, %c0_i32_0 : i32, i32
  }
  func.func @transform_14(%arg0: i32) -> (i32, i32) {
    %c0_i32 = arith.constant 0 : i32
    %c0_i32_0 = arith.constant 0 : i32
    %c0_i32_1 = arith.constant 0 : i32
    return %c0_i32, %c0_i32_0 : i32, i32
  }
  func.func @transform_15(%arg0: i32) -> (i32, i32) {
    %c0_i32 = arith.constant 0 : i32
    %c0_i32_0 = arith.constant 0 : i32
    %c0_i32_1 = arith.constant 0 : i32
    return %c0_i32, %c0_i32_0 : i32, i32
  }
  func.func @transform_16(%arg0: i32) -> (i32, i32) {
    %c0_i32 = arith.constant 0 : i32
    %c0_i32_0 = arith.constant 0 : i32
    %c0_i32_1 = arith.constant 0 : i32
    return %c0_i32, %c0_i32_0 : i32, i32
  }
  func.func @transform_17(%arg0: i32) -> (i32, i32) {
    %c0_i32 = arith.constant 0 : i32
    %c0_i32_0 = arith.constant 0 : i32
    %c0_i32_1 = arith.constant 0 : i32
    return %c0_i32, %c0_i32_0 : i32, i32
  }
  func.func @transform_18(%arg0: i32) -> (i32, i32) {
    %c0_i32 = arith.constant 0 : i32
    %c0_i32_0 = arith.constant 0 : i32
    %c0_i32_1 = arith.constant 0 : i32
    return %c0_i32, %c0_i32_0 : i32, i32
  }
  func.func @transform_19(%arg0: i32) -> (i32, i32) {
    %c0_i32 = arith.constant 0 : i32
    %c0_i32_0 = arith.constant 0 : i32
    return %arg0, %c0_i32 : i32, i32
  }
}

</mosaic_0001>

<sc_bundles>
// kernel: kernel.6.cloned.1.call-start
scs
__scs_entry_jumppad:
0x0: {  	(pc) =	sbr.rel $0x88, $3  }
0x1: {  	(tag) =	ssettag $0x0;
	lr =	simm.s32 $0x1  }
0x2: {  	[smem:$0x3F93] =	sst lr;
	_ =	strace $0xD0000000  }
0x3: {  	_ = 	snop  }
0x4: {  	_ = 	snop  }
0x5: {  	_ = 	snop  }
0x6: {  	_ = 	snop  }
0x7: {  	_ = 	snop  }
__scs_overlays_trampoline_lowered:
0x8: {  	[smem:$0x3FA2] =	sst s0  }
0x9: {  	[smem:$0x3FA3] =	sst s1  }
0xa: {  	[smem:$0x3FA4] =	sst s2  }
0xb: {  	[smem:$0x3FA5] =	sst s3  }
0xc: {  	[smem:$0x3FA6] =	sst s4  }
0xd: {  	[smem:$0x3FA7] =	sst s5  }
0xe: {  	[smem:$0x3FA8] =	sst s6  }
0xf: {  	[smem:$0x3FA9] =	sst s7  }
0x10: {  	[smem:$0x3FAA] =	sst s8  }
0x11: {  	[smem:$0x3FAB] =	sst s9;
	s0 =	simm.s32 @!p0 $0x0  }
0x12: {  	s1 =	sld [smem:$0x3F91];
	s0 =	simm.s32 @p0 $0x1  }
0x13: {  	[smem:$0x3FAC] =	sst s0;
	s0 =	simm.s32 @!p1 $0x0  }
0x14: {  	s2 =	sld [smem:$0x3F90];
	s0 =	simm.s32 @p1 $0x1  }
0x15: {  	[smem:$0x3FAD] =	sst s0;
	s0 =	simm.s32 @!p2 $0x0  }
0x16: {  	s3 =	sld [smem:$0x3FDB];
	s0 =	simm.s32 @p2 $0x1  }
0x17: {  	s4 =	simm.s32 $0x1BF5;
	[smem:$0x3FAF] =	sst s0  }
0x18: {  	s0 =	sld [smem:$0x3F92];
	_ =	swait.ge [sflag:s4], $0x0  }
0x19: {  	s7 =	sld [smem:$0x3F93]  }
0x1a: {  	s8 =	sadd.s32 $0xFFFFE003, lr  }
0x1b: {  	s9 =	sadd.s32 $0xFFFFFEF7, lr;
	s5 =	simm.s32 $0xFFFFFFFF;
	p2 =	slt.u32 s8, $0xFFFFF086  }
0x1c: {  	p1 =	slt.u32 s9, $0xF7A;
	s5 =	simm.s32 @!p2 $0x0  }
0x1d: {  	s5 =	simm.s32 @p1 $0x1;
	p0 =	seq.s32 s7, s2  }
0x1e: {  	s7 =	smul.u32 @!p0 $0xF7A, s2;
	p2 =	seq.s32 @!p0 s5, $0x0  }
0x1f: {  	s9 =	smul.u32 $0xF7A, s1;
	s8 =	simm.s32 @!p0 $0x1BF5;
	p2 =	por !p2, p0  }
0x20: {  	[sflag:s8] =	ssyncset.s32 @!p0 $0xFFFFF086;
	s6 =	sadd.s32 @!p0 s3, s7;
	s7 =	simm.s32 @!p0 $0x108  }
0x21: {  	s3 =	sadd.s32 s3, s9;
	s6 =	sadd.s32 @!p0 $0x88, s6;
	s7 =	simm.s32 @p2 $0x1082  }
0x22: {  	[simem:s7], [sflag:s8] =	dma.local @!p0 [hbm:s6], $0xF7A  }
0x23: {  	s9 =	sor.u32 $0xD0000000, s2;
	s6 =	simm.s32 $0x108;
	_ =	swait.ge @!p0 [sflag:s8], $0x0  }
0x24: {  	s3 =	sadd.s32 $0x88, s3;
	s6 =	simm.s32 @!p1 $0x1082;
	[sflag:s4] =	ssyncset.s32 $0xFFFFF086  }
0x25: {  	[simem:s6], [sflag:s4] =	dma.local [hbm:s3], $0xF7A  }
0x26: {  	[smem:$0x3F93] =	sst s1;
	(tag) =	ssettag s2;
	_ =	strace s9  }
0x27: {  	s1 =	sld [smem:$0x3FA3]  }
0x28: {  	s2 =	sld [smem:$0x3FA4]  }
0x29: {  	s4 =	sld [smem:$0x3FA6]  }
0x2a: {  	p0 =	seq.s32 s5, $0x0;
	s5 =	sld [smem:$0x3FA7]  }
0x2b: {  	s6 =	sld [smem:$0x3FA8]  }
0x2c: {  	s7 =	sld [smem:$0x3FA9]  }
0x2d: {  	s3 =	simm.s32 $0x108;
	s8 =	sld [smem:$0x3FAA]  }
0x2e: {  	s3 =	simm.s32 @!p0 $0x1082;
	s9 =	sld [smem:$0x3FAB]  }
0x2f: {  	lr =	sadd.s32 s0, s3;
	s0 =	sld [smem:$0x3FA2]  }
0x30: {  	s3 =	sld [smem:$0x3FA5]  }
0x31: {  	[smem:$0x3FAE] =	sst s10  }
0x32: {  	s10 =	sld [smem:$0x3FAC];
	_ =	sdelay $0x3  }
0x33: {  	p0 =	seq.s32 s10, $0x1;
	s10 =	sld [smem:$0x3FAE];
	_ =	sdelay $0x3  }
0x34: {  	[smem:$0x3FAE] =	sst s10  }
0x35: {  	s10 =	sld [smem:$0x3FAD];
	_ =	sdelay $0x3  }
0x36: {  	p1 =	seq.s32 s10, $0x1;
	s10 =	sld [smem:$0x3FAE];
	_ =	sdelay $0x3  }
0x37: {  	[smem:$0x3FAE] =	sst s10  }
0x38: {  	s10 =	sld [smem:$0x3FAF]  }
0x39: {  	_ = 	snop;
	(pc) =	sbr.ind lr, $3  }
0x3a: {  	_ = 	snop  }
0x3b: {  	_ = 	snop  }
0x3c: {  	p2 =	seq.s32 s10, $0x1;
	s10 =	sld [smem:$0x3FAE]  }
0x3d: {  	_ =	shalt  }
0x3e: {  	_ =	shalt  }
0x3f: {  	_ =	shalt  }
0x40: {  	_ =	shalt  }
0x41: {  	_ =	shalt  }
0x42: {  	_ =	shalt  }
0x43: {  	_ =	shalt  }
0x44: {  	_ =	shalt  }
0x45: {  	_ =	shalt  }
0x46: {  	_ =	shalt  }
0x47: {  	_ =	shalt  }
0x48: {  	_ =	shalt  }
0x49: {  	_ =	shalt  }
0x4a: {  	_ =	shalt  }
0x4b: {  	_ =	shalt  }
0x4c: {  	_ =	shalt  }
0x4d: {  	_ =	shalt  }
0x4e: {  	_ =	shalt  }
0x4f: {  	_ =	shalt  }
0x50: {  	_ =	shalt  }
0x51: {  	_ =	shalt  }
0x52: {  	_ =	shalt  }
0x53: {  	_ =	shalt  }
0x54: {  	_ =	shalt  }
0x55: {  	_ =	shalt  }
0x56: {  	_ =	shalt  }
0x57: {  	_ =	shalt  }
0x58: {  	_ =	shalt  }
0x59: {  	_ =	shalt  }
0x5a: {  	_ =	shalt  }
0x5b: {  	_ =	shalt  }
0x5c: {  	_ =	shalt  }
0x5d: {  	_ =	shalt  }
0x5e: {  	_ =	shalt  }
0x5f: {  	_ =	shalt  }
0x60: {  	_ =	shalt  }
0x61: {  	_ =	shalt  }
0x62: {  	_ =	shalt  }
0x63: {  	_ =	shalt  }
0x64: {  	_ =	shalt  }
0x65: {  	_ =	shalt  }
0x66: {  	_ =	shalt  }
0x67: {  	_ =	shalt  }
0x68: {  	_ =	shalt  }
0x69: {  	_ =	shalt  }
0x6a: {  	_ =	shalt  }
0x6b: {  	_ =	shalt  }
0x6c: {  	_ =	shalt  }
0x6d: {  	_ =	shalt  }
0x6e: {  	_ =	shalt  }
0x6f: {  	_ =	shalt  }
0x70: {  	_ =	shalt  }
0x71: {  	_ =	shalt  }
0x72: {  	_ =	shalt  }
0x73: {  	_ =	shalt  }
0x74: {  	_ =	shalt  }
0x75: {  	_ =	shalt  }
0x76: {  	_ =	shalt  }
0x77: {  	_ =	shalt  }
0x78: {  	_ =	shalt  }
0x79: {  	_ =	shalt  }
0x7a: {  	_ =	shalt  }
0x7b: {  	_ =	shalt  }
0x7c: {  	_ =	shalt  }
0x7d: {  	_ =	shalt  }
0x7e: {  	_ =	shalt  }
0x7f: {  	_ =	shalt  }
0x80: {  	_ =	shalt  }
0x81: {  	_ =	shalt  }
0x82: {  	_ =	shalt  }
0x83: {  	_ =	shalt  }
0x84: {  	_ =	shalt  }
0x85: {  	_ =	shalt  }
0x86: {  	_ =	shalt  }
0x87: {  	_ =	shalt  }
.Lfunc_end0:
.L_simem_size_0:
called_computation_lowered:
.L_overlay_start_0:
0x88: {  	s2 =	sld [smem:$0x3FD9]  }
0x89: {  	s3 =	sld [smem:$0x3FFE];
	_ =	sdelay $0x1  }
0x8a: {  	s1 =	srdreg.scid  }
0x8b: {  	s0 =	sand.u32 $0x1, s1  }
0x8c: {  	s17 =	sshll.u32 s0, $0xA;
	s2 =	sadd.s32 s3, s2  }
0x8d: {  	s2 =	sadd.s32 s2, s17  }
0x8e: {  	[smem:$0x3FBA] =	sst s2  }
0x8f: {  	_ = 	snop  }
0x90: {  	s2 =	sld [smem:$0x3FC8]  }
0x91: {  	s18 =	sld [smem:$0x3FD0];
	(tm) =	ssettm $0x1  }
0x92: {  	s4 =	sld [smem:$0x3FFB];
	_ =	sdelay $0x3  }
0x93: {  	_ =	strace s4  }
0x94: {  	s4 =	sld [smem:$0x3FFC];
	_ =	sdelay $0x3  }
0x95: {  	_ =	strace s4  }
0x96: {  	s4 =	sld [smem:$0x3FFD];
	_ =	sdelay $0x3  }
0x97: {  	_ =	strace s4  }
0x98: {  	_ =	strace $0x8FFFFFFF  }
0x99: {  	s19 =	sld [smem:$0x3FDB];
	_ =	sdelay $0x1  }
0x9a: {  	s5 =	simm.s32 $_scs_section_size  }
0x9b: {  	s6 =	simm.s32 $_size__tile_overlayer_lowered;
	s7 =	simm.s32 $_tile_overlayer_lowered  }
0x9c: {  	s22 =	simm.s32 $0x1BFF;
	s21 =	sshll.u32 s7, $0x1;
	s4 =	sadd.s32 s5, s19  }
0x9d: {  	s8 =	simm.s32 $0x0;
	s20 =	sshll.u32 s6, $0x1;
	s6 =	sadd.s32 s21, s4  }
0x9e: {  	[timem:s8], [sflag:s22] =	dma.local [hbm:s6], s20  }
0x9f: {  	_ =	swait.ge [sflag:s22], s20  }
0xa0: {  	s5 =	ssub.s32 $0x0, s20;
	[sflag:s22] =	ssyncset.done $0x0  }
0xa1: {  	[sflag:s22] =	ssyncadd.s32 s5;
	_ =	sdelay $0x1  }
0xa2: {  	s23 =	simm.s32 $0x1B8B  }
0xa3: {  	_ =	swait.ge [sflag:s23], $0x1  }
0xa4: {  	[sflag:s23] =	ssyncset.done $0x0  }
0xa5: {  	s25 =	simm.s32 $0x1B8E;
	s24 =	sld [smem:$0x3FFE];
	[sflag:s23] =	ssyncadd.s32 $0xFFFFFFFF  }
0xa6: {  	s26 =	simm.s32 $execute0_lowered;
	[smem:$0x3FD2] =	sst s25  }
0xa7: {  	s6 =	sshll.u32 s26, $0x1;
	_ =	strace $0x80000046;
	[dreg:$0x1] =	wrdreg $0xFFFFFFFF  }
0xa8: {  	s28 =	simm.s32 $_size_execute0_lowered;
	s4 =	sadd.s32 s4, s6;
	[dreg:$0x0] =	wrdreg $0x0  }
0xa9: {  	s6 =	sshll.u32 s28, $0x1;
	[dreg:$0x2] =	wrdreg s4  }
0xaa: {  	[dreg:$0x3] =	wrdreg s6  }
0xab: {  	[dreg:$0x4] =	wrdreg $0xC0  }
0xac: {  	_ =	task [dreg:s8], $0x5FFFF  }
0xad: {  	[dreg:$0x1] =	wrdreg $0xFFFFFFFF  }
0xae: {  	[dreg:$0x0] =	wrdreg $0x60  }
0xaf: {  	[dreg:$0x2] =	wrdreg s18  }
0xb0: {  	[dreg:$0x3] =	wrdreg s2  }
0xb1: {  	[dreg:$0x4] =	wrdreg s24  }
0xb2: {  	[dreg:$0x5] =	wrdreg $0x9  }
0xb3: {  	_ =	task.clear_ibuf [dreg:s8], $0x6FFFF;
	_ =	strace $0x90000046  }
0xb4: {  	s29 =	simm.s32 $0x9;
	_ =	strace $0x80000048  }
0xb5: {  	_ =	swait.ge [sflag:s29], $0x1  }
0xb6: {  	[sflag:s29] =	ssyncadd.s32 $0xFFFFFFFF  }
0xb7: {  	_ =	strace $0x90000048  }
0xb8: {  	_ =	sfence  }
0xb9: {  	s30 =	sld [smem:$0x0];
	_ =	sdelay $0x2  }
0xba: {  	s31 =	sshll.u32 s1, $0xD;
	s1 =	sshrl.u32 s1, $0x2  }
0xbb: {  	s3 =	sand.u32 $0x4000, s31;
	s1 =	sadd.s32 s1, s30  }
0xbc: {  	s0 =	sor.u32 s3, s0;
	s1 =	sshll.u32 s1, $0x11  }
0xbd: {  	s0 =	sor.u32 s1, s0  }
0xbe: {  	s0 =	sadd.s32 $0x8F2B, s0  }
0xbf: {  	[sflag:s0] =	ssyncadd.remote.s32 $0x1  }
0xc0: {  	_ =	sfence.sel $0xFFFF  }
0xc1: {  	[dreg:$0x0] =	wrdreg $0xFFFFFFFF;
	(pc) =	sbr.abs _section_cstart, $3  }
0xc2: {  	[dreg:$0x1] =	wrdreg $0xFFFFFFFF  }
0xc3: {  	_ =	task.clear_ibuf [dreg:s8], $0x2FFFF;
	_ =	strace $0x9FFFFFFF  }
0xc4: {  	(tm) =	ssettm $0x7FFFFFFF  }
0xc5: {  	_ =	shalt  }
tec
execute0_lowered:
.L_overlay_start_1:
0x0: {  	(tag) =	ssettag $0x1  }
0x1: {  	s10 =	rddreg [dreg:$0x0];
	s1 =	srdreg.scid  }
0x2: {  	s0 =	stileid.u32;
	s2 =	rddreg [dreg:$0x1]  }
0x3: {  	s4 =	rddreg [dreg:$0x2];
	s3 =	simm.s32 $0x0;
	s17 =	simm.s32 $0x200  }
0x4: {  	s18 =	simm.s32 $0xCC00;
	s19 =	simm.s32 $0x2;
	s29 =	smul.u32 $0x3200, s0  }
0x5: {  	s20 =	simm.s32 $0x3;
	s11 =	sand.u32 $0x1, s1;
	s15 =	smul.u32 $0x64, s0  }
0x6: {  	s21 =	simm.s32 $0x4;
	s25 =	sshll.u32 s0, $0x1;
	s16 =	smul.u32 $0x32, s11  }
0x7: {  	s5 =	sor.u32 s11, s25;
	s12 =	ssub.s32 $0x2, s11;
	s11 =	smul.u32 $0x1900, s11  }
0x8: {  	s22 =	simm.s32 $0x0;
	s1 =	rddreg [dreg:$0x3];
	s6 =	smul.u32 $0x32, s5  }
0x9: {  	[smem:$0x7FF] =	sst s3;
	s7 =	smul.u32 $0x1900, s5;
	s8 =	sor.u32 $0x20, s5  }
0xa: {  	s13 =	sadd.s32 $0xC000, s4;
	_ =	strace $0x80000047;
	s9 =	smul.u32 $0x32, s8  }
0xb: {  	s5 =	sor.u32 $0x40, s5;
	s26 =	sshrl.u32 s12, $0x1;
	s8 =	smul.u32 $0x1900, s8  }
0xc: {  	s30 =	sadd.s32 s15, s10;
	s15 =	simm.s32 $0x400;
	s14 =	smul.u32 $0x32, s5  }
0xd: {  	s28 =	ssub.s32 s12, s26;
	s12 =	sadd.s32 s29, s13;
	s31 =	sadd.s32 s16, s30  }
0xe: {  	s16 =	simm.s32 $0x1;
	s4 =	sadd.s32 s10, s6;
	s5 =	smax.u32 s28, $0x1  }
0xf: {  	s6 =	sadd.s32 s13, s7;
	s11 =	sadd.s32 s11, s12;
	s12 =	sadd.s32 $0x12C0, s31  }
0x10: {  	s7 =	sadd.s32 s10, s9;
	s8 =	sadd.s32 s13, s8;
	s9 =	sadd.s32 s10, s14  }
0x11: {  	s10 =	sadd.s32 $0x4B0000, s6;
	s13 =	simm.s32 $0x5;
	s14 =	simm.s32 $0x190  }
.LBB2_1:
0x12: {  	[tilespmem:s3], [sflag:$0x5] =	stream.linear.gather [hbm4b:s4+s3], $0x190, $0x38;
	[tilespmem:$0x19400] =	vst v63  }
0x13: {  	_ =	swait.ge [sflag:s13], $0x190  }
0x14: {  	[sflag:s13] =	ssyncset.done $0x0  }
0x15: {  	[sflag:s13] =	ssyncadd.s32 $0xFFFFFE70  }
0x16: {  	[tilespmem:s15], [sflag:$0x1] =	stream.indirect.gather [hbm4b:s2+s14], $0x80, s3, s14, $0xb8;
	[tilespmem:$0x19400] =	vst v63  }
0x17: {  	_ =	swait.ge [sflag:s16], $0xC800  }
0x18: {  	[sflag:s16] =	ssyncset.done $0x0  }
0x19: {  	[sflag:s16] =	ssyncadd.s32 $0xFFFF3800  }
0x1a: {  	[hbm4b:s6+s3] =	stream.linear.scatter [tilespmem:s15], [sflag:$0x3], $0xC800, $0x38;
	[tilespmem:$0x19400] =	vst v63  }
0x1b: {  	_ = 	snop  }
0x1c: {  	[tilespmem:s17], [sflag:$0x5] =	stream.linear.gather [hbm4b:s7+s3], $0x190, $0x38;
	[tilespmem:$0x19400] =	vst v63  }
0x1d: {  	_ =	swait.ge [sflag:s13], $0x190  }
0x1e: {  	[sflag:s13] =	ssyncset.done $0x0  }
0x1f: {  	[sflag:s13] =	ssyncadd.s32 $0xFFFFFE70  }
0x20: {  	[tilespmem:s18], [sflag:$0x2] =	stream.indirect.gather [hbm4b:s2+s14], $0x80, s17, s14, $0xb8;
	[tilespmem:$0x19400] =	vst v63  }
0x21: {  	_ =	swait.ge [sflag:s19], $0xC800  }
0x22: {  	[sflag:s19] =	ssyncset.done $0x0  }
0x23: {  	[sflag:s19] =	ssyncadd.s32 $0xFFFF3800  }
0x24: {  	[hbm4b:s8+s3] =	stream.linear.scatter [tilespmem:s18], [sflag:$0x4], $0xC800, $0x38;
	[tilespmem:$0x19400] =	vst v63  }
0x25: {  	_ =	swait.ge [sflag:s20], $0xC800  }
0x26: {  	[sflag:s20] =	ssyncset.done $0x0  }
0x27: {  	[sflag:s20] =	ssyncadd.s32 $0xFFFF3800  }
0x28: {  	[tilespmem:s3], [sflag:$0x5] =	stream.linear.gather [hbm4b:s9+s3], $0x190, $0x38;
	[tilespmem:$0x19400] =	vst v63  }
0x29: {  	_ =	swait.ge [sflag:s13], $0x190  }
0x2a: {  	[sflag:s13] =	ssyncset.done $0x0  }
0x2b: {  	[sflag:s13] =	ssyncadd.s32 $0xFFFFFE70  }
0x2c: {  	[tilespmem:s15], [sflag:$0x1] =	stream.indirect.gather [hbm4b:s2+s14], $0x80, s3, s14, $0xb8;
	[tilespmem:$0x19400] =	vst v63  }
0x2d: {  	_ =	swait.ge [sflag:s16], $0xC800  }
0x2e: {  	s23 =	sadd.s32 $0x0, s11;
	[sflag:s16] =	ssyncset.done $0x0  }
0x2f: {  	s24 =	sadd.s32 $0x64000, s23;
	[sflag:s16] =	ssyncadd.s32 $0xFFFF3800  }
0x30: {  	[hbm4b:s24+s3] =	stream.linear.scatter [tilespmem:s15], [sflag:$0x3], $0xC800, $0x38;
	[tilespmem:$0x19400] =	vst v63  }
0x31: {  	_ =	swait.ge [sflag:s21], $0xC800  }
0x32: {  	[sflag:s21] =	ssyncset.done $0x0  }
0x33: {  	[sflag:s21] =	ssyncadd.s32 $0xFFFF3800  }
0x34: {  	[tilespmem:s17], [sflag:$0x5] =	stream.linear.gather [hbm4b:s12+s3], $0x190, $0x38;
	[tilespmem:$0x19400] =	vst v63  }
0x35: {  	_ =	swait.ge [sflag:s13], $0x190  }
0x36: {  	[sflag:s13] =	ssyncset.done $0x0  }
0x37: {  	[sflag:s13] =	ssyncadd.s32 $0xFFFFFE70  }
0x38: {  	[tilespmem:s18], [sflag:$0x2] =	stream.indirect.gather [hbm4b:s2+s14], $0x80, s17, s14, $0xb8;
	[tilespmem:$0x19400] =	vst v63  }
0x39: {  	_ =	swait.ge [sflag:s19], $0xC800  }
0x3a: {  	[sflag:s19] =	ssyncset.done $0x0  }
0x3b: {  	s23 =	sadd.s32 $0x96000, s23;
	[sflag:s19] =	ssyncadd.s32 $0xFFFF3800  }
0x3c: {  	[hbm4b:s23+s3] =	stream.linear.scatter [tilespmem:s18], [sflag:$0x4], $0xC800, $0x38;
	[tilespmem:$0x19400] =	vst v63  }
0x3d: {  	_ =	swait.ge [sflag:s20], $0xC800  }
0x3e: {  	[sflag:s20] =	ssyncset.done $0x0  }
0x3f: {  	s31 =	sadd.s32 $0x640, s12;
	[sflag:s20] =	ssyncadd.s32 $0xFFFF3800  }
0x40: {  	[tilespmem:s3], [sflag:$0x5] =	stream.linear.gather [hbm4b:s31+s3], $0x190, $0x38;
	[tilespmem:$0x19400] =	vst v63  }
0x41: {  	_ =	swait.ge [sflag:s13], $0x190  }
0x42: {  	[sflag:s13] =	ssyncset.done $0x0  }
0x43: {  	s24 =	sadd.s32 $0xC80, s12;
	s23 =	simm.s32 $0x64000;
	[sflag:s13] =	ssyncadd.s32 $0xFFFFFE70  }
.LBB2_2:
0x44: {  	[tilespmem:s15], [sflag:$0x1] =	stream.indirect.gather [hbm4b:s2+s14], $0x80, s3, s14, $0xb8;
	[tilespmem:$0x19400] =	vst v63  }
0x45: {  	s25 =	smov.u32 s23  }
0x46: {  	p0 =	sne.s32 s23, $0x3E8000;
	s23 =	sadd.s32 $0x64000, s23;
	_ =	swait.ge [sflag:s16], $0xC800  }
0x47: {  	s25 =	sadd.s32 s25, s11;
	[sflag:s16] =	ssyncset.done $0x0  }
0x48: {  	s26 =	sadd.s32 $0x64000, s25;
	[sflag:s16] =	ssyncadd.s32 $0xFFFF3800  }
0x49: {  	[hbm4b:s26+s3] =	stream.linear.scatter [tilespmem:s15], [sflag:$0x3], $0xC800, $0x38;
	[tilespmem:$0x19400] =	vst v63  }
0x4a: {  	_ =	swait.ge [sflag:s21], $0xC800  }
0x4b: {  	[sflag:s21] =	ssyncset.done $0x0  }
0x4c: {  	[sflag:s21] =	ssyncadd.s32 $0xFFFF3800  }
0x4d: {  	[tilespmem:s17], [sflag:$0x5] =	stream.linear.gather [hbm4b:s24+s3], $0x190, $0x38;
	[tilespmem:$0x19400] =	vst v63  }
0x4e: {  	_ =	swait.ge [sflag:s13], $0x190  }
0x4f: {  	[sflag:s13] =	ssyncset.done $0x0  }
0x50: {  	[sflag:s13] =	ssyncadd.s32 $0xFFFFFE70  }
0x51: {  	[tilespmem:s18], [sflag:$0x2] =	stream.indirect.gather [hbm4b:s2+s14], $0x80, s17, s14, $0xb8;
	[tilespmem:$0x19400] =	vst v63  }
0x52: {  	_ =	swait.ge [sflag:s19], $0xC800  }
0x53: {  	[sflag:s19] =	ssyncset.done $0x0  }
0x54: {  	s25 =	sadd.s32 $0x96000, s25;
	[sflag:s19] =	ssyncadd.s32 $0xFFFF3800  }
0x55: {  	[hbm4b:s25+s3] =	stream.linear.scatter [tilespmem:s18], [sflag:$0x4], $0xC800, $0x38;
	[tilespmem:$0x19400] =	vst v63  }
0x56: {  	_ =	swait.ge [sflag:s20], $0xC800  }
0x57: {  	[sflag:s20] =	ssyncset.done $0x0  }
.Ltmp0:
0x58: {  	s25 =	sadd.s32 $0x640, s24;
	[sflag:s20] =	ssyncadd.s32 $0xFFFF3800;
	(pc) =	sbr.rel @p0 .LBB2_2-.Ltmp0, $4  }
0x59: {  	[tilespmem:s3], [sflag:$0x5] =	stream.linear.gather [hbm4b:s25+s3], $0x190, $0x38;
	[tilespmem:$0x19400] =	vst v63  }
0x5a: {  	_ =	swait.ge [sflag:s13], $0x190  }
0x5b: {  	[sflag:s13] =	ssyncset.done $0x0  }
0x5c: {  	s24 =	sadd.s32 $0xC80, s24;
	[sflag:s13] =	ssyncadd.s32 $0xFFFFFE70  }
0x5d: {  	[tilespmem:s15], [sflag:$0x1] =	stream.indirect.gather [hbm4b:s2+s14], $0x80, s3, s14, $0xb8;
	[tilespmem:$0x19400] =	vst v63  }
0x5e: {  	_ =	swait.ge [sflag:s16], $0xC800  }
0x5f: {  	[sflag:s16] =	ssyncset.done $0x0  }
0x60: {  	s22 =	sadd.s32 $0x1, s22;
	[sflag:s16] =	ssyncadd.s32 $0xFFFF3800  }
0x61: {  	[hbm4b:s10+s3] =	stream.linear.scatter [tilespmem:s15], [sflag:$0x3], $0xC800, $0x38;
	[tilespmem:$0x19400] =	vst v63  }
0x62: {  	p0 =	sne.s32 s22, s5;
	_ =	swait.ge [sflag:s20], $0xC800  }
.Ltmp1:
0x63: {  	[sflag:s20] =	ssyncset.done $0x0;
	(pc) =	sbr.rel @p0 .LBB2_1-.Ltmp1, $4  }
0x64: {  	[sflag:s20] =	ssyncadd.s32 $0xFFFF3800  }
0x65: {  	_ =	swait.ge [sflag:s21], $0xC800  }
0x66: {  	[sflag:s21] =	ssyncset.done $0x0  }
0x67: {  	[sflag:s21] =	ssyncadd.s32 $0xFFFF3800  }
0x68: {  	_ =	sfence.sel $0x180000  }
0x69: {  	[bflag:$0x0] =	sbarrier.arrive $0xFFFF  }
0x6a: {  	p0 =	sne.s32 s0, $0x0;
	_ =	strace $0x90000047  }
0x6b: {  	s0 =	sadd.s32 @!p0 $0x100000, s1;
	[bflag:$0x2] =	sbarrier.arrive $0xFFFF  }
0x6c: {  	[sflag:s0] =	ssyncadd.tile.s32 @!p0 $0x1;
	_ =	shalt  }
.Lfunc_end2:
_tile_overlayer_lowered:
.L_overlay_start_2:
0x6d: {  	(tag) =	ssettag $0x2  }
0x6e: {  	s0 =	rddreg [dreg:$0x0];
	s2 =	stileid.u32  }
0x6f: {  	s1 =	rddreg [dreg:$0x1];
	p0 =	sne.s32 s2, $0x0  }
0x70: {  	s3 =	rddreg [dreg:$0x2];
	[bflag:$0x3] =	sbarrier.arrive $0xFFFF;
	s2 =	simm.s32 @!p0 $0x1C05  }
0x71: {  	[timem:s3], [sflag:s2] =	dma.local @!p0 [hbm:s0], s1  }
0x72: {  	s0 =	simm.s32 @!p0 $0x5  }
0x73: {  	_ =	swait.ge @!p0 [sflag:s0], s1  }
0x74: {  	s1 =	ssub.s32 @!p0 $0x0, s1;
	[sflag:s0] =	ssyncset.done @!p0 $0x0  }
0x75: {  	[sflag:s0] =	ssyncadd.s32 @!p0 s1  }
0x76: {  	[bflag:$0x3] =	sbarrier.arrive $0xFFFF  }
0x77: {  	_ =	shalt  }

// kernel: kernel.9.cloned.1.call-start
scs
__scs_entry_jumppad:
0x0: {  	(pc) =	sbr.rel $0x88, $3  }
0x1: {  	(tag) =	ssettag $0x0;
	lr =	simm.s32 $0x1  }
0x2: {  	[smem:$0x3F93] =	sst lr;
	_ =	strace $0xD0000000  }
0x3: {  	_ = 	snop  }
0x4: {  	_ = 	snop  }
0x5: {  	_ = 	snop  }
0x6: {  	_ = 	snop  }
0x7: {  	_ = 	snop  }
__scs_overlays_trampoline_lowered:
0x8: {  	[smem:$0x3FA2] =	sst s0  }
0x9: {  	[smem:$0x3FA3] =	sst s1  }
0xa: {  	[smem:$0x3FA4] =	sst s2  }
0xb: {  	[smem:$0x3FA5] =	sst s3  }
0xc: {  	[smem:$0x3FA6] =	sst s4  }
0xd: {  	[smem:$0x3FA7] =	sst s5  }
0xe: {  	[smem:$0x3FA8] =	sst s6  }
0xf: {  	[smem:$0x3FA9] =	sst s7  }
0x10: {  	[smem:$0x3FAA] =	sst s8  }
0x11: {  	[smem:$0x3FAB] =	sst s9;
	s0 =	simm.s32 @!p0 $0x0  }
0x12: {  	s1 =	sld [smem:$0x3F91];
	s0 =	simm.s32 @p0 $0x1  }
0x13: {  	[smem:$0x3FAC] =	sst s0;
	s0 =	simm.s32 @!p1 $0x0  }
0x14: {  	s2 =	sld [smem:$0x3F90];
	s0 =	simm.s32 @p1 $0x1  }
0x15: {  	[smem:$0x3FAD] =	sst s0;
	s0 =	simm.s32 @!p2 $0x0  }
0x16: {  	s3 =	sld [smem:$0x3FDB];
	s0 =	simm.s32 @p2 $0x1  }
0x17: {  	s4 =	simm.s32 $0x1BF5;
	[smem:$0x3FAF] =	sst s0  }
0x18: {  	s0 =	sld [smem:$0x3F92];
	_ =	swait.ge [sflag:s4], $0x0  }
0x19: {  	s7 =	sld [smem:$0x3F93]  }
0x1a: {  	s8 =	sadd.s32 $0xFFFFE003, lr  }
0x1b: {  	s9 =	sadd.s32 $0xFFFFFEF7, lr;
	s5 =	simm.s32 $0xFFFFFFFF;
	p2 =	slt.u32 s8, $0xFFFFF086  }
0x1c: {  	p1 =	slt.u32 s9, $0xF7A;
	s5 =	simm.s32 @!p2 $0x0  }
0x1d: {  	s5 =	simm.s32 @p1 $0x1;
	p0 =	seq.s32 s7, s2  }
0x1e: {  	s7 =	smul.u32 @!p0 $0xF7A, s2;
	p2 =	seq.s32 @!p0 s5, $0x0  }
0x1f: {  	s9 =	smul.u32 $0xF7A, s1;
	s8 =	simm.s32 @!p0 $0x1BF5;
	p2 =	por !p2, p0  }
0x20: {  	[sflag:s8] =	ssyncset.s32 @!p0 $0xFFFFF086;
	s6 =	sadd.s32 @!p0 s3, s7;
	s7 =	simm.s32 @!p0 $0x108  }
0x21: {  	s3 =	sadd.s32 s3, s9;
	s6 =	sadd.s32 @!p0 $0x88, s6;
	s7 =	simm.s32 @p2 $0x1082  }
0x22: {  	[simem:s7], [sflag:s8] =	dma.local @!p0 [hbm:s6], $0xF7A  }
0x23: {  	s9 =	sor.u32 $0xD0000000, s2;
	s6 =	simm.s32 $0x108;
	_ =	swait.ge @!p0 [sflag:s8], $0x0  }
0x24: {  	s3 =	sadd.s32 $0x88, s3;
	s6 =	simm.s32 @!p1 $0x1082;
	[sflag:s4] =	ssyncset.s32 $0xFFFFF086  }
0x25: {  	[simem:s6], [sflag:s4] =	dma.local [hbm:s3], $0xF7A  }
0x26: {  	[smem:$0x3F93] =	sst s1;
	(tag) =	ssettag s2;
	_ =	strace s9  }
0x27: {  	s1 =	sld [smem:$0x3FA3]  }
0x28: {  	s2 =	sld [smem:$0x3FA4]  }
0x29: {  	s4 =	sld [smem:$0x3FA6]  }
0x2a: {  	p0 =	seq.s32 s5, $0x0;
	s5 =	sld [smem:$0x3FA7]  }
0x2b: {  	s6 =	sld [smem:$0x3FA8]  }
0x2c: {  	s7 =	sld [smem:$0x3FA9]  }
0x2d: {  	s3 =	simm.s32 $0x108;
	s8 =	sld [smem:$0x3FAA]  }
0x2e: {  	s3 =	simm.s32 @!p0 $0x1082;
	s9 =	sld [smem:$0x3FAB]  }
0x2f: {  	lr =	sadd.s32 s0, s3;
	s0 =	sld [smem:$0x3FA2]  }
0x30: {  	s3 =	sld [smem:$0x3FA5]  }
0x31: {  	[smem:$0x3FAE] =	sst s10  }
0x32: {  	s10 =	sld [smem:$0x3FAC];
	_ =	sdelay $0x3  }
0x33: {  	p0 =	seq.s32 s10, $0x1;
	s10 =	sld [smem:$0x3FAE];
	_ =	sdelay $0x3  }
0x34: {  	[smem:$0x3FAE] =	sst s10  }
0x35: {  	s10 =	sld [smem:$0x3FAD];
	_ =	sdelay $0x3  }
0x36: {  	p1 =	seq.s32 s10, $0x1;
	s10 =	sld [smem:$0x3FAE];
	_ =	sdelay $0x3  }
0x37: {  	[smem:$0x3FAE] =	sst s10  }
0x38: {  	s10 =	sld [smem:$0x3FAF]  }
0x39: {  	_ = 	snop;
	(pc) =	sbr.ind lr, $3  }
0x3a: {  	_ = 	snop  }
0x3b: {  	_ = 	snop  }
0x3c: {  	p2 =	seq.s32 s10, $0x1;
	s10 =	sld [smem:$0x3FAE]  }
0x3d: {  	_ =	shalt  }
0x3e: {  	_ =	shalt  }
0x3f: {  	_ =	shalt  }
0x40: {  	_ =	shalt  }
0x41: {  	_ =	shalt  }
0x42: {  	_ =	shalt  }
0x43: {  	_ =	shalt  }
0x44: {  	_ =	shalt  }
0x45: {  	_ =	shalt  }
0x46: {  	_ =	shalt  }
0x47: {  	_ =	shalt  }
0x48: {  	_ =	shalt  }
0x49: {  	_ =	shalt  }
0x4a: {  	_ =	shalt  }
0x4b: {  	_ =	shalt  }
0x4c: {  	_ =	shalt  }
0x4d: {  	_ =	shalt  }
0x4e: {  	_ =	shalt  }
0x4f: {  	_ =	shalt  }
0x50: {  	_ =	shalt  }
0x51: {  	_ =	shalt  }
0x52: {  	_ =	shalt  }
0x53: {  	_ =	shalt  }
0x54: {  	_ =	shalt  }
0x55: {  	_ =	shalt  }
0x56: {  	_ =	shalt  }
0x57: {  	_ =	shalt  }
0x58: {  	_ =	shalt  }
0x59: {  	_ =	shalt  }
0x5a: {  	_ =	shalt  }
0x5b: {  	_ =	shalt  }
0x5c: {  	_ =	shalt  }
0x5d: {  	_ =	shalt  }
0x5e: {  	_ =	shalt  }
0x5f: {  	_ =	shalt  }
0x60: {  	_ =	shalt  }
0x61: {  	_ =	shalt  }
0x62: {  	_ =	shalt  }
0x63: {  	_ =	shalt  }
0x64: {  	_ =	shalt  }
0x65: {  	_ =	shalt  }
0x66: {  	_ =	shalt  }
0x67: {  	_ =	shalt  }
0x68: {  	_ =	shalt  }
0x69: {  	_ =	shalt  }
0x6a: {  	_ =	shalt  }
0x6b: {  	_ =	shalt  }
0x6c: {  	_ =	shalt  }
0x6d: {  	_ =	shalt  }
0x6e: {  	_ =	shalt  }
0x6f: {  	_ =	shalt  }
0x70: {  	_ =	shalt  }
0x71: {  	_ =	shalt  }
0x72: {  	_ =	shalt  }
0x73: {  	_ =	shalt  }
0x74: {  	_ =	shalt  }
0x75: {  	_ =	shalt  }
0x76: {  	_ =	shalt  }
0x77: {  	_ =	shalt  }
0x78: {  	_ =	shalt  }
0x79: {  	_ =	shalt  }
0x7a: {  	_ =	shalt  }
0x7b: {  	_ =	shalt  }
0x7c: {  	_ =	shalt  }
0x7d: {  	_ =	shalt  }
0x7e: {  	_ =	shalt  }
0x7f: {  	_ =	shalt  }
0x80: {  	_ =	shalt  }
0x81: {  	_ =	shalt  }
0x82: {  	_ =	shalt  }
0x83: {  	_ =	shalt  }
0x84: {  	_ =	shalt  }
0x85: {  	_ =	shalt  }
0x86: {  	_ =	shalt  }
0x87: {  	_ =	shalt  }
.Lfunc_end0:
.L_simem_size_0:
called_computation.1_lowered:
.L_overlay_start_0:
0x88: {  	s2 =	sld [smem:$0x3FD9]  }
0x89: {  	s3 =	sld [smem:$0x3FFE];
	_ =	sdelay $0x1  }
0x8a: {  	s1 =	srdreg.scid  }
0x8b: {  	s0 =	sand.u32 $0x1, s1  }
0x8c: {  	s17 =	sshll.u32 s0, $0xA;
	s2 =	sadd.s32 s3, s2  }
0x8d: {  	s2 =	sadd.s32 s2, s17  }
0x8e: {  	[smem:$0x3FBA] =	sst s2  }
0x8f: {  	_ = 	snop  }
0x90: {  	s2 =	sld [smem:$0x3FD0];
	(tm) =	ssettm $0x1  }
0x91: {  	s18 =	sld [smem:$0x3FFB];
	_ =	sdelay $0x3  }
0x92: {  	_ =	strace s18  }
0x93: {  	s3 =	sld [smem:$0x3FFC];
	_ =	sdelay $0x3  }
0x94: {  	_ =	strace s3  }
0x95: {  	s3 =	sld [smem:$0x3FFD];
	_ =	sdelay $0x3  }
0x96: {  	_ =	strace s3  }
0x97: {  	_ =	strace $0x8FFFFFFF  }
0x98: {  	s19 =	sld [smem:$0x3FDB];
	_ =	sdelay $0x1  }
0x99: {  	s4 =	simm.s32 $_scs_section_size  }
0x9a: {  	s5 =	simm.s32 $_size__tile_overlayer_lowered;
	s6 =	simm.s32 $_tile_overlayer_lowered  }
0x9b: {  	s22 =	simm.s32 $0x1BFF;
	s21 =	sshll.u32 s6, $0x1;
	s3 =	sadd.s32 s4, s19  }
0x9c: {  	s7 =	simm.s32 $0x0;
	s20 =	sshll.u32 s5, $0x1;
	s5 =	sadd.s32 s21, s3  }
0x9d: {  	[timem:s7], [sflag:s22] =	dma.local [hbm:s5], s20  }
0x9e: {  	_ =	swait.ge [sflag:s22], s20  }
0x9f: {  	s4 =	ssub.s32 $0x0, s20;
	[sflag:s22] =	ssyncset.done $0x0  }
0xa0: {  	[sflag:s22] =	ssyncadd.s32 s4;
	_ =	sdelay $0x1  }
0xa1: {  	s23 =	simm.s32 $0x1B8B  }
0xa2: {  	_ =	swait.ge [sflag:s23], $0x1  }
0xa3: {  	[sflag:s23] =	ssyncset.done $0x0  }
0xa4: {  	s25 =	simm.s32 $0x1B8E;
	s24 =	sld [smem:$0x3FFE];
	[sflag:s23] =	ssyncadd.s32 $0xFFFFFFFF  }
0xa5: {  	s26 =	simm.s32 $execute0_lowered;
	[smem:$0x3FD2] =	sst s25  }
0xa6: {  	s5 =	sshll.u32 s26, $0x1;
	_ =	strace $0x80000049;
	[dreg:$0x1] =	wrdreg $0xFFFFFFFF  }
0xa7: {  	s28 =	simm.s32 $_size_execute0_lowered;
	s3 =	sadd.s32 s3, s5;
	[dreg:$0x0] =	wrdreg $0x0  }
0xa8: {  	s5 =	sshll.u32 s28, $0x1;
	[dreg:$0x2] =	wrdreg s3  }
0xa9: {  	[dreg:$0x3] =	wrdreg s5  }
0xaa: {  	[dreg:$0x4] =	wrdreg $0xC0  }
0xab: {  	_ =	task [dreg:s7], $0x5FFFF  }
0xac: {  	[dreg:$0x1] =	wrdreg $0xFFFFFFFF  }
0xad: {  	[dreg:$0x0] =	wrdreg $0x60  }
0xae: {  	[dreg:$0x2] =	wrdreg s24  }
0xaf: {  	[dreg:$0x3] =	wrdreg s2  }
0xb0: {  	[dreg:$0x4] =	wrdreg $0x0  }
0xb1: {  	[dreg:$0x5] =	wrdreg $0x9  }
0xb2: {  	_ =	task.clear_ibuf [dreg:s7], $0x6FFFF;
	_ =	strace $0x90000049  }
0xb3: {  	s29 =	simm.s32 $0x9;
	_ =	strace $0x8000004B  }
0xb4: {  	_ =	swait.ge [sflag:s29], $0x1  }
0xb5: {  	[sflag:s29] =	ssyncadd.s32 $0xFFFFFFFF  }
0xb6: {  	_ =	strace $0x9000004B  }
0xb7: {  	_ =	sfence  }
0xb8: {  	s30 =	sld [smem:$0x0];
	_ =	sdelay $0x2  }
0xb9: {  	s31 =	sshll.u32 s1, $0xD;
	s1 =	sshrl.u32 s1, $0x2  }
0xba: {  	s3 =	sand.u32 $0x4000, s31;
	s1 =	sadd.s32 s1, s30  }
0xbb: {  	s0 =	sor.u32 s3, s0;
	s1 =	sshll.u32 s1, $0x11  }
0xbc: {  	s0 =	sor.u32 s1, s0  }
0xbd: {  	s0 =	sadd.s32 $0x8F2B, s0  }
0xbe: {  	[sflag:s0] =	ssyncadd.remote.s32 $0x1  }
0xbf: {  	_ =	sfence.sel $0xFFFF  }
0xc0: {  	[dreg:$0x0] =	wrdreg $0xFFFFFFFF;
	(pc) =	sbr.abs _section_cstart, $3  }
0xc1: {  	[dreg:$0x1] =	wrdreg $0xFFFFFFFF  }
0xc2: {  	_ =	task.clear_ibuf [dreg:s7], $0x2FFFF;
	_ =	strace $0x9FFFFFFF  }
0xc3: {  	(tm) =	ssettm $0x7FFFFFFF  }
tec
execute0_lowered:
.L_overlay_start_1:
0x0: {  	(tag) =	ssettag $0x1  }
0x1: {  	s0 =	rddreg [dreg:$0x0]  }
0x2: {  	s1 =	rddreg [dreg:$0x1]  }
0x3: {  	s3 =	rddreg [dreg:$0x2]  }
0x4: {  	s4 =	simm.s32 $0x0;
	s2 =	stileid.u32;
	s5 =	srdreg.scid  }
0x5: {  	s28 =	simm.s32 $0x3;
	s29 =	simm.s32 $0x2;
	s9 =	smul.u32 $0x2780, s2  }
0x6: {  	s30 =	simm.s32 $0x13D00;
	s31 =	simm.s32 $0x18E00;
	s11 =	smul.u32 $0x4F000, s2  }
0x7: {  	[smem:$0x7FF] =	sst s4;
	s6 =	sadd.s32 $0x2200, s0;
	s12 =	smul.u32 $0x14, s2  }
0x8: {  	s7 =	sadd.s32 $0x9D0000, s0;
	s8 =	sadd.s32 $0xEB2000, s0;
	s13 =	smul.u32 $0xA00, s2  }
0x9: {  	s5 =	sand.u32 $0x1, s5;
	s10 =	sadd.s32 $0xAA000, s0;
	s20 =	smul.u32 $0xA0, s2  }
0xa: {  	s21 =	sor.u32 $0x10, s2;
	s24 =	sor.u32 $0x40, s2;
	_ =	strace $0x8000004A  }
0xb: {  	[dreg:$0x5] =	wrdreg s10;
	s16 =	ssub.s32 $0x2, s5;
	s23 =	smul.u32 $0x14, s21  }
0xc: {  	p0 =	seq.s32 s5, $0x1;
	s10 =	smul.u32 $0xA00, s21;
	[dreg:$0x4] =	wrdreg s9  }
0xd: {  	s9 =	sadd.s32 s9, s0;
	s0 =	sadd.s32 $0xD1800, s0;
	s17 =	sshrl.u32 s16, $0x1  }
0xe: {  	s18 =	sshrl.u32 s11, $0x2;
	s11 =	sadd.s32 s6, s12;
	s12 =	sadd.s32 s7, s13  }
0xf: {  	s15 =	sadd.s32 s8, s13;
	s5 =	sadd.s32 $0xA00, s20;
	s13 =	smul.u32 $0xA00, s24  }
0x10: {  	s20 =	sor.u32 $0x7B0, s2;
	[dreg:$0x6] =	wrdreg s0;
	s19 =	sadd.s32 s18, s3  }
0x11: {  	s0 =	ssub.s32 s16, s17;
	s14 =	sadd.s32 $0xC000, s9;
	[dreg:$0x7] =	wrdreg s19  }
0x12: {  	s22 =	sadd.s32 $0x33800, s9;
	s16 =	sadd.s32 $0x5B000, s9;
	[dreg:$0x8] =	wrdreg s14  }
0x13: {  	s17 =	sshrl.u32 s5, $0x3;
	s18 =	sor.u32 $0x30, s2;
	[dreg:$0x9] =	wrdreg s22  }
0x14: {  	s9 =	sadd.s32 $0x82800, s9;
	s5 =	sshll.u32 s5, $0x4;
	[dreg:$0xa] =	wrdreg s16  }
0x15: {  	s10 =	sadd.s32 s7, s10;
	s16 =	smul.u32 $0x14, s24;
	[dreg:$0xb] =	wrdreg s9  }
0x16: {  	s25 =	sadd.s32 s6, s17;
	s9 =	smul.u32 $0x14, s18;
	[dreg:$0x10] =	wrdreg s10  }
0x17: {  	s26 =	smul.u32 $0xA00, s18;
	s5 =	sadd.s32 s8, s5;
	[dreg:$0xc] =	wrdreg s25  }
0x18: {  	s19 =	sor.u32 $0x20, s2;
	s0 =	smax.u32 s0, $0x1;
	[dreg:$0xd] =	wrdreg s5  }
0x19: {  	s14 =	sadd.s32 s6, s23;
	s23 =	smul.u32 $0xA00, s20;
	[dreg:$0xe] =	wrdreg s0  }
0x1a: {  	s13 =	sadd.s32 s8, s13;
	s21 =	smul.u32 $0x14, s19;
	[dreg:$0xf] =	wrdreg s14  }
0x1b: {  	s5 =	sor.u32 $0x50, s2;
	[dreg:$0x12] =	wrdreg s13;
	s25 =	smul.u32 $0xA00, s19  }
0x1c: {  	s22 =	smul.u32 $0xA00, s5;
	s26 =	sadd.s32 s8, s26;
	s17 =	sadd.s32 s8, s23  }
0x1d: {  	s23 =	sadd.s32 s6, s16;
	s9 =	sadd.s32 s6, s9;
	[dreg:$0x13] =	wrdreg s26  }
0x1e: {  	s16 =	sadd.s32 $0x500, s11;
	s24 =	sadd.s32 s6, s21;
	[dreg:$0x15] =	wrdreg s17  }
0x1f: {  	s18 =	sadd.s32 s8, s25;
	s21 =	sadd.s32 s7, s25;
	[dreg:$0x18] =	wrdreg s23  }
0x20: {  	s25 =	sshll.u32 s2, $0x6;
	[dreg:$0x19] =	wrdreg s9;
	s17 =	sadd.s32 $0xA00, s11  }
0x21: {  	[dreg:$0x11] =	wrdreg s24;
	s0 =	sadd.s32 s8, s22;
	s22 =	smul.u32 $0x14, s5  }
0x22: {  	s23 =	simm.s32 $0x13E00;
	[dreg:$0x16] =	wrdreg s18;
	s24 =	smul.u32 $0x14, s20  }
.Ltmp0:
0x23: {  	[dreg:$0x17] =	wrdreg s21;
	s9 =	sor.u32 $0x1C05, s25;
	(pc) =	sbr.rel .LBB2_1-.Ltmp0, $4  }
0x24: {  	s18 =	sadd.s32 $0x46000, s15;
	s20 =	simm.s32 $0x5;
	s25 =	simm.s32 $0x1  }
0x25: {  	s8 =	simm.s32 $0x0;
	[dreg:$0x14] =	wrdreg s0;
	s0 =	sadd.s32 s6, s22  }
0x26: {  	s26 =	sadd.s32 s6, s24;
	s22 =	simm.s32 $0x13C00;
	[dreg:$0x1a] =	wrdreg s0  }
0x27: {  	[dreg:$0x1b] =	wrdreg s26;
	s26 =	simm.s32 $0xA0;
	s0 =	simm.s32 $0x4  }
.LBB2_33:
0x28: {  	_ =	swait.ge [sflag:s5], $0x5000  }
0x29: {  	[sflag:s5] =	ssyncset.done $0x0  }
0x2a: {  	[sflag:s5] =	ssyncadd.s32 $0xFFFFB000  }
0x2b: {  	_ =	swait.ge [sflag:s10], $0x5000  }
0x2c: {  	[sflag:s10] =	ssyncset.done $0x0  }
0x2d: {  	s21 =	rddreg [dreg:$0x4];
	[sflag:s10] =	ssyncadd.s32 $0xFFFFB000  }
0x2e: {  	s5 =	sadd.s32 s14, s21;
	[bflag:$0x0] =	sbarrier.arrive $0xFFFF  }
0x2f: {  	[hbm:s5], [sflag:s9] =	dma.local [spmem:s13], $0x2780  }
0x30: {  	_ =	swait.ge [sflag:s20], $0x2780  }
0x31: {  	s8 =	sadd.s32 $0x1, s8;
	s24 =	rddreg [dreg:$0xe]  }
0x32: {  	p1 =	sne.s32 s8, s24  }
.Ltmp1:
0x33: {  	_ = 	snop;
	(pc) =	sbr.rel @!p1 .LBB2_34-.Ltmp1, $3  }
0x34: {  	_ =	sdelay $0x1  }
0x35: {  	[sflag:s20] =	ssyncset.done $0x0  }
0x36: {  	[sflag:s20] =	ssyncadd.s32 $0xFFFFD880  }
.LBB2_1:
0x37: {  	s5 =	rddreg [dreg:$0x7]  }
0x38: {  	s13 =	sshrl.u32 s5, $0x3  }
0x39: {  	[spmem:s13], [sflag:s9] =	dma.local [hbm:s1], $0x2780  }
0x3a: {  	_ =	swait.ge [sflag:s20], $0x2780  }
0x3b: {  	[sflag:s20] =	ssyncset.done $0x0  }
.Ltmp2:
0x3c: {  	[sflag:s20] =	ssyncadd.s32 $0xFFFFD880;
	(pc) =	sbr.rel @p0 .LBB2_15-.Ltmp2, $4  }
0x3d: {  	[bflag:$0x0] =	sbarrier.arrive $0xFFFF  }
0x3e: {  	[tilespmem:s22], [sflag:$0x1] =	stream.linear.gather [hbm4b:s11+s4], $0xA0, $0x38;
	[tilespmem:$0x1DE00] =	vst v63  }
0x3f: {  	s14 =	simm.s32 $0x0  }
0x40: {  	[tilespmem:s23], [sflag:$0x1] =	stream.linear.gather [hbm4b:s12+s4], $0x5000, $0x38;
	[tilespmem:$0x1DE00] =	vst v63  }
0x41: {  	s5 =	simm.s32 $0x0;
	s10 =	rddreg [dreg:$0xf]  }
0x42: {  	[tilespmem:s30], [sflag:$0x2] =	stream.linear.gather [hbm4b:s10+s5], $0xA0, $0x38;
	[tilespmem:$0x1DE00] =	vst v63  }
0x43: {  	s14 =	rddreg [dreg:$0x10]  }
0x44: {  	[tilespmem:s31], [sflag:$0x2] =	stream.linear.gather [hbm4b:s14+s5], $0x5000, $0x38;
	[tilespmem:$0x1DE00] =	vst v63  }
0x45: {  	_ =	swait.ge [sflag:s25], $0xA0  }
0x46: {  	[sflag:s25] =	ssyncset.done $0x0  }
0x47: {  	[sflag:s25] =	ssyncadd.s32 $0xFFFFFF60  }
0x48: {  	_ =	swait.ge [sflag:s25], $0x5000  }
0x49: {  	[sflag:s25] =	ssyncset.done $0x0  }
0x4a: {  	[sflag:s25] =	ssyncadd.s32 $0xFFFFB000  }
0x4b: {  	[spmem:s3] =	stream.indirect.scatter.add.f32 [tilespmem:s23], [sflag:$0x3], $0x80, s22, s26, $0xb8;
	[tilespmem:$0x1DE00] =	vst v63  }
0x4c: {  	_ =	swait.ge [sflag:s28], $0x5000  }
0x4d: {  	[sflag:s28] =	ssyncset.done $0x0  }
0x4e: {  	s21 =	rddreg [dreg:$0x11];
	[sflag:s28] =	ssyncadd.s32 $0xFFFFB000  }
0x4f: {  	[tilespmem:s22], [sflag:$0x1] =	stream.linear.gather [hbm4b:s21+s5], $0xA0, $0x38;
	[tilespmem:$0x1DE00] =	vst v63  }
0x50: {  	s24 =	rddreg [dreg:$0x17]  }
0x51: {  	[tilespmem:s23], [sflag:$0x1] =	stream.linear.gather [hbm4b:s24+s5], $0x5000, $0x38;
	[tilespmem:$0x1DE00] =	vst v63  }
0x52: {  	_ =	swait.ge [sflag:s29], $0xA0  }
0x53: {  	[sflag:s29] =	ssyncset.done $0x0  }
0x54: {  	[sflag:s29] =	ssyncadd.s32 $0xFFFFFF60  }
0x55: {  	_ =	swait.ge [sflag:s29], $0x5000  }
0x56: {  	[sflag:s29] =	ssyncset.done $0x0  }
0x57: {  	[sflag:s29] =	ssyncadd.s32 $0xFFFFB000  }
0x58: {  	[spmem:s3] =	stream.indirect.scatter.add.f32 [tilespmem:s31], [sflag:$0x4], $0x80, s30, s26, $0xb8;
	[tilespmem:$0x1DE00] =	vst v63  }
0x59: {  	_ =	swait.ge [sflag:s0], $0x5000  }
0x5a: {  	[sflag:s0] =	ssyncset.done $0x0  }
0x5b: {  	s10 =	sadd.s32 $0xFFFFFEC0, s16;
	s14 =	sadd.s32 $0x0, s12;
	[sflag:s0] =	ssyncadd.s32 $0xFFFFB000  }
0x5c: {  	[tilespmem:s30], [sflag:$0x2] =	stream.linear.gather [hbm4b:s10+s4], $0xA0, $0x38;
	[tilespmem:$0x1DE00] =	vst v63  }
0x5d: {  	s21 =	sadd.s32 $0x1E000, s14  }
0x5e: {  	[tilespmem:s31], [sflag:$0x2] =	stream.linear.gather [hbm4b:s21+s4], $0x5000, $0x38;
	[tilespmem:$0x1DE00] =	vst v63  }
0x5f: {  	_ =	swait.ge [sflag:s25], $0xA0  }
0x60: {  	[sflag:s25] =	ssyncset.done $0x0  }
0x61: {  	[sflag:s25] =	ssyncadd.s32 $0xFFFFFF60  }
0x62: {  	_ =	swait.ge [sflag:s25], $0x5000  }
0x63: {  	[sflag:s25] =	ssyncset.done $0x0  }
0x64: {  	[sflag:s25] =	ssyncadd.s32 $0xFFFFB000  }
0x65: {  	[spmem:s3] =	stream.indirect.scatter.add.f32 [tilespmem:s23], [sflag:$0x3], $0x80, s22, s26, $0xb8;
	[tilespmem:$0x1DE00] =	vst v63  }
0x66: {  	_ =	swait.ge [sflag:s28], $0x5000  }
0x67: {  	[sflag:s28] =	ssyncset.done $0x0  }
0x68: {  	[sflag:s28] =	ssyncadd.s32 $0xFFFFB000  }
0x69: {  	[tilespmem:s22], [sflag:$0x1] =	stream.linear.gather [hbm4b:s16+s4], $0xA0, $0x38;
	[tilespmem:$0x1DE00] =	vst v63  }
0x6a: {  	s24 =	sadd.s32 $0x28000, s14  }
0x6b: {  	[tilespmem:s23], [sflag:$0x1] =	stream.linear.gather [hbm4b:s24+s4], $0x5000, $0x38;
	[tilespmem:$0x1DE00] =	vst v63  }
0x6c: {  	_ =	swait.ge [sflag:s29], $0xA0  }
0x6d: {  	[sflag:s29] =	ssyncset.done $0x0  }
0x6e: {  	[sflag:s29] =	ssyncadd.s32 $0xFFFFFF60  }
0x6f: {  	_ =	swait.ge [sflag:s29], $0x5000  }
0x70: {  	[sflag:s29] =	ssyncset.done $0x0  }
0x71: {  	s14 =	sadd.s32 $0x280, s16;
	s10 =	simm.s32 $0x14000;
	[sflag:s29] =	ssyncadd.s32 $0xFFFFB000  }
.LBB2_3:
0x72: {  	[spmem:s3] =	stream.indirect.scatter.add.f32 [tilespmem:s31], [sflag:$0x4], $0x80, s30, s26, $0xb8;
	[tilespmem:$0x1DE00] =	vst v63  }
0x73: {  	s5 =	smov.u32 s10  }
0x74: {  	p1 =	sne.s32 s10, $0x4B0000;
	s10 =	sadd.s32 $0x14000, s10;
	_ =	swait.ge [sflag:s0], $0x5000  }
0x75: {  	[sflag:s0] =	ssyncset.done $0x0  }
0x76: {  	s21 =	sadd.s32 $0xFFFFFEC0, s14;
	s5 =	sadd.s32 s5, s12;
	[sflag:s0] =	ssyncadd.s32 $0xFFFFB000  }
0x77: {  	[tilespmem:s30], [sflag:$0x2] =	stream.linear.gather [hbm4b:s21+s4], $0xA0, $0x38;
	[tilespmem:$0x1DE00] =	vst v63  }
0x78: {  	s21 =	sadd.s32 $0x1E000, s5  }
0x79: {  	[tilespmem:s31], [sflag:$0x2] =	stream.linear.gather [hbm4b:s21+s4], $0x5000, $0x38;
	[tilespmem:$0x1DE00] =	vst v63  }
0x7a: {  	_ =	swait.ge [sflag:s25], $0xA0  }
0x7b: {  	[sflag:s25] =	ssyncset.done $0x0  }
0x7c: {  	[sflag:s25] =	ssyncadd.s32 $0xFFFFFF60  }
0x7d: {  	_ =	swait.ge [sflag:s25], $0x5000  }
0x7e: {  	[sflag:s25] =	ssyncset.done $0x0  }
0x7f: {  	[sflag:s25] =	ssyncadd.s32 $0xFFFFB000  }
0x80: {  	[spmem:s3] =	stream.indirect.scatter.add.f32 [tilespmem:s23], [sflag:$0x3], $0x80, s22, s26, $0xb8;
	[tilespmem:$0x1DE00] =	vst v63  }
0x81: {  	_ =	swait.ge [sflag:s28], $0x5000  }
0x82: {  	[sflag:s28] =	ssyncset.done $0x0  }
0x83: {  	[sflag:s28] =	ssyncadd.s32 $0xFFFFB000  }
0x84: {  	[tilespmem:s22], [sflag:$0x1] =	stream.linear.gather [hbm4b:s14+s4], $0xA0, $0x38;
	[tilespmem:$0x1DE00] =	vst v63  }
0x85: {  	s5 =	sadd.s32 $0x28000, s5  }
0x86: {  	[tilespmem:s23], [sflag:$0x1] =	stream.linear.gather [hbm4b:s5+s4], $0x5000, $0x38;
	[tilespmem:$0x1DE00] =	vst v63  }
0x87: {  	_ =	swait.ge [sflag:s29], $0xA0  }
.Ltmp3:
0x88: {  	[sflag:s29] =	ssyncset.done $0x0;
	(pc) =	sbr.rel @p1 .LBB2_3-.Ltmp3, $4  }
0x89: {  	[sflag:s29] =	ssyncadd.s32 $0xFFFFFF60  }
0x8a: {  	_ =	swait.ge [sflag:s29], $0x5000  }
0x8b: {  	[sflag:s29] =	ssyncset.done $0x0  }
0x8c: {  	s14 =	sadd.s32 $0x280, s14;
	[sflag:s29] =	ssyncadd.s32 $0xFFFFB000  }
0x8d: {  	[spmem:s3] =	stream.indirect.scatter.add.f32 [tilespmem:s31], [sflag:$0x4], $0x80, s30, s26, $0xb8;
	[tilespmem:$0x1DE00] =	vst v63  }
0x8e: {  	_ =	swait.ge [sflag:s25], $0xA0  }
0x8f: {  	[sflag:s25] =	ssyncset.done $0x0  }
0x90: {  	[sflag:s25] =	ssyncadd.s32 $0xFFFFFF60  }
0x91: {  	_ =	swait.ge [sflag:s25], $0x5000  }
0x92: {  	[sflag:s25] =	ssyncset.done $0x0  }
0x93: {  	[sflag:s25] =	ssyncadd.s32 $0xFFFFB000  }
0x94: {  	[spmem:s3] =	stream.indirect.scatter.add.f32 [tilespmem:s23], [sflag:$0x3], $0x80, s22, s26, $0xb8;
	[tilespmem:$0x1DE00] =	vst v63  }
0x95: {  	_ =	swait.ge [sflag:s28], $0x5000  }
0x96: {  	[sflag:s28] =	ssyncset.done $0x0  }
0x97: {  	[sflag:s28] =	ssyncadd.s32 $0xFFFFB000  }
0x98: {  	_ =	swait.ge [sflag:s0], $0x5000  }
0x99: {  	[sflag:s0] =	ssyncset.done $0x0  }
0x9a: {  	[sflag:s0] =	ssyncadd.s32 $0xFFFFB000  }
0x9b: {  	[bflag:$0x0] =	sbarrier.arrive $0xFFFF  }
0x9c: {  	s5 =	rddreg [dreg:$0x8]  }
0x9d: {  	[hbm:s5], [sflag:s9] =	dma.local [spmem:s13], $0x2780  }
0x9e: {  	_ =	swait.ge [sflag:s20], $0x2780  }
0x9f: {  	[sflag:s20] =	ssyncset.done $0x0  }
0xa0: {  	[sflag:s20] =	ssyncadd.s32 $0xFFFFD880  }
0xa1: {  	[spmem:s13], [sflag:s9] =	dma.local [hbm:s1], $0x2780  }
0xa2: {  	_ =	swait.ge [sflag:s20], $0x2780  }
0xa3: {  	[sflag:s20] =	ssyncset.done $0x0  }
.Ltmp4:
0xa4: {  	[sflag:s20] =	ssyncadd.s32 $0xFFFFD880;
	(pc) =	sbr.rel .LBB2_5-.Ltmp4, $4  }
0xa5: {  	s14 =	simm.s32 $0x0;
	[bflag:$0x0] =	sbarrier.arrive $0xFFFF  }
0xa6: {  	[tilespmem:s22], [sflag:$0x1] =	stream.linear.gather [hbm4b:s11+s14], $0xA0, $0x38;
	[tilespmem:$0x1DE00] =	vst v63  }
0xa7: {  	_ = 	snop  }
0xa8: {  	[tilespmem:s23], [sflag:$0x1] =	stream.linear.gather [hbm4b:s12+s14], $0x5000, $0x38;
	[tilespmem:$0x1DE00] =	vst v63  }
.LBB2_21:
0xa9: {  	s14 =	sadd.s32 $0x1, s14  }
0xaa: {  	p1 =	sne.s32 s14, $0x3F  }
.Ltmp5:
0xab: {  	_ = 	snop;
	(pc) =	sbr.rel @!p1 .LBB2_22-.Ltmp5, $1  }
0xac: {  	_ =	sdelay $0x3  }
.LBB2_15:
0xad: {  	s5 =	sshllo.u32 s14, $0x1  }
0xae: {  	p1 =	sgt.u32 s5, $0x7C  }
0xaf: {  	p2 =	seq.s32 @!p1 s14, $0x0  }
0xb0: {  	s5 =	sshll.u32 @!p1 s5, $0x4;
	p2 =	por p2, p1  }
0xb1: {  	s5 =	sor.u32 @!p1 s2, s5;
	s10 =	simm.s32 @!p2 $0x4  }
0xb2: {  	s21 =	smul.u32 @!p1 $0x14, s5;
	_ =	swait.ge @!p2 [sflag:s10], $0x5000  }
0xb3: {  	s24 =	simm.s32 @!p1 $0x13D00;
	s5 =	smul.u32 @!p1 $0xA00, s5;
	[sflag:s10] =	ssyncset.done @!p2 $0x0  }
0xb4: {  	[sflag:s10] =	ssyncadd.s32 @!p2 $0xFFFFB000;
	s10 =	sadd.s32 @!p1 s6, s21;
	s21 =	simm.s32 @!p1 $0x0  }
0xb5: {  	[tilespmem:s24], [sflag:$0x2] =	stream.linear.gather @!p1 [hbm4b:s10+s21], $0xA0, $0x38;
	[tilespmem:$0x1DE00] =	vst v63  }
0xb6: {  	s5 =	sadd.s32 @!p1 s7, s5;
	s10 =	simm.s32 @!p1 $0x18E00  }
0xb7: {  	[tilespmem:s10], [sflag:$0x2] =	stream.linear.gather @!p1 [hbm4b:s5+s21], $0x5000, $0x38;
	[tilespmem:$0x1DE00] =	vst v63  }
0xb8: {  	_ =	swait.ge [sflag:s25], $0xA0  }
0xb9: {  	[sflag:s25] =	ssyncset.done $0x0  }
0xba: {  	[sflag:s25] =	ssyncadd.s32 $0xFFFFFF60  }
0xbb: {  	_ =	swait.ge [sflag:s25], $0x5000  }
0xbc: {  	[sflag:s25] =	ssyncset.done $0x0  }
0xbd: {  	s10 =	simm.s32 $0x0;
	[sflag:s25] =	ssyncadd.s32 $0xFFFFB000  }
0xbe: {  	v6 =	vld [tilespmem:s10+$0x13E00]  }
0xbf: {  	v5 =	vld [tilespmem:s10+$0x13E10]  }
0xc0: {  	v4 =	vld [tilespmem:s10+$0x13E20]  }
0xc1: {  	v3 =	vld [tilespmem:s10+$0x13E30]  }
0xc2: {  	v2 =	vld [tilespmem:s10+$0x13E40]  }
0xc3: {  	v1 =	vld [tilespmem:s10+$0x13E50];
	v8 =	vmul.f32 v6, v6  }
0xc4: {  	s5 =	simm.s32 $0x200;
	v0 =	vld [tilespmem:s10+$0x13E60];
	v7 =	vmul.f32 v5, v5  }
.LBB2_16:
0xc5: {  	p2 =	sne.s32 s5, $0x13E00;
	v6 =	vmul.f32 v8, v6;
	v8 =	vmul.f32 v4, v4;
	v9 =	vld [tilespmem:s10+$0x13E70]  }
0xc6: {  	v5 =	vmul.f32 v7, v5;
	v7 =	vmul.f32 v3, v3  }
0xc7: {  	s21 =	sshra.s32 s5, $0x2;
	[tilespmem:s10+$0x13E00] =	vst v6;
	v4 =	vmul.f32 v8, v4;
	v8 =	vmul.f32 v2, v2  }
0xc8: {  	v6 =	vld [tilespmem:s21+$0x13E00];
	[tilespmem:s10+$0x13E10] =	vst v5;
	v3 =	vmul.f32 v7, v3;
	v7 =	vmul.f32 v1, v1  }
0xc9: {  	v5 =	vld [tilespmem:s21+$0x13E10];
	[tilespmem:s10+$0x13E20] =	vst v4;
	v2 =	vmul.f32 v8, v2;
	v8 =	vmul.f32 v0, v0  }
.Ltmp6:
0xca: {  	v4 =	vld [tilespmem:s21+$0x13E20];
	[tilespmem:s10+$0x13E30] =	vst v3;
	v1 =	vmul.f32 v7, v1;
	v7 =	vmul.f32 v9, v9;
	(pc) =	sbr.rel @p2 .LBB2_16-.Ltmp6, $4  }
0xcb: {  	v3 =	vld [tilespmem:s21+$0x13E30];
	[tilespmem:s10+$0x13E40] =	vst v2;
	v0 =	vmul.f32 v8, v0  }
0xcc: {  	v2 =	vld [tilespmem:s21+$0x13E40];
	[tilespmem:s10+$0x13E50] =	vst v1;
	v9 =	vmul.f32 v7, v9  }
0xcd: {  	v8 =	vmul.f32 v6, v6;
	v1 =	vld [tilespmem:s21+$0x13E50];
	[tilespmem:s10+$0x13E60] =	vst v0  }
0xce: {  	s5 =	sadd.s32 $0x200, s5;
	v7 =	vmul.f32 v5, v5;
	v0 =	vld [tilespmem:s21+$0x13E60];
	[tilespmem:s10+$0x13E70] =	vst v9;
	s10 =	smov.u32 s21  }
0xcf: {  	v6 =	vmul.f32 v8, v6;
	v57 =	vmul.f32 v4, v4;
	v9 =	vld [tilespmem:s10+$0x13E70]  }
0xd0: {  	v5 =	vmul.f32 v7, v5;
	v58 =	vmul.f32 v3, v3  }
0xd1: {  	[tilespmem:s10+$0x13E00] =	vst v6;
	v4 =	vmul.f32 v57, v4;
	v59 =	vmul.f32 v2, v2  }
0xd2: {  	[tilespmem:s10+$0x13E10] =	vst v5;
	v3 =	vmul.f32 v58, v3;
	v60 =	vmul.f32 v1, v1  }
0xd3: {  	[tilespmem:s10+$0x13E20] =	vst v4;
	v2 =	vmul.f32 v59, v2;
	v61 =	vmul.f32 v0, v0  }
0xd4: {  	[tilespmem:s10+$0x13E30] =	vst v3;
	v1 =	vmul.f32 v60, v1;
	v62 =	vmul.f32 v9, v9  }
.Ltmp7:
0xd5: {  	[tilespmem:s10+$0x13E40] =	vst v2;
	v0 =	vmul.f32 v61, v0;
	(pc) =	sbr.rel @p1 .LBB2_21-.Ltmp7, $4  }
0xd6: {  	[tilespmem:s10+$0x13E50] =	vst v1;
	v63 =	vmul.f32 v62, v9  }
0xd7: {  	[tilespmem:s10+$0x13E60] =	vst v0  }
0xd8: {  	[tilespmem:s10+$0x13E70] =	vst v63  }
0xd9: {  	[spmem:s3] =	stream.indirect.scatter.add.f32 [tilespmem:s23], [sflag:$0x3], $0x80, s22, s26, $0xb8;
	[tilespmem:$0x1DE00] =	vst v63  }
0xda: {  	s5 =	sshll.u32 s14, $0x5  }
0xdb: {  	s5 =	sadd.s32 s19, s5  }
0xdc: {  	_ =	swait.ge [sflag:s28], $0x5000;
	s10 =	smul.u32 $0x14, s5  }
0xdd: {  	s21 =	simm.s32 $0x0;
	[sflag:s28] =	ssyncset.done $0x0  }
0xde: {  	[sflag:s28] =	ssyncadd.s32 $0xFFFFB000;
	s5 =	smul.u32 $0xA00, s5;
	s10 =	sadd.s32 s6, s10  }
0xdf: {  	[tilespmem:s22], [sflag:$0x1] =	stream.linear.gather [hbm4b:s10+s21], $0xA0, $0x38;
	[tilespmem:$0x1DE00] =	vst v63  }
0xe0: {  	s5 =	sadd.s32 s7, s5  }
0xe1: {  	[tilespmem:s23], [sflag:$0x1] =	stream.linear.gather [hbm4b:s5+s21], $0x5000, $0x38;
	[tilespmem:$0x1DE00] =	vst v63  }
0xe2: {  	_ =	swait.ge [sflag:s29], $0xA0  }
0xe3: {  	[sflag:s29] =	ssyncset.done $0x0  }
0xe4: {  	[sflag:s29] =	ssyncadd.s32 $0xFFFFFF60  }
0xe5: {  	_ =	swait.ge [sflag:s29], $0x5000  }
0xe6: {  	[sflag:s29] =	ssyncset.done $0x0  }
0xe7: {  	s10 =	simm.s32 $0x0;
	[sflag:s29] =	ssyncadd.s32 $0xFFFFB000  }
0xe8: {  	v6 =	vld [tilespmem:s10+$0x18E00]  }
0xe9: {  	v5 =	vld [tilespmem:s10+$0x18E10]  }
0xea: {  	v4 =	vld [tilespmem:s10+$0x18E20]  }
0xeb: {  	v3 =	vld [tilespmem:s10+$0x18E30]  }
0xec: {  	v2 =	vld [tilespmem:s10+$0x18E40]  }
0xed: {  	v1 =	vld [tilespmem:s10+$0x18E50];
	v8 =	vmul.f32 v6, v6  }
0xee: {  	s5 =	simm.s32 $0x200;
	v0 =	vld [tilespmem:s10+$0x18E60];
	v7 =	vmul.f32 v5, v5  }
.LBB2_19:
0xef: {  	p1 =	sne.s32 s5, $0x13E00;
	v6 =	vmul.f32 v8, v6;
	v8 =	vmul.f32 v4, v4;
	v9 =	vld [tilespmem:s10+$0x18E70]  }
0xf0: {  	v5 =	vmul.f32 v7, v5;
	v7 =	vmul.f32 v3, v3  }
0xf1: {  	s21 =	sshra.s32 s5, $0x2;
	[tilespmem:s10+$0x18E00] =	vst v6;
	v4 =	vmul.f32 v8, v4;
	v8 =	vmul.f32 v2, v2  }
0xf2: {  	v6 =	vld [tilespmem:s21+$0x18E00];
	[tilespmem:s10+$0x18E10] =	vst v5;
	v3 =	vmul.f32 v7, v3;
	v7 =	vmul.f32 v1, v1  }
0xf3: {  	v5 =	vld [tilespmem:s21+$0x18E10];
	[tilespmem:s10+$0x18E20] =	vst v4;
	v2 =	vmul.f32 v8, v2;
	v8 =	vmul.f32 v0, v0  }
.Ltmp8:
0xf4: {  	v4 =	vld [tilespmem:s21+$0x18E20];
	[tilespmem:s10+$0x18E30] =	vst v3;
	v1 =	vmul.f32 v7, v1;
	v7 =	vmul.f32 v9, v9;
	(pc) =	sbr.rel @p1 .LBB2_19-.Ltmp8, $4  }
0xf5: {  	v3 =	vld [tilespmem:s21+$0x18E30];
	[tilespmem:s10+$0x18E40] =	vst v2;
	v0 =	vmul.f32 v8, v0  }
0xf6: {  	v2 =	vld [tilespmem:s21+$0x18E40];
	[tilespmem:s10+$0x18E50] =	vst v1;
	v9 =	vmul.f32 v7, v9  }
0xf7: {  	v8 =	vmul.f32 v6, v6;
	v1 =	vld [tilespmem:s21+$0x18E50];
	[tilespmem:s10+$0x18E60] =	vst v0  }
0xf8: {  	s5 =	sadd.s32 $0x200, s5;
	v7 =	vmul.f32 v5, v5;
	v0 =	vld [tilespmem:s21+$0x18E60];
	[tilespmem:s10+$0x18E70] =	vst v9;
	s10 =	smov.u32 s21  }
0xf9: {  	v6 =	vmul.f32 v8, v6;
	v57 =	vmul.f32 v4, v4;
	v9 =	vld [tilespmem:s10+$0x18E70]  }
0xfa: {  	v5 =	vmul.f32 v7, v5;
	v58 =	vmul.f32 v3, v3  }
0xfb: {  	[tilespmem:s10+$0x18E00] =	vst v6;
	v4 =	vmul.f32 v57, v4;
	v59 =	vmul.f32 v2, v2  }
0xfc: {  	[tilespmem:s10+$0x18E10] =	vst v5;
	v3 =	vmul.f32 v58, v3;
	v60 =	vmul.f32 v1, v1  }
0xfd: {  	[tilespmem:s10+$0x18E20] =	vst v4;
	v2 =	vmul.f32 v59, v2;
	v61 =	vmul.f32 v0, v0  }
0xfe: {  	[tilespmem:s10+$0x18E30] =	vst v3;
	v1 =	vmul.f32 v60, v1;
	v62 =	vmul.f32 v9, v9  }
.Ltmp9:
0xff: {  	[tilespmem:s10+$0x18E40] =	vst v2;
	v0 =	vmul.f32 v61, v0;
	(pc) =	sbr.rel .LBB2_21-.Ltmp9, $4  }
0x100: {  	[tilespmem:s10+$0x18E50] =	vst v1;
	v63 =	vmul.f32 v62, v9  }
0x101: {  	[tilespmem:s10+$0x18E60] =	vst v0  }
0x102: {  	[tilespmem:s10+$0x18E70] =	vst v63  }
0x103: {  	[spmem:s3] =	stream.indirect.scatter.add.f32 [tilespmem:s31], [sflag:$0x4], $0x80, s30, s26, $0xb8;
	[tilespmem:$0x1DE00] =	vst v63  }
.LBB2_10:
0x104: {  	[tilespmem:s10+$0x18E00] =	vst v6;
	v4 =	vmul.f32 v4, v4;
	v61 =	vld [tilespmem:s10+$0x18E70]  }
0x105: {  	[tilespmem:s10+$0x18E10] =	vst v5;
	v2 =	vmul.f32 v2, v2  }
0x106: {  	v0 =	vmul.f32 v0, v0;
	[tilespmem:s10+$0x18E20] =	vst v4  }
0x107: {  	v1 =	vmul.f32 v1, v1;
	[tilespmem:s10+$0x18E30] =	vst v2  }
0x108: {  	v62 =	vmul.f32 v3, v3;
	[tilespmem:s10+$0x18E40] =	vst v0  }
0x109: {  	[tilespmem:s10+$0x18E50] =	vst v1;
	v63 =	vmul.f32 v61, v61  }
0x10a: {  	[tilespmem:s10+$0x18E60] =	vst v62  }
0x10b: {  	[tilespmem:s10+$0x18E70] =	vst v63  }
0x10c: {  	[spmem:s3] =	stream.indirect.scatter.add.f32 [tilespmem:s31], [sflag:$0x4], $0x80, s30, s26, $0xb8;
	[tilespmem:$0x1DE00] =	vst v63  }
.LBB2_11:
0x10d: {  	s14 =	sadd.s32 $0x1, s14  }
0x10e: {  	p1 =	sne.s32 s14, $0x3F  }
.Ltmp10:
0x10f: {  	_ = 	snop;
	(pc) =	sbr.rel @!p1 .LBB2_12-.Ltmp10, $1  }
0x110: {  	_ =	sdelay $0x3  }
.LBB2_5:
0x111: {  	s5 =	sshllo.u32 s14, $0x1  }
0x112: {  	p1 =	sgt.u32 s5, $0x7C  }
0x113: {  	p2 =	seq.s32 @!p1 s14, $0x0  }
0x114: {  	s5 =	sshll.u32 @!p1 s5, $0x4;
	p2 =	por p2, p1  }
0x115: {  	s5 =	sor.u32 @!p1 s2, s5;
	s10 =	simm.s32 @!p2 $0x4  }
0x116: {  	s21 =	smul.u32 @!p1 $0x14, s5;
	_ =	swait.ge @!p2 [sflag:s10], $0x5000  }
0x117: {  	s24 =	simm.s32 @!p1 $0x13D00;
	s5 =	smul.u32 @!p1 $0xA00, s5;
	[sflag:s10] =	ssyncset.done @!p2 $0x0  }
0x118: {  	[sflag:s10] =	ssyncadd.s32 @!p2 $0xFFFFB000;
	s10 =	sadd.s32 @!p1 s6, s21;
	s21 =	simm.s32 @!p1 $0x0  }
0x119: {  	[tilespmem:s24], [sflag:$0x2] =	stream.linear.gather @!p1 [hbm4b:s10+s21], $0xA0, $0x38;
	[tilespmem:$0x1DE00] =	vst v63  }
0x11a: {  	s5 =	sadd.s32 @!p1 s7, s5;
	s10 =	simm.s32 @!p1 $0x18E00  }
0x11b: {  	[tilespmem:s10], [sflag:$0x2] =	stream.linear.gather @!p1 [hbm4b:s5+s21], $0x5000, $0x38;
	[tilespmem:$0x1DE00] =	vst v63  }
0x11c: {  	_ =	swait.ge [sflag:s25], $0xA0  }
0x11d: {  	[sflag:s25] =	ssyncset.done $0x0  }
0x11e: {  	[sflag:s25] =	ssyncadd.s32 $0xFFFFFF60  }
0x11f: {  	_ =	swait.ge [sflag:s25], $0x5000  }
0x120: {  	[sflag:s25] =	ssyncset.done $0x0  }
0x121: {  	s10 =	simm.s32 $0x0;
	[sflag:s25] =	ssyncadd.s32 $0xFFFFB000  }
0x122: {  	v3 =	vld [tilespmem:s10+$0x13E00]  }
0x123: {  	v5 =	vld [tilespmem:s10+$0x13E10]  }
0x124: {  	v4 =	vld [tilespmem:s10+$0x13E20]  }
0x125: {  	v2 =	vld [tilespmem:s10+$0x13E30]  }
0x126: {  	v0 =	vld [tilespmem:s10+$0x13E40]  }
0x127: {  	v1 =	vld [tilespmem:s10+$0x13E50];
	v6 =	vmul.f32 v3, v3  }
0x128: {  	s5 =	simm.s32 $0x200;
	v5 =	vmul.f32 v5, v5;
	v3 =	vld [tilespmem:s10+$0x13E60]  }
.LBB2_6:
0x129: {  	s21 =	sshra.s32 s5, $0x2;
	p2 =	sne.s32 s5, $0x13E00;
	[tilespmem:s10+$0x13E00] =	vst v6;
	v4 =	vmul.f32 v4, v4;
	v6 =	vld [tilespmem:s10+$0x13E70]  }
0x12a: {  	v7 =	vld [tilespmem:s21+$0x13E00];
	[tilespmem:s10+$0x13E10] =	vst v5;
	v2 =	vmul.f32 v2, v2  }
0x12b: {  	v5 =	vld [tilespmem:s21+$0x13E10];
	[tilespmem:s10+$0x13E20] =	vst v4;
	v0 =	vmul.f32 v0, v0  }
.Ltmp11:
0x12c: {  	v4 =	vld [tilespmem:s21+$0x13E20];
	[tilespmem:s10+$0x13E30] =	vst v2;
	v1 =	vmul.f32 v1, v1;
	(pc) =	sbr.rel @p2 .LBB2_6-.Ltmp11, $4  }
0x12d: {  	v2 =	vld [tilespmem:s21+$0x13E30];
	[tilespmem:s10+$0x13E40] =	vst v0;
	v3 =	vmul.f32 v3, v3  }
0x12e: {  	v0 =	vld [tilespmem:s21+$0x13E40];
	[tilespmem:s10+$0x13E50] =	vst v1;
	v8 =	vmul.f32 v6, v6  }
0x12f: {  	v6 =	vmul.f32 v7, v7;
	v1 =	vld [tilespmem:s21+$0x13E50];
	[tilespmem:s10+$0x13E60] =	vst v3  }
0x130: {  	s5 =	sadd.s32 $0x200, s5;
	v5 =	vmul.f32 v5, v5;
	v3 =	vld [tilespmem:s21+$0x13E60];
	[tilespmem:s10+$0x13E70] =	vst v8;
	s10 =	smov.u32 s21  }
0x131: {  	[tilespmem:s10+$0x13E00] =	vst v6;
	v4 =	vmul.f32 v4, v4;
	v61 =	vld [tilespmem:s10+$0x13E70]  }
0x132: {  	[tilespmem:s10+$0x13E10] =	vst v5;
	v2 =	vmul.f32 v2, v2  }
0x133: {  	[tilespmem:s10+$0x13E20] =	vst v4;
	v0 =	vmul.f32 v0, v0  }
0x134: {  	[tilespmem:s10+$0x13E30] =	vst v2;
	v1 =	vmul.f32 v1, v1  }
.Ltmp12:
0x135: {  	[tilespmem:s10+$0x13E40] =	vst v0;
	v62 =	vmul.f32 v3, v3;
	(pc) =	sbr.rel @p1 .LBB2_11-.Ltmp12, $4  }
0x136: {  	[tilespmem:s10+$0x13E50] =	vst v1;
	v63 =	vmul.f32 v61, v61  }
0x137: {  	[tilespmem:s10+$0x13E60] =	vst v62  }
0x138: {  	[tilespmem:s10+$0x13E70] =	vst v63  }
0x139: {  	[spmem:s3] =	stream.indirect.scatter.add.f32 [tilespmem:s23], [sflag:$0x3], $0x80, s22, s26, $0xb8;
	[tilespmem:$0x1DE00] =	vst v63  }
0x13a: {  	s5 =	sshll.u32 s14, $0x5  }
0x13b: {  	s5 =	sadd.s32 s19, s5  }
0x13c: {  	_ =	swait.ge [sflag:s28], $0x5000;
	s10 =	smul.u32 $0x14, s5  }
0x13d: {  	s21 =	simm.s32 $0x0;
	[sflag:s28] =	ssyncset.done $0x0  }
0x13e: {  	[sflag:s28] =	ssyncadd.s32 $0xFFFFB000;
	s5 =	smul.u32 $0xA00, s5;
	s10 =	sadd.s32 s6, s10  }
0x13f: {  	[tilespmem:s22], [sflag:$0x1] =	stream.linear.gather [hbm4b:s10+s21], $0xA0, $0x38;
	[tilespmem:$0x1DE00] =	vst v63  }
0x140: {  	s5 =	sadd.s32 s7, s5  }
0x141: {  	[tilespmem:s23], [sflag:$0x1] =	stream.linear.gather [hbm4b:s5+s21], $0x5000, $0x38;
	[tilespmem:$0x1DE00] =	vst v63  }
0x142: {  	_ =	swait.ge [sflag:s29], $0xA0  }
0x143: {  	[sflag:s29] =	ssyncset.done $0x0  }
0x144: {  	[sflag:s29] =	ssyncadd.s32 $0xFFFFFF60  }
0x145: {  	_ =	swait.ge [sflag:s29], $0x5000  }
0x146: {  	[sflag:s29] =	ssyncset.done $0x0  }
0x147: {  	s10 =	simm.s32 $0x0;
	[sflag:s29] =	ssyncadd.s32 $0xFFFFB000  }
0x148: {  	v3 =	vld [tilespmem:s10+$0x18E00]  }
0x149: {  	v5 =	vld [tilespmem:s10+$0x18E10]  }
0x14a: {  	v4 =	vld [tilespmem:s10+$0x18E20]  }
0x14b: {  	v2 =	vld [tilespmem:s10+$0x18E30]  }
0x14c: {  	v0 =	vld [tilespmem:s10+$0x18E40]  }
0x14d: {  	v1 =	vld [tilespmem:s10+$0x18E50];
	v6 =	vmul.f32 v3, v3  }
0x14e: {  	s5 =	simm.s32 $0x200;
	v5 =	vmul.f32 v5, v5;
	v3 =	vld [tilespmem:s10+$0x18E60]  }
.LBB2_9:
0x14f: {  	s21 =	sshra.s32 s5, $0x2;
	p1 =	sne.s32 s5, $0x13E00;
	[tilespmem:s10+$0x18E00] =	vst v6;
	v4 =	vmul.f32 v4, v4;
	v6 =	vld [tilespmem:s10+$0x18E70]  }
0x150: {  	v2 =	vmul.f32 v2, v2;
	v7 =	vld [tilespmem:s21+$0x18E00];
	[tilespmem:s10+$0x18E10] =	vst v5  }
0x151: {  	v0 =	vmul.f32 v0, v0;
	v5 =	vld [tilespmem:s21+$0x18E10];
	[tilespmem:s10+$0x18E20] =	vst v4  }
.Ltmp13:
0x152: {  	v1 =	vmul.f32 v1, v1;
	v4 =	vld [tilespmem:s21+$0x18E20];
	[tilespmem:s10+$0x18E30] =	vst v2;
	(pc) =	sbr.rel @p1 .LBB2_9-.Ltmp13, $4  }
0x153: {  	v3 =	vmul.f32 v3, v3;
	v2 =	vld [tilespmem:s21+$0x18E30];
	[tilespmem:s10+$0x18E40] =	vst v0  }
0x154: {  	v0 =	vld [tilespmem:s21+$0x18E40];
	[tilespmem:s10+$0x18E50] =	vst v1;
	v8 =	vmul.f32 v6, v6  }
0x155: {  	v6 =	vmul.f32 v7, v7;
	v1 =	vld [tilespmem:s21+$0x18E50];
	[tilespmem:s10+$0x18E60] =	vst v3  }
0x156: {  	s5 =	sadd.s32 $0x200, s5;
	v5 =	vmul.f32 v5, v5;
	v3 =	vld [tilespmem:s21+$0x18E60];
	[tilespmem:s10+$0x18E70] =	vst v8;
	s10 =	smov.u32 s21  }
.Ltmp14:
0x157: {  	_ = 	snop;
	(pc) =	sbr.rel .LBB2_10-.Ltmp14, $1  }
0x158: {  	_ =	sdelay $0x3  }
.LBB2_22:
0x159: {  	_ =	swait.ge [sflag:s28], $0x5000  }
0x15a: {  	[sflag:s28] =	ssyncset.done $0x0  }
0x15b: {  	[sflag:s28] =	ssyncadd.s32 $0xFFFFB000  }
0x15c: {  	_ =	swait.ge [sflag:s0], $0x5000  }
0x15d: {  	[sflag:s0] =	ssyncset.done $0x0  }
0x15e: {  	[sflag:s0] =	ssyncadd.s32 $0xFFFFB000  }
0x15f: {  	[bflag:$0x0] =	sbarrier.arrive $0xFFFF  }
0x160: {  	s5 =	rddreg [dreg:$0xa]  }
0x161: {  	[hbm:s5], [sflag:s9] =	dma.local [spmem:s13], $0x2780  }
0x162: {  	_ =	swait.ge [sflag:s20], $0x2780  }
0x163: {  	[sflag:s20] =	ssyncset.done $0x0  }
0x164: {  	[sflag:s20] =	ssyncadd.s32 $0xFFFFD880  }
0x165: {  	[spmem:s13], [sflag:s9] =	dma.local [hbm:s1], $0x2780  }
0x166: {  	_ =	swait.ge [sflag:s20], $0x2780  }
0x167: {  	[sflag:s20] =	ssyncset.done $0x0  }
.Ltmp15:
0x168: {  	[sflag:s20] =	ssyncadd.s32 $0xFFFFD880;
	(pc) =	sbr.rel .LBB2_23-.Ltmp15, $4  }
0x169: {  	s14 =	simm.s32 $0x0;
	[bflag:$0x0] =	sbarrier.arrive $0xFFFF  }
0x16a: {  	[tilespmem:s22], [sflag:$0x1] =	stream.linear.gather [hbm4b:s11+s14], $0xA0, $0x38;
	[tilespmem:$0x1DE00] =	vst v63  }
0x16b: {  	_ = 	snop  }
0x16c: {  	[tilespmem:s23], [sflag:$0x1] =	stream.linear.gather [hbm4b:s12+s14], $0x5000, $0x38;
	[tilespmem:$0x1DE00] =	vst v63  }
.LBB2_29:
0x16d: {  	s14 =	sadd.s32 $0x1, s14  }
0x16e: {  	p1 =	sne.s32 s14, $0x3F  }
.Ltmp16:
0x16f: {  	_ = 	snop;
	(pc) =	sbr.rel @!p1 .LBB2_30-.Ltmp16, $1  }
0x170: {  	_ =	sdelay $0x3  }
.LBB2_23:
0x171: {  	s5 =	sshllo.u32 s14, $0x1  }
0x172: {  	p1 =	sgt.u32 s5, $0x7C  }
0x173: {  	p2 =	seq.s32 @!p1 s14, $0x0  }
0x174: {  	s5 =	sshll.u32 @!p1 s5, $0x4;
	p2 =	por p2, p1  }
0x175: {  	s5 =	sor.u32 @!p1 s2, s5;
	s10 =	simm.s32 @!p2 $0x4  }
0x176: {  	s21 =	smul.u32 @!p1 $0x14, s5;
	_ =	swait.ge @!p2 [sflag:s10], $0x5000  }
0x177: {  	s24 =	simm.s32 @!p1 $0x13D00;
	s5 =	smul.u32 @!p1 $0xA00, s5;
	[sflag:s10] =	ssyncset.done @!p2 $0x0  }
0x178: {  	[sflag:s10] =	ssyncadd.s32 @!p2 $0xFFFFB000;
	s10 =	sadd.s32 @!p1 s6, s21;
	s21 =	simm.s32 @!p1 $0x0  }
0x179: {  	[tilespmem:s24], [sflag:$0x2] =	stream.linear.gather @!p1 [hbm4b:s10+s21], $0xA0, $0x38;
	[tilespmem:$0x1DE00] =	vst v63  }
0x17a: {  	s5 =	sadd.s32 @!p1 s7, s5;
	s10 =	simm.s32 @!p1 $0x18E00  }
0x17b: {  	[tilespmem:s10], [sflag:$0x2] =	stream.linear.gather @!p1 [hbm4b:s5+s21], $0x5000, $0x38;
	[tilespmem:$0x1DE00] =	vst v63  }
0x17c: {  	_ =	swait.ge [sflag:s25], $0xA0  }
0x17d: {  	[sflag:s25] =	ssyncset.done $0x0  }
0x17e: {  	[sflag:s25] =	ssyncadd.s32 $0xFFFFFF60  }
0x17f: {  	_ =	swait.ge [sflag:s25], $0x5000  }
0x180: {  	[sflag:s25] =	ssyncset.done $0x0  }
0x181: {  	s10 =	simm.s32 $0x0;
	[sflag:s25] =	ssyncadd.s32 $0xFFFFB000  }
0x182: {  	v0 =	vld [tilespmem:s10+$0x13E00]  }
0x183: {  	v5 =	vld [tilespmem:s10+$0x13E10]  }
0x184: {  	v4 =	vld [tilespmem:s10+$0x13E20]  }
0x185: {  	v3 =	vld [tilespmem:s10+$0x13E30]  }
0x186: {  	v2 =	vld [tilespmem:s10+$0x13E40]  }
0x187: {  	v1 =	vld [tilespmem:s10+$0x13E50];
	v6 =	vmul.f32 v0, v0  }
0x188: {  	s5 =	simm.s32 $0x200;
	v5 =	vmul.f32 v5, v5;
	v0 =	vld [tilespmem:s10+$0x13E60]  }
.LBB2_24:
0x189: {  	p2 =	sne.s32 s5, $0x13E00;
	v6 =	vmul.f32 v6, v6;
	v4 =	vmul.f32 v4, v4;
	v7 =	vld [tilespmem:s10+$0x13E70]  }
0x18a: {  	v5 =	vmul.f32 v5, v5;
	v3 =	vmul.f32 v3, v3  }
0x18b: {  	s21 =	sshra.s32 s5, $0x2;
	[tilespmem:s10+$0x13E00] =	vst v6;
	v4 =	vmul.f32 v4, v4;
	v2 =	vmul.f32 v2, v2  }
0x18c: {  	v6 =	vld [tilespmem:s21+$0x13E00];
	[tilespmem:s10+$0x13E10] =	vst v5;
	v3 =	vmul.f32 v3, v3;
	v1 =	vmul.f32 v1, v1  }
0x18d: {  	v5 =	vld [tilespmem:s21+$0x13E10];
	[tilespmem:s10+$0x13E20] =	vst v4;
	v2 =	vmul.f32 v2, v2;
	v0 =	vmul.f32 v0, v0  }
.Ltmp17:
0x18e: {  	v4 =	vld [tilespmem:s21+$0x13E20];
	[tilespmem:s10+$0x13E30] =	vst v3;
	v1 =	vmul.f32 v1, v1;
	v7 =	vmul.f32 v7, v7;
	(pc) =	sbr.rel @p2 .LBB2_24-.Ltmp17, $4  }
0x18f: {  	v3 =	vld [tilespmem:s21+$0x13E30];
	[tilespmem:s10+$0x13E40] =	vst v2;
	v0 =	vmul.f32 v0, v0  }
0x190: {  	v2 =	vld [tilespmem:s21+$0x13E40];
	[tilespmem:s10+$0x13E50] =	vst v1;
	v7 =	vmul.f32 v7, v7  }
0x191: {  	v6 =	vmul.f32 v6, v6;
	v1 =	vld [tilespmem:s21+$0x13E50];
	[tilespmem:s10+$0x13E60] =	vst v0  }
0x192: {  	s5 =	sadd.s32 $0x200, s5;
	v5 =	vmul.f32 v5, v5;
	v0 =	vld [tilespmem:s21+$0x13E60];
	[tilespmem:s10+$0x13E70] =	vst v7;
	s10 =	smov.u32 s21  }
0x193: {  	v6 =	vmul.f32 v6, v6;
	v4 =	vmul.f32 v4, v4;
	v7 =	vld [tilespmem:s10+$0x13E70]  }
0x194: {  	v5 =	vmul.f32 v5, v5;
	v3 =	vmul.f32 v3, v3  }
0x195: {  	[tilespmem:s10+$0x13E00] =	vst v6;
	v4 =	vmul.f32 v4, v4;
	v2 =	vmul.f32 v2, v2  }
0x196: {  	[tilespmem:s10+$0x13E10] =	vst v5;
	v3 =	vmul.f32 v3, v3;
	v1 =	vmul.f32 v1, v1  }
0x197: {  	[tilespmem:s10+$0x13E20] =	vst v4;
	v2 =	vmul.f32 v2, v2;
	v0 =	vmul.f32 v0, v0  }
0x198: {  	[tilespmem:s10+$0x13E30] =	vst v3;
	v1 =	vmul.f32 v1, v1;
	v62 =	vmul.f32 v7, v7  }
.Ltmp18:
0x199: {  	[tilespmem:s10+$0x13E40] =	vst v2;
	v0 =	vmul.f32 v0, v0;
	(pc) =	sbr.rel @p1 .LBB2_29-.Ltmp18, $4  }
0x19a: {  	[tilespmem:s10+$0x13E50] =	vst v1;
	v63 =	vmul.f32 v62, v62  }
0x19b: {  	[tilespmem:s10+$0x13E60] =	vst v0  }
0x19c: {  	[tilespmem:s10+$0x13E70] =	vst v63  }
0x19d: {  	[spmem:s3] =	stream.indirect.scatter.add.f32 [tilespmem:s23], [sflag:$0x3], $0x80, s22, s26, $0xb8;
	[tilespmem:$0x1DE00] =	vst v63  }
0x19e: {  	s5 =	sshll.u32 s14, $0x5  }
0x19f: {  	s5 =	sadd.s32 s19, s5  }
0x1a0: {  	_ =	swait.ge [sflag:s28], $0x5000;
	s10 =	smul.u32 $0x14, s5  }
0x1a1: {  	s21 =	simm.s32 $0x0;
	[sflag:s28] =	ssyncset.done $0x0  }
0x1a2: {  	[sflag:s28] =	ssyncadd.s32 $0xFFFFB000;
	s5 =	smul.u32 $0xA00, s5;
	s10 =	sadd.s32 s6, s10  }
0x1a3: {  	[tilespmem:s22], [sflag:$0x1] =	stream.linear.gather [hbm4b:s10+s21], $0xA0, $0x38;
	[tilespmem:$0x1DE00] =	vst v63  }
0x1a4: {  	s5 =	sadd.s32 s7, s5  }
0x1a5: {  	[tilespmem:s23], [sflag:$0x1] =	stream.linear.gather [hbm4b:s5+s21], $0x5000, $0x38;
	[tilespmem:$0x1DE00] =	vst v63  }
0x1a6: {  	_ =	swait.ge [sflag:s29], $0xA0  }
0x1a7: {  	[sflag:s29] =	ssyncset.done $0x0  }
0x1a8: {  	[sflag:s29] =	ssyncadd.s32 $0xFFFFFF60  }
0x1a9: {  	_ =	swait.ge [sflag:s29], $0x5000  }
0x1aa: {  	[sflag:s29] =	ssyncset.done $0x0  }
0x1ab: {  	s10 =	simm.s32 $0x0;
	[sflag:s29] =	ssyncadd.s32 $0xFFFFB000  }
0x1ac: {  	v0 =	vld [tilespmem:s10+$0x18E00]  }
0x1ad: {  	v5 =	vld [tilespmem:s10+$0x18E10]  }
0x1ae: {  	v4 =	vld [tilespmem:s10+$0x18E20]  }
0x1af: {  	v3 =	vld [tilespmem:s10+$0x18E30]  }
0x1b0: {  	v2 =	vld [tilespmem:s10+$0x18E40]  }
0x1b1: {  	v1 =	vld [tilespmem:s10+$0x18E50];
	v6 =	vmul.f32 v0, v0  }
0x1b2: {  	s5 =	simm.s32 $0x200;
	v5 =	vmul.f32 v5, v5;
	v0 =	vld [tilespmem:s10+$0x18E60]  }
.LBB2_27:
0x1b3: {  	p1 =	sne.s32 s5, $0x13E00;
	v6 =	vmul.f32 v6, v6;
	v4 =	vmul.f32 v4, v4;
	v7 =	vld [tilespmem:s10+$0x18E70]  }
0x1b4: {  	v5 =	vmul.f32 v5, v5;
	v3 =	vmul.f32 v3, v3  }
0x1b5: {  	s21 =	sshra.s32 s5, $0x2;
	[tilespmem:s10+$0x18E00] =	vst v6;
	v4 =	vmul.f32 v4, v4;
	v2 =	vmul.f32 v2, v2  }
0x1b6: {  	v6 =	vld [tilespmem:s21+$0x18E00];
	[tilespmem:s10+$0x18E10] =	vst v5;
	v3 =	vmul.f32 v3, v3;
	v1 =	vmul.f32 v1, v1  }
0x1b7: {  	v5 =	vld [tilespmem:s21+$0x18E10];
	[tilespmem:s10+$0x18E20] =	vst v4;
	v2 =	vmul.f32 v2, v2;
	v0 =	vmul.f32 v0, v0  }
.Ltmp19:
0x1b8: {  	v4 =	vld [tilespmem:s21+$0x18E20];
	[tilespmem:s10+$0x18E30] =	vst v3;
	v1 =	vmul.f32 v1, v1;
	v7 =	vmul.f32 v7, v7;
	(pc) =	sbr.rel @p1 .LBB2_27-.Ltmp19, $4  }
0x1b9: {  	v3 =	vld [tilespmem:s21+$0x18E30];
	[tilespmem:s10+$0x18E40] =	vst v2;
	v0 =	vmul.f32 v0, v0  }
0x1ba: {  	v2 =	vld [tilespmem:s21+$0x18E40];
	[tilespmem:s10+$0x18E50] =	vst v1;
	v7 =	vmul.f32 v7, v7  }
0x1bb: {  	v6 =	vmul.f32 v6, v6;
	v1 =	vld [tilespmem:s21+$0x18E50];
	[tilespmem:s10+$0x18E60] =	vst v0  }
0x1bc: {  	s5 =	sadd.s32 $0x200, s5;
	v5 =	vmul.f32 v5, v5;
	v0 =	vld [tilespmem:s21+$0x18E60];
	[tilespmem:s10+$0x18E70] =	vst v7;
	s10 =	smov.u32 s21  }
0x1bd: {  	v6 =	vmul.f32 v6, v6;
	v4 =	vmul.f32 v4, v4;
	v7 =	vld [tilespmem:s10+$0x18E70]  }
0x1be: {  	v5 =	vmul.f32 v5, v5;
	v3 =	vmul.f32 v3, v3  }
0x1bf: {  	[tilespmem:s10+$0x18E00] =	vst v6;
	v4 =	vmul.f32 v4, v4;
	v2 =	vmul.f32 v2, v2  }
0x1c0: {  	[tilespmem:s10+$0x18E10] =	vst v5;
	v3 =	vmul.f32 v3, v3;
	v1 =	vmul.f32 v1, v1  }
0x1c1: {  	[tilespmem:s10+$0x18E20] =	vst v4;
	v2 =	vmul.f32 v2, v2;
	v0 =	vmul.f32 v0, v0  }
0x1c2: {  	[tilespmem:s10+$0x18E30] =	vst v3;
	v1 =	vmul.f32 v1, v1;
	v62 =	vmul.f32 v7, v7  }
.Ltmp20:
0x1c3: {  	[tilespmem:s10+$0x18E40] =	vst v2;
	v0 =	vmul.f32 v0, v0;
	(pc) =	sbr.rel .LBB2_29-.Ltmp20, $4  }
0x1c4: {  	[tilespmem:s10+$0x18E50] =	vst v1;
	v63 =	vmul.f32 v62, v62  }
0x1c5: {  	[tilespmem:s10+$0x18E60] =	vst v0  }
0x1c6: {  	[tilespmem:s10+$0x18E70] =	vst v63  }
0x1c7: {  	[spmem:s3] =	stream.indirect.scatter.add.f32 [tilespmem:s31], [sflag:$0x4], $0x80, s30, s26, $0xb8;
	[tilespmem:$0x1DE00] =	vst v63  }
.LBB2_12:
0x1c8: {  	_ =	swait.ge [sflag:s28], $0x5000  }
0x1c9: {  	[sflag:s28] =	ssyncset.done $0x0  }
0x1ca: {  	[sflag:s28] =	ssyncadd.s32 $0xFFFFB000  }
0x1cb: {  	_ =	swait.ge [sflag:s0], $0x5000  }
0x1cc: {  	[sflag:s0] =	ssyncset.done $0x0  }
0x1cd: {  	[sflag:s0] =	ssyncadd.s32 $0xFFFFB000  }
0x1ce: {  	[bflag:$0x0] =	sbarrier.arrive $0xFFFF  }
0x1cf: {  	s5 =	rddreg [dreg:$0x9]  }
0x1d0: {  	[hbm:s5], [sflag:s9] =	dma.local [spmem:s13], $0x2780  }
0x1d1: {  	_ =	swait.ge [sflag:s20], $0x2780  }
0x1d2: {  	[sflag:s20] =	ssyncset.done $0x0  }
0x1d3: {  	[sflag:s20] =	ssyncadd.s32 $0xFFFFD880  }
0x1d4: {  	[spmem:s13], [sflag:s9] =	dma.local [hbm:s1], $0x2780  }
0x1d5: {  	_ =	swait.ge [sflag:s20], $0x2780  }
0x1d6: {  	[sflag:s20] =	ssyncset.done $0x0  }
0x1d7: {  	[sflag:s20] =	ssyncadd.s32 $0xFFFFD880  }
0x1d8: {  	s5 =	simm.s32 $0x0;
	[bflag:$0x0] =	sbarrier.arrive $0xFFFF  }
0x1d9: {  	[tilespmem:s22], [sflag:$0x1] =	stream.linear.gather [hbm4b:s11+s5], $0xA0, $0x38;
	[tilespmem:$0x1DE00] =	vst v63  }
0x1da: {  	_ = 	snop  }
0x1db: {  	[tilespmem:s23], [sflag:$0x1] =	stream.linear.gather [hbm4b:s15+s5], $0x5000, $0x38;
	[tilespmem:$0x1DE00] =	vst v63  }
0x1dc: {  	s10 =	rddreg [dreg:$0x11]  }
0x1dd: {  	[tilespmem:s30], [sflag:$0x2] =	stream.linear.gather [hbm4b:s10+s5], $0xA0, $0x38;
	[tilespmem:$0x1DE00] =	vst v63  }
0x1de: {  	s14 =	rddreg [dreg:$0x16]  }
0x1df: {  	[tilespmem:s31], [sflag:$0x2] =	stream.linear.gather [hbm4b:s14+s5], $0x5000, $0x38;
	[tilespmem:$0x1DE00] =	vst v63  }
0x1e0: {  	_ =	swait.ge [sflag:s25], $0xA0  }
0x1e1: {  	[sflag:s25] =	ssyncset.done $0x0  }
0x1e2: {  	[sflag:s25] =	ssyncadd.s32 $0xFFFFFF60  }
0x1e3: {  	_ =	swait.ge [sflag:s25], $0x5000  }
0x1e4: {  	[sflag:s25] =	ssyncset.done $0x0  }
0x1e5: {  	[sflag:s25] =	ssyncadd.s32 $0xFFFFB000  }
0x1e6: {  	[spmem:s3] =	stream.indirect.scatter.add.f32 [tilespmem:s23], [sflag:$0x3], $0x80, s22, s26, $0xb8;
	[tilespmem:$0x1DE00] =	vst v63  }
0x1e7: {  	_ =	swait.ge [sflag:s28], $0x5000  }
0x1e8: {  	[sflag:s28] =	ssyncset.done $0x0  }
0x1e9: {  	s21 =	rddreg [dreg:$0x18];
	[sflag:s28] =	ssyncadd.s32 $0xFFFFB000  }
0x1ea: {  	[tilespmem:s22], [sflag:$0x1] =	stream.linear.gather [hbm4b:s21+s5], $0xA0, $0x38;
	[tilespmem:$0x1DE00] =	vst v63  }
0x1eb: {  	s24 =	rddreg [dreg:$0x12]  }
0x1ec: {  	[tilespmem:s23], [sflag:$0x1] =	stream.linear.gather [hbm4b:s24+s5], $0x5000, $0x38;
	[tilespmem:$0x1DE00] =	vst v63  }
0x1ed: {  	_ =	swait.ge [sflag:s29], $0xA0  }
0x1ee: {  	[sflag:s29] =	ssyncset.done $0x0  }
0x1ef: {  	[sflag:s29] =	ssyncadd.s32 $0xFFFFFF60  }
0x1f0: {  	_ =	swait.ge [sflag:s29], $0x5000  }
0x1f1: {  	[sflag:s29] =	ssyncset.done $0x0  }
0x1f2: {  	[sflag:s29] =	ssyncadd.s32 $0xFFFFB000  }
0x1f3: {  	[spmem:s3] =	stream.indirect.scatter.add.f32 [tilespmem:s31], [sflag:$0x4], $0x80, s30, s26, $0xb8;
	[tilespmem:$0x1DE00] =	vst v63  }
0x1f4: {  	_ =	swait.ge [sflag:s0], $0x5000  }
0x1f5: {  	[sflag:s0] =	ssyncset.done $0x0  }
0x1f6: {  	s10 =	sadd.s32 $0xFFFFFD80, s17;
	s14 =	sadd.s32 $0x0, s15;
	[sflag:s0] =	ssyncadd.s32 $0xFFFFB000  }
0x1f7: {  	[tilespmem:s30], [sflag:$0x2] =	stream.linear.gather [hbm4b:s10+s4], $0xA0, $0x38;
	[tilespmem:$0x1DE00] =	vst v63  }
0x1f8: {  	s21 =	sadd.s32 $0x3C000, s14  }
0x1f9: {  	[tilespmem:s31], [sflag:$0x2] =	stream.linear.gather [hbm4b:s21+s4], $0x5000, $0x38;
	[tilespmem:$0x1DE00] =	vst v63  }
0x1fa: {  	_ =	swait.ge [sflag:s25], $0xA0  }
0x1fb: {  	[sflag:s25] =	ssyncset.done $0x0  }
0x1fc: {  	[sflag:s25] =	ssyncadd.s32 $0xFFFFFF60  }
0x1fd: {  	_ =	swait.ge [sflag:s25], $0x5000  }
0x1fe: {  	[sflag:s25] =	ssyncset.done $0x0  }
0x1ff: {  	[sflag:s25] =	ssyncadd.s32 $0xFFFFB000  }
0x200: {  	[spmem:s3] =	stream.indirect.scatter.add.f32 [tilespmem:s23], [sflag:$0x3], $0x80, s22, s26, $0xb8;
	[tilespmem:$0x1DE00] =	vst v63  }
0x201: {  	_ =	swait.ge [sflag:s28], $0x5000  }
0x202: {  	[sflag:s28] =	ssyncset.done $0x0  }
0x203: {  	[sflag:s28] =	ssyncadd.s32 $0xFFFFB000  }
0x204: {  	[tilespmem:s22], [sflag:$0x1] =	stream.linear.gather [hbm4b:s17+s4], $0xA0, $0x38;
	[tilespmem:$0x1DE00] =	vst v63  }
0x205: {  	s24 =	sadd.s32 $0x50000, s14  }
0x206: {  	[tilespmem:s23], [sflag:$0x1] =	stream.linear.gather [hbm4b:s24+s4], $0x5000, $0x38;
	[tilespmem:$0x1DE00] =	vst v63  }
0x207: {  	_ =	swait.ge [sflag:s29], $0xA0  }
0x208: {  	[sflag:s29] =	ssyncset.done $0x0  }
0x209: {  	[sflag:s29] =	ssyncadd.s32 $0xFFFFFF60  }
0x20a: {  	_ =	swait.ge [sflag:s29], $0x5000  }
0x20b: {  	[sflag:s29] =	ssyncset.done $0x0  }
0x20c: {  	s14 =	sadd.s32 $0x500, s17;
	s10 =	simm.s32 $0x28000;
	[sflag:s29] =	ssyncadd.s32 $0xFFFFB000  }
.LBB2_13:
0x20d: {  	[spmem:s3] =	stream.indirect.scatter.add.f32 [tilespmem:s31], [sflag:$0x4], $0x80, s30, s26, $0xb8;
	[tilespmem:$0x1DE00] =	vst v63  }
0x20e: {  	s5 =	smov.u32 s10  }
0x20f: {  	p1 =	seq.s32 s10, $0x488000;
	s10 =	sadd.s32 $0x28000, s10;
	_ =	swait.ge [sflag:s0], $0x5000  }
0x210: {  	[sflag:s0] =	ssyncset.done $0x0  }
0x211: {  	s21 =	sadd.s32 $0xFFFFFD80, s14;
	s5 =	sadd.s32 s5, s15;
	[sflag:s0] =	ssyncadd.s32 $0xFFFFB000  }
0x212: {  	[tilespmem:s30], [sflag:$0x2] =	stream.linear.gather [hbm4b:s21+s4], $0xA0, $0x38;
	[tilespmem:$0x1DE00] =	vst v63  }
0x213: {  	s21 =	sadd.s32 $0x3C000, s5  }
0x214: {  	[tilespmem:s31], [sflag:$0x2] =	stream.linear.gather [hbm4b:s21+s4], $0x5000, $0x38;
	[tilespmem:$0x1DE00] =	vst v63  }
0x215: {  	_ =	swait.ge [sflag:s25], $0xA0  }
0x216: {  	[sflag:s25] =	ssyncset.done $0x0  }
0x217: {  	[sflag:s25] =	ssyncadd.s32 $0xFFFFFF60  }
0x218: {  	_ =	swait.ge [sflag:s25], $0x5000  }
0x219: {  	[sflag:s25] =	ssyncset.done $0x0  }
0x21a: {  	[sflag:s25] =	ssyncadd.s32 $0xFFFFB000  }
0x21b: {  	[spmem:s3] =	stream.indirect.scatter.add.f32 [tilespmem:s23], [sflag:$0x3], $0x80, s22, s26, $0xb8;
	[tilespmem:$0x1DE00] =	vst v63  }
0x21c: {  	_ =	swait.ge [sflag:s28], $0x5000  }
0x21d: {  	[sflag:s28] =	ssyncset.done $0x0  }
0x21e: {  	[sflag:s28] =	ssyncadd.s32 $0xFFFFB000  }
0x21f: {  	[tilespmem:s22], [sflag:$0x1] =	stream.linear.gather [hbm4b:s14+s4], $0xA0, $0x38;
	[tilespmem:$0x1DE00] =	vst v63  }
0x220: {  	s5 =	sadd.s32 $0x50000, s5  }
0x221: {  	[tilespmem:s23], [sflag:$0x1] =	stream.linear.gather [hbm4b:s5+s4], $0x5000, $0x38;
	[tilespmem:$0x1DE00] =	vst v63  }
0x222: {  	_ =	swait.ge [sflag:s29], $0xA0  }
.Ltmp21:
0x223: {  	[sflag:s29] =	ssyncset.done $0x0;
	(pc) =	sbr.rel @!p1 .LBB2_13-.Ltmp21, $4  }
0x224: {  	[sflag:s29] =	ssyncadd.s32 $0xFFFFFF60  }
0x225: {  	_ =	swait.ge [sflag:s29], $0x5000  }
0x226: {  	[sflag:s29] =	ssyncset.done $0x0  }
0x227: {  	s14 =	sadd.s32 $0x500, s14;
	[sflag:s29] =	ssyncadd.s32 $0xFFFFB000  }
0x228: {  	[spmem:s3] =	stream.indirect.scatter.add.f32 [tilespmem:s31], [sflag:$0x4], $0x80, s30, s26, $0xb8;
	[tilespmem:$0x1DE00] =	vst v63  }
0x229: {  	_ =	swait.ge [sflag:s25], $0xA0  }
0x22a: {  	[sflag:s25] =	ssyncset.done $0x0  }
.Ltmp22:
0x22b: {  	[sflag:s25] =	ssyncadd.s32 $0xFFFFFF60;
	(pc) =	sbr.rel .LBB2_33-.Ltmp22, $4  }
0x22c: {  	_ =	swait.ge [sflag:s25], $0x5000  }
0x22d: {  	s10 =	simm.s32 $0x4;
	[sflag:s25] =	ssyncset.done $0x0  }
0x22e: {  	s5 =	simm.s32 $0x3;
	s14 =	rddreg [dreg:$0x5];
	[sflag:s25] =	ssyncadd.s32 $0xFFFFB000  }
0x22f: {  	[spmem:s3] =	stream.indirect.scatter.add.f32 [tilespmem:s23], [sflag:$0x3], $0x80, s22, s26, $0xb8;
	[tilespmem:$0x1DE00] =	vst v63  }
.LBB2_30:
0x230: {  	_ =	swait.ge [sflag:s28], $0x5000  }
0x231: {  	[sflag:s28] =	ssyncset.done $0x0  }
0x232: {  	[sflag:s28] =	ssyncadd.s32 $0xFFFFB000  }
0x233: {  	_ =	swait.ge [sflag:s0], $0x5000  }
0x234: {  	[sflag:s0] =	ssyncset.done $0x0  }
0x235: {  	[sflag:s0] =	ssyncadd.s32 $0xFFFFB000  }
0x236: {  	[bflag:$0x0] =	sbarrier.arrive $0xFFFF  }
0x237: {  	s5 =	rddreg [dreg:$0xb]  }
0x238: {  	[hbm:s5], [sflag:s9] =	dma.local [spmem:s13], $0x2780  }
0x239: {  	_ =	swait.ge [sflag:s20], $0x2780  }
0x23a: {  	[sflag:s20] =	ssyncset.done $0x0  }
0x23b: {  	[sflag:s20] =	ssyncadd.s32 $0xFFFFD880  }
0x23c: {  	[spmem:s13], [sflag:s9] =	dma.local [hbm:s1], $0x2780  }
0x23d: {  	_ =	swait.ge [sflag:s20], $0x2780  }
0x23e: {  	[sflag:s20] =	ssyncset.done $0x0  }
0x23f: {  	[sflag:s20] =	ssyncadd.s32 $0xFFFFD880  }
0x240: {  	[bflag:$0x0] =	sbarrier.arrive $0xFFFF  }
0x241: {  	s5 =	simm.s32 $0x0;
	s10 =	rddreg [dreg:$0xc]  }
0x242: {  	[tilespmem:s22], [sflag:$0x1] =	stream.linear.gather [hbm4b:s10+s5], $0xA0, $0x38;
	[tilespmem:$0x1DE00] =	vst v63  }
0x243: {  	s21 =	rddreg [dreg:$0xd]  }
0x244: {  	[tilespmem:s23], [sflag:$0x1] =	stream.linear.gather [hbm4b:s21+s5], $0x5000, $0x38;
	[tilespmem:$0x1DE00] =	vst v63  }
0x245: {  	s24 =	rddreg [dreg:$0x19]  }
0x246: {  	[tilespmem:s30], [sflag:$0x2] =	stream.linear.gather [hbm4b:s24+s5], $0xA0, $0x38;
	[tilespmem:$0x1DE00] =	vst v63  }
0x247: {  	s14 =	rddreg [dreg:$0x13]  }
0x248: {  	[tilespmem:s31], [sflag:$0x2] =	stream.linear.gather [hbm4b:s14+s5], $0x5000, $0x38;
	[tilespmem:$0x1DE00] =	vst v63  }
0x249: {  	_ =	swait.ge [sflag:s25], $0xA0  }
0x24a: {  	[sflag:s25] =	ssyncset.done $0x0  }
0x24b: {  	[sflag:s25] =	ssyncadd.s32 $0xFFFFFF60  }
0x24c: {  	_ =	swait.ge [sflag:s25], $0x5000  }
0x24d: {  	[sflag:s25] =	ssyncset.done $0x0  }
0x24e: {  	[sflag:s25] =	ssyncadd.s32 $0xFFFFB000  }
0x24f: {  	[spmem:s3] =	stream.indirect.scatter.add.f32 [tilespmem:s23], [sflag:$0x3], $0x80, s22, s26, $0xb8;
	[tilespmem:$0x1DE00] =	vst v63  }
0x250: {  	_ =	swait.ge [sflag:s28], $0x5000  }
0x251: {  	[sflag:s28] =	ssyncset.done $0x0  }
0x252: {  	s21 =	rddreg [dreg:$0x1a];
	[sflag:s28] =	ssyncadd.s32 $0xFFFFB000  }
0x253: {  	[tilespmem:s22], [sflag:$0x1] =	stream.linear.gather [hbm4b:s21+s5], $0xA0, $0x38;
	[tilespmem:$0x1DE00] =	vst v63  }
0x254: {  	s24 =	rddreg [dreg:$0x14]  }
0x255: {  	[tilespmem:s23], [sflag:$0x1] =	stream.linear.gather [hbm4b:s24+s5], $0x5000, $0x38;
	[tilespmem:$0x1DE00] =	vst v63  }
0x256: {  	_ =	swait.ge [sflag:s29], $0xA0  }
0x257: {  	[sflag:s29] =	ssyncset.done $0x0  }
0x258: {  	[sflag:s29] =	ssyncadd.s32 $0xFFFFFF60  }
0x259: {  	_ =	swait.ge [sflag:s29], $0x5000  }
0x25a: {  	[sflag:s29] =	ssyncset.done $0x0  }
0x25b: {  	[sflag:s29] =	ssyncadd.s32 $0xFFFFB000  }
0x25c: {  	[spmem:s3] =	stream.indirect.scatter.add.f32 [tilespmem:s31], [sflag:$0x4], $0x80, s30, s26, $0xb8;
	[tilespmem:$0x1DE00] =	vst v63  }
0x25d: {  	_ =	swait.ge [sflag:s0], $0x5000  }
0x25e: {  	s14 =	sadd.s32 $0x0, s11;
	[sflag:s0] =	ssyncset.done $0x0  }
0x25f: {  	s21 =	sadd.s32 $0x8C0, s14;
	[sflag:s0] =	ssyncadd.s32 $0xFFFFB000  }
0x260: {  	[tilespmem:s30], [sflag:$0x2] =	stream.linear.gather [hbm4b:s21+s4], $0xA0, $0x38;
	[tilespmem:$0x1DE00] =	vst v63  }
0x261: {  	_ = 	snop  }
0x262: {  	[tilespmem:s31], [sflag:$0x2] =	stream.linear.gather [hbm4b:s18+s4], $0x5000, $0x38;
	[tilespmem:$0x1DE00] =	vst v63  }
0x263: {  	_ =	swait.ge [sflag:s25], $0xA0  }
0x264: {  	[sflag:s25] =	ssyncset.done $0x0  }
0x265: {  	[sflag:s25] =	ssyncadd.s32 $0xFFFFFF60  }
0x266: {  	_ =	swait.ge [sflag:s25], $0x5000  }
0x267: {  	[sflag:s25] =	ssyncset.done $0x0  }
0x268: {  	[sflag:s25] =	ssyncadd.s32 $0xFFFFB000  }
0x269: {  	[spmem:s3] =	stream.indirect.scatter.add.f32 [tilespmem:s23], [sflag:$0x3], $0x80, s22, s26, $0xb8;
	[tilespmem:$0x1DE00] =	vst v63  }
0x26a: {  	_ =	swait.ge [sflag:s28], $0x5000  }
0x26b: {  	[sflag:s28] =	ssyncset.done $0x0  }
0x26c: {  	s5 =	sadd.s32 $0xB40, s14;
	[sflag:s28] =	ssyncadd.s32 $0xFFFFB000  }
0x26d: {  	[tilespmem:s22], [sflag:$0x1] =	stream.linear.gather [hbm4b:s5+s4], $0xA0, $0x38;
	[tilespmem:$0x1DE00] =	vst v63  }
0x26e: {  	s24 =	sadd.s32 $0x14000, s18  }
0x26f: {  	[tilespmem:s23], [sflag:$0x1] =	stream.linear.gather [hbm4b:s24+s4], $0x5000, $0x38;
	[tilespmem:$0x1DE00] =	vst v63  }
0x270: {  	_ =	swait.ge [sflag:s29], $0xA0  }
0x271: {  	[sflag:s29] =	ssyncset.done $0x0  }
0x272: {  	[sflag:s29] =	ssyncadd.s32 $0xFFFFFF60  }
0x273: {  	_ =	swait.ge [sflag:s29], $0x5000  }
0x274: {  	[sflag:s29] =	ssyncset.done $0x0  }
0x275: {  	s10 =	simm.s32 $0x500;
	s14 =	sadd.s32 $0x28000, s18;
	[sflag:s29] =	ssyncadd.s32 $0xFFFFB000  }
.LBB2_31:
0x276: {  	[spmem:s3] =	stream.indirect.scatter.add.f32 [tilespmem:s31], [sflag:$0x4], $0x80, s30, s26, $0xb8;
	[tilespmem:$0x1DE00] =	vst v63  }
0x277: {  	s5 =	smov.u32 s10  }
0x278: {  	p1 =	sne.s32 s10, $0x8C00;
	s10 =	sadd.s32 $0x500, s10;
	_ =	swait.ge [sflag:s0], $0x5000  }
0x279: {  	s5 =	sadd.s32 s5, s11;
	[sflag:s0] =	ssyncset.done $0x0  }
0x27a: {  	s21 =	sadd.s32 $0x8C0, s5;
	[sflag:s0] =	ssyncadd.s32 $0xFFFFB000  }
0x27b: {  	[tilespmem:s30], [sflag:$0x2] =	stream.linear.gather [hbm4b:s21+s4], $0xA0, $0x38;
	[tilespmem:$0x1DE00] =	vst v63  }
0x27c: {  	_ = 	snop  }
0x27d: {  	[tilespmem:s31], [sflag:$0x2] =	stream.linear.gather [hbm4b:s14+s4], $0x5000, $0x38;
	[tilespmem:$0x1DE00] =	vst v63  }
0x27e: {  	_ =	swait.ge [sflag:s25], $0xA0  }
0x27f: {  	[sflag:s25] =	ssyncset.done $0x0  }
0x280: {  	[sflag:s25] =	ssyncadd.s32 $0xFFFFFF60  }
0x281: {  	_ =	swait.ge [sflag:s25], $0x5000  }
0x282: {  	[sflag:s25] =	ssyncset.done $0x0  }
0x283: {  	[sflag:s25] =	ssyncadd.s32 $0xFFFFB000  }
0x284: {  	[spmem:s3] =	stream.indirect.scatter.add.f32 [tilespmem:s23], [sflag:$0x3], $0x80, s22, s26, $0xb8;
	[tilespmem:$0x1DE00] =	vst v63  }
0x285: {  	_ =	swait.ge [sflag:s28], $0x5000  }
0x286: {  	[sflag:s28] =	ssyncset.done $0x0  }
0x287: {  	s5 =	sadd.s32 $0xB40, s5;
	[sflag:s28] =	ssyncadd.s32 $0xFFFFB000  }
0x288: {  	[tilespmem:s22], [sflag:$0x1] =	stream.linear.gather [hbm4b:s5+s4], $0xA0, $0x38;
	[tilespmem:$0x1DE00] =	vst v63  }
0x289: {  	s5 =	sadd.s32 $0x14000, s14  }
0x28a: {  	[tilespmem:s23], [sflag:$0x1] =	stream.linear.gather [hbm4b:s5+s4], $0x5000, $0x38;
	[tilespmem:$0x1DE00] =	vst v63  }
0x28b: {  	_ =	swait.ge [sflag:s29], $0xA0  }
.Ltmp23:
0x28c: {  	[sflag:s29] =	ssyncset.done $0x0;
	(pc) =	sbr.rel @p1 .LBB2_31-.Ltmp23, $4  }
0x28d: {  	[sflag:s29] =	ssyncadd.s32 $0xFFFFFF60  }
0x28e: {  	_ =	swait.ge [sflag:s29], $0x5000  }
0x28f: {  	[sflag:s29] =	ssyncset.done $0x0  }
0x290: {  	s14 =	sadd.s32 $0x28000, s14;
	[sflag:s29] =	ssyncadd.s32 $0xFFFFB000  }
0x291: {  	[spmem:s3] =	stream.indirect.scatter.add.f32 [tilespmem:s31], [sflag:$0x4], $0x80, s30, s26, $0xb8;
	[tilespmem:$0x1DE00] =	vst v63  }
0x292: {  	s5 =	simm.s32 $0x4  }
0x293: {  	_ =	swait.ge [sflag:s5], $0x5000  }
0x294: {  	[sflag:s5] =	ssyncset.done $0x0  }
0x295: {  	s10 =	rddreg [dreg:$0x1b];
	[sflag:s5] =	ssyncadd.s32 $0xFFFFB000  }
0x296: {  	[tilespmem:s30], [sflag:$0x2] =	stream.linear.gather [hbm4b:s10+s4], $0xA0, $0x38;
	[tilespmem:$0x1DE00] =	vst v63  }
0x297: {  	s24 =	rddreg [dreg:$0x15]  }
0x298: {  	[tilespmem:s31], [sflag:$0x2] =	stream.linear.gather [hbm4b:s24+s4], $0x5000, $0x38;
	[tilespmem:$0x1DE00] =	vst v63  }
0x299: {  	_ =	swait.ge [sflag:s25], $0xA0  }
0x29a: {  	[sflag:s25] =	ssyncset.done $0x0  }
0x29b: {  	[sflag:s25] =	ssyncadd.s32 $0xFFFFFF60  }
0x29c: {  	_ =	swait.ge [sflag:s25], $0x5000  }
0x29d: {  	[sflag:s25] =	ssyncset.done $0x0  }
0x29e: {  	[sflag:s25] =	ssyncadd.s32 $0xFFFFB000  }
0x29f: {  	[spmem:s3] =	stream.indirect.scatter.add.f32 [tilespmem:s23], [sflag:$0x3], $0x80, s22, s26, $0xb8;
	[tilespmem:$0x1DE00] =	vst v63  }
0x2a0: {  	_ =	swait.ge [sflag:s29], $0xA0  }
0x2a1: {  	[sflag:s29] =	ssyncset.done $0x0  }
.Ltmp24:
0x2a2: {  	[sflag:s29] =	ssyncadd.s32 $0xFFFFFF60;
	(pc) =	sbr.rel .LBB2_33-.Ltmp24, $4  }
0x2a3: {  	_ =	swait.ge [sflag:s29], $0x5000  }
0x2a4: {  	[sflag:s29] =	ssyncset.done $0x0  }
0x2a5: {  	s10 =	simm.s32 $0x3;
	s14 =	rddreg [dreg:$0x6];
	[sflag:s29] =	ssyncadd.s32 $0xFFFFB000  }
0x2a6: {  	[spmem:s3] =	stream.indirect.scatter.add.f32 [tilespmem:s31], [sflag:$0x4], $0x80, s30, s26, $0xb8;
	[tilespmem:$0x1DE00] =	vst v63  }
.LBB2_34:
0x2a7: {  	_ =	sfence.sel $0x180000  }
0x2a8: {  	[bflag:$0x0] =	sbarrier.arrive $0xFFFF  }
0x2a9: {  	_ =	strace $0x9000004A  }
0x2aa: {  	[bflag:$0x2] =	sbarrier.arrive $0xFFFF  }
0x2ab: {  	p0 =	sne.s32 s2, $0x0;
	s0 =	rddreg [dreg:$0x3]  }
0x2ac: {  	s0 =	sadd.s32 @!p0 $0x100000, s0  }
0x2ad: {  	[sflag:s0] =	ssyncadd.tile.s32 @!p0 $0x1;
	_ =	shalt  }
.Lfunc_end2:
_tile_overlayer_lowered:
.L_overlay_start_2:
0x2ae: {  	(tag) =	ssettag $0x2  }
0x2af: {  	s0 =	rddreg [dreg:$0x0];
	s2 =	stileid.u32  }
0x2b0: {  	s1 =	rddreg [dreg:$0x1];
	p0 =	sne.s32 s2, $0x0  }
0x2b1: {  	s3 =	rddreg [dreg:$0x2];
	[bflag:$0x3] =	sbarrier.arrive $0xFFFF;
	s2 =	simm.s32 @!p0 $0x1C05  }
0x2b2: {  	[timem:s3], [sflag:s2] =	dma.local @!p0 [hbm:s0], s1  }
0x2b3: {  	s0 =	simm.s32 @!p0 $0x5  }
0x2b4: {  	_ =	swait.ge @!p0 [sflag:s0], s1  }
0x2b5: {  	s1 =	ssub.s32 @!p0 $0x0, s1;
	[sflag:s0] =	ssyncset.done @!p0 $0x0  }
0x2b6: {  	[sflag:s0] =	ssyncadd.s32 @!p0 s1  }
0x2b7: {  	[bflag:$0x3] =	sbarrier.arrive $0xFFFF  }
0x2b8: {  	_ =	shalt  }

</sc_bundles>
